<compile_context>
chip_gen: v7x
topology: tpu7x:2x2x1
jax: 0.10.2.dev20260603
libtpu: 0.0.44.dev20260713+nightly
codegen_flags: <defaults>
</compile_context>

<pallas_src>
import functools

import jax
import jax.numpy as jnp
from jax import lax
from jax.experimental import pallas as pl
from jax.experimental.pallas import tpu as pltpu
from jax.experimental.pallas import tpu_sc as plsc

NBINS = 256
NPIX = 512 * 512
CHUNK = 32768
NCHUNKS = NPIX // CHUNK
VECS = CHUNK // 16
UNROLL = 16
NCORES = 2
NSUBCORES = 16


def _hist_body(x_hbm, hist_hbm, buf0, buf1, hist, outv, sem0, sem1):
    wid = lax.axis_index("s") * NCORES + lax.axis_index("c")
    lane = lax.iota(jnp.int32, 16)
    ones = jnp.ones((16,), jnp.float32)

    def zero_body(b, carry):
        hist[b, :] = jnp.zeros((16,), jnp.float32)
        return carry

    lax.fori_loop(0, NBINS, zero_body, 0)

    bufs = (buf0, buf1)
    sems = (sem0, sem1)

    def chunk_src(c):
        return x_hbm.at[wid, pl.ds(c * CHUNK, CHUNK)]

    pltpu.async_copy(chunk_src(0), bufs[0], sems[0])

    for c in range(NCHUNKS):
        buf = bufs[c % 2]
        sem = sems[c % 2]
        if c + 1 < NCHUNKS:
            pltpu.async_copy(chunk_src(c + 1), bufs[(c + 1) % 2], sems[(c + 1) % 2])
        pltpu.make_async_copy(chunk_src(c), buf, sem).wait()

        def scat_body(i, carry):
            base = i * (16 * UNROLL)
            for u in range(UNROLL):
                v = buf[pl.ds(base + u * 16, 16)]
                idx = v.astype(jnp.int32)
                plsc.addupdate_scatter(hist, [idx, lane], ones)
            return carry

        lax.fori_loop(0, VECS // UNROLL, scat_body, 0)

    def red_body(g, carry):
        acc = jnp.zeros((16,), jnp.float32)
        for r in range(16):
            s = jnp.sum(hist[g * 16 + r, :])
            acc = jnp.where(lane == r, s, acc)
        outv[pl.ds(g * 16, 16)] = acc
        return carry

    lax.fori_loop(0, 16, red_body, 0)

    pltpu.sync_copy(outv, hist_hbm.at[wid])


_hist_kernel = functools.partial(
    pl.kernel,
    out_type=jax.ShapeDtypeStruct((32, NBINS), jnp.float32),
    mesh=plsc.VectorSubcoreMesh(
        core_axis_name="c", subcore_axis_name="s",
        num_cores=NCORES, num_subcores=NSUBCORES,
    ),
    scratch_types=[
        pltpu.VMEM((CHUNK,), jnp.float32),
        pltpu.VMEM((CHUNK,), jnp.float32),
        pltpu.VMEM((NBINS, 16), jnp.float32),
        pltpu.VMEM((NBINS,), jnp.float32),
        pltpu.SemaphoreType.DMA,
        pltpu.SemaphoreType.DMA,
    ],
    compiler_params=pltpu.CompilerParams(needs_layout_passes=False),
)(_hist_body)


def _entropy_body(h_ref, o_ref):
    h = h_ref[...]
    p = h / jnp.sum(h, axis=1, keepdims=True)
    o_ref[...] = -jnp.sum(p * jnp.log2(p + 1e-8), axis=1, keepdims=True)


def kernel(x):
    B = x.shape[0]
    xf = x.reshape(B, NPIX)
    hist = _hist_kernel(xf)
    score = pl.pallas_call(
        _entropy_body,
        out_shape=jax.ShapeDtypeStruct((B, 1), jnp.float32),
    )(hist)
    return score[:, 0]

# --- scband reference (transcript-rebuilt; emitter-appended) ---
"""Pipeline reference for scband-entropy-43508018708562 (READ-ONLY COPY).

The authoritative reference and input builder live on the scoring server;
editing this copy changes nothing except your own understanding.
"""

import jax, jax.numpy as jnp
import numpy as np


def setup_inputs(seed: int = 0) -> dict:
    key = jax.random.key(seed)
    x = jax.random.randint(key, (32, 1, 512, 512), 0, 256).astype(jnp.float32)
    return {"x": x}


def reference(x):
    # entropy(x, data_range=255.0, eps=1e-8): C==1 so no to_y_channel.
    B = x.shape[0]
    num_classes = 256  # int(data_range + 1)
    eps = 1e-8
    idx = x.astype(jnp.int32).reshape(B, -1)
    batch_idx = jnp.broadcast_to(jnp.arange(B, dtype=jnp.int32)[:, None], idx.shape)
    # one_hot(...).sum(dim=[1,2,3]) == per-batch histogram via scatter-add
    hist = jnp.zeros((B, num_classes), dtype=jnp.float32).at[
        batch_idx.reshape(-1), idx.reshape(-1)
    ].add(1.0)
    hist = hist / jnp.sum(hist, axis=1, keepdims=True)
    score = -jnp.sum(hist * jnp.log2(hist + eps), axis=1)
    return score

if __name__ == "__main__":
    import jax
    _d = setup_inputs()
    print(jax.jit(kernel)(*tuple(_d.values())))

</pallas_src>

<mosaic_0001>
#map = affine_map<(d0, d1) -> (0, 0)>
module attributes {stable_mosaic.version = 14 : i64} {
  func.func @_hist_body(%arg0: i32, %arg1: i32, %arg2: memref<32x262144xf32, #tpu.memory_space<hbm>>, %arg3: memref<32x256xf32, #tpu.memory_space<hbm>>, %arg4: memref<32768xf32, #tpu.memory_space<vmem>>, %arg5: memref<32768xf32, #tpu.memory_space<vmem>>, %arg6: memref<256x16xf32, #tpu.memory_space<vmem>>, %arg7: memref<256xf32, #tpu.memory_space<vmem>>, %arg8: memref<!tpu.dma_semaphore, #tpu.memory_space<semaphore_mem>>, %arg9: memref<!tpu.dma_semaphore, #tpu.memory_space<semaphore_mem>>) attributes {dimension_semantics = [#tpu.dimension_semantics<core_parallel>, #tpu.dimension_semantics<subcore_parallel>], iteration_bounds = array<i64: 2, 16>, scalar_prefetch = 0 : i64, scratch_operands = 6 : i64, tpu.core_type = #tpu.core_type<sc_vector_subcore>, window_params = [{transform_indices = #map}, {transform_indices = #map}]} {
    %mul3A = arith.constant 2 : i32
    %mul3A_0 = arith.muli %arg1, %mul3A : i32
    %add3A = arith.addi %mul3A_0, %arg0 : i32
    %iota3A = tpu.iota {dimensions = array<i32: 0>} : vector<16xi32>
    %broadcast_in_dim3A = arith.constant 1.000000e+00 : f32
    %broadcast_in_dim3A_1 = vector.broadcast %broadcast_in_dim3A : f32 to vector<16xf32>
    %scan3A = arith.constant 0 : i32
    %scan3A_2 = arith.constant 0 : i32
    %scan3A_3 = arith.constant 256 : i32
    %scan3A_4 = arith.addi %scan3A_2, %scan3A_3 : i32
    %scan3A_5 = arith.constant 1 : i32
    scf.for %scan3A_155 = %scan3A_2 to %scan3A_4 step %scan3A_5  : i32 {
      %broadcast_in_dim3A_156 = arith.constant 0.000000e+00 : f32
      %broadcast_in_dim3A_157 = vector.broadcast %broadcast_in_dim3A_156 : f32 to vector<16xf32>
      %swap3A = arith.index_cast %scan3A_155 : i32 to index
      %swap3A_158 = arith.constant 0 : index
      %swap3A_159 = tpu.vector_load %arg6[%swap3A, %swap3A_158] {strides = array<i32>} : memref<256x16xf32, #tpu.memory_space<vmem>>, vector<16xf32>,
      tpu.vector_store %arg6[%swap3A, %swap3A_158], %broadcast_in_dim3A_157 {strides = array<i32>} : memref<256x16xf32, #tpu.memory_space<vmem>>, vector<16xf32>,
    }
    %scan3A_6 = arith.constant 256 : i32
    %dma_start3A = arith.constant 0 : i32
    %dma_start3A_7 = tpu.memref_slice %arg2[%add3A, %dma_start3A] : memref<32x262144xf32, #tpu.memory_space<hbm>> -> memref<1x32768xf32, #tpu.memory_space<hbm>>
    %dma_start3A_8 = tpu.memref_squeeze %dma_start3A_7 : memref<1x32768xf32, #tpu.memory_space<hbm>> -> memref<32768xf32, #tpu.memory_space<hbm>>
    %dma_start3A_9 = arith.constant 0 : i32
    %dma_start3A_10 = tpu.memref_slice %arg2[%add3A, %dma_start3A_9] : memref<32x262144xf32, #tpu.memory_space<hbm>> -> memref<1x32768xf32, #tpu.memory_space<hbm>>
    %dma_start3A_11 = tpu.memref_squeeze %dma_start3A_10 : memref<1x32768xf32, #tpu.memory_space<hbm>> -> memref<32768xf32, #tpu.memory_space<hbm>>
    tpu.enqueue_dma source(%dma_start3A_11 : memref<32768xf32, #tpu.memory_space<hbm>>) target(%arg4 : memref<32768xf32, #tpu.memory_space<vmem>>) target_semaphore(%arg8 : memref<!tpu.dma_semaphore, #tpu.memory_space<semaphore_mem>>)
    %dma_start3A_12 = arith.constant 32768 : i32
    %dma_start3A_13 = tpu.memref_slice %arg2[%add3A, %dma_start3A_12] : memref<32x262144xf32, #tpu.memory_space<hbm>> -> memref<1x32768xf32, #tpu.memory_space<hbm>>
    %dma_start3A_14 = tpu.memref_squeeze %dma_start3A_13 : memref<1x32768xf32, #tpu.memory_space<hbm>> -> memref<32768xf32, #tpu.memory_space<hbm>>
    %dma_start3A_15 = arith.constant 32768 : i32
    %dma_start3A_16 = tpu.memref_slice %arg2[%add3A, %dma_start3A_15] : memref<32x262144xf32, #tpu.memory_space<hbm>> -> memref<1x32768xf32, #tpu.memory_space<hbm>>
    %dma_start3A_17 = tpu.memref_squeeze %dma_start3A_16 : memref<1x32768xf32, #tpu.memory_space<hbm>> -> memref<32768xf32, #tpu.memory_space<hbm>>
    tpu.enqueue_dma source(%dma_start3A_17 : memref<32768xf32, #tpu.memory_space<hbm>>) target(%arg5 : memref<32768xf32, #tpu.memory_space<vmem>>) target_semaphore(%arg9 : memref<!tpu.dma_semaphore, #tpu.memory_space<semaphore_mem>>)
    %dma_wait3A = arith.constant 0 : i32
    %dma_wait3A_18 = tpu.memref_slice %arg2[%add3A, %dma_wait3A] : memref<32x262144xf32, #tpu.memory_space<hbm>> -> memref<1x32768xf32, #tpu.memory_space<hbm>>
    %dma_wait3A_19 = tpu.memref_squeeze %dma_wait3A_18 : memref<1x32768xf32, #tpu.memory_space<hbm>> -> memref<32768xf32, #tpu.memory_space<hbm>>
    %dma_wait3A_20 = arith.constant 0 : i32
    %dma_wait3A_21 = tpu.memref_slice %arg2[%add3A, %dma_wait3A_20] : memref<32x262144xf32, #tpu.memory_space<hbm>> -> memref<1x32768xf32, #tpu.memory_space<hbm>>
    %dma_wait3A_22 = tpu.memref_squeeze %dma_wait3A_21 : memref<1x32768xf32, #tpu.memory_space<hbm>> -> memref<32768xf32, #tpu.memory_space<hbm>>
    tpu.wait_dma2 semaphore(%arg8 : memref<!tpu.dma_semaphore, #tpu.memory_space<semaphore_mem>>) src(%dma_wait3A_22 : memref<32768xf32, #tpu.memory_space<hbm>>) dst(%arg4 : memref<32768xf32, #tpu.memory_space<vmem>>)
    %scan3A_23 = arith.constant 0 : i32
    %scan3A_24 = arith.constant 0 : i32
    %scan3A_25 = arith.constant 128 : i32
    %scan3A_26 = arith.addi %scan3A_24, %scan3A_25 : i32
    %scan3A_27 = arith.constant 1 : i32
    scf.for %scan3A_155 = %scan3A_24 to %scan3A_26 step %scan3A_27  : i32 {
      %mul3A_156 = arith.constant 256 : i32
      %mul3A_157 = arith.muli %scan3A_155, %mul3A_156 : i32
      %add3A_158 = arith.constant 0 : i32
      %add3A_159 = arith.addi %mul3A_157, %add3A_158 : i32
      %get3A = arith.index_cast %add3A_159 : i32 to index
      %get3A_160 = tpu.vector_load %arg4[%get3A] {strides = array<i32>} : memref<32768xf32, #tpu.memory_space<vmem>>, vector<16xf32>,
      %convert_element_type3A = arith.fptosi %get3A_160 : vector<16xf32> to vector<16xi32>
      tpu.vector_store_idx %arg6[%convert_element_type3A, %iota3A], %broadcast_in_dim3A_1 {add = true} : memref<256x16xf32, #tpu.memory_space<vmem>>[vector<16xi32>, vector<16xi32>], vector<16xf32>,
      %add3A_161 = arith.constant 16 : i32
      %add3A_162 = arith.addi %mul3A_157, %add3A_161 : i32
      %get3A_163 = arith.index_cast %add3A_162 : i32 to index
      %get3A_164 = tpu.vector_load %arg4[%get3A_163] {strides = array<i32>} : memref<32768xf32, #tpu.memory_space<vmem>>, vector<16xf32>,
      %convert_element_type3A_165 = arith.fptosi %get3A_164 : vector<16xf32> to vector<16xi32>
      tpu.vector_store_idx %arg6[%convert_element_type3A_165, %iota3A], %broadcast_in_dim3A_1 {add = true} : memref<256x16xf32, #tpu.memory_space<vmem>>[vector<16xi32>, vector<16xi32>], vector<16xf32>,
      %add3A_166 = arith.constant 32 : i32
      %add3A_167 = arith.addi %mul3A_157, %add3A_166 : i32
      %get3A_168 = arith.index_cast %add3A_167 : i32 to index
      %get3A_169 = tpu.vector_load %arg4[%get3A_168] {strides = array<i32>} : memref<32768xf32, #tpu.memory_space<vmem>>, vector<16xf32>,
      %convert_element_type3A_170 = arith.fptosi %get3A_169 : vector<16xf32> to vector<16xi32>
      tpu.vector_store_idx %arg6[%convert_element_type3A_170, %iota3A], %broadcast_in_dim3A_1 {add = true} : memref<256x16xf32, #tpu.memory_space<vmem>>[vector<16xi32>, vector<16xi32>], vector<16xf32>,
      %add3A_171 = arith.constant 48 : i32
      %add3A_172 = arith.addi %mul3A_157, %add3A_171 : i32
      %get3A_173 = arith.index_cast %add3A_172 : i32 to index
      %get3A_174 = tpu.vector_load %arg4[%get3A_173] {strides = array<i32>} : memref<32768xf32, #tpu.memory_space<vmem>>, vector<16xf32>,
      %convert_element_type3A_175 = arith.fptosi %get3A_174 : vector<16xf32> to vector<16xi32>
      tpu.vector_store_idx %arg6[%convert_element_type3A_175, %iota3A], %broadcast_in_dim3A_1 {add = true} : memref<256x16xf32, #tpu.memory_space<vmem>>[vector<16xi32>, vector<16xi32>], vector<16xf32>,
      %add3A_176 = arith.constant 64 : i32
      %add3A_177 = arith.addi %mul3A_157, %add3A_176 : i32
      %get3A_178 = arith.index_cast %add3A_177 : i32 to index
      %get3A_179 = tpu.vector_load %arg4[%get3A_178] {strides = array<i32>} : memref<32768xf32, #tpu.memory_space<vmem>>, vector<16xf32>,
      %convert_element_type3A_180 = arith.fptosi %get3A_179 : vector<16xf32> to vector<16xi32>
      tpu.vector_store_idx %arg6[%convert_element_type3A_180, %iota3A], %broadcast_in_dim3A_1 {add = true} : memref<256x16xf32, #tpu.memory_space<vmem>>[vector<16xi32>, vector<16xi32>], vector<16xf32>,
      %add3A_181 = arith.constant 80 : i32
      %add3A_182 = arith.addi %mul3A_157, %add3A_181 : i32
      %get3A_183 = arith.index_cast %add3A_182 : i32 to index
      %get3A_184 = tpu.vector_load %arg4[%get3A_183] {strides = array<i32>} : memref<32768xf32, #tpu.memory_space<vmem>>, vector<16xf32>,
      %convert_element_type3A_185 = arith.fptosi %get3A_184 : vector<16xf32> to vector<16xi32>
      tpu.vector_store_idx %arg6[%convert_element_type3A_185, %iota3A], %broadcast_in_dim3A_1 {add = true} : memref<256x16xf32, #tpu.memory_space<vmem>>[vector<16xi32>, vector<16xi32>], vector<16xf32>,
      %add3A_186 = arith.constant 96 : i32
      %add3A_187 = arith.addi %mul3A_157, %add3A_186 : i32
      %get3A_188 = arith.index_cast %add3A_187 : i32 to index
      %get3A_189 = tpu.vector_load %arg4[%get3A_188] {strides = array<i32>} : memref<32768xf32, #tpu.memory_space<vmem>>, vector<16xf32>,
      %convert_element_type3A_190 = arith.fptosi %get3A_189 : vector<16xf32> to vector<16xi32>
      tpu.vector_store_idx %arg6[%convert_element_type3A_190, %iota3A], %broadcast_in_dim3A_1 {add = true} : memref<256x16xf32, #tpu.memory_space<vmem>>[vector<16xi32>, vector<16xi32>], vector<16xf32>,
      %add3A_191 = arith.constant 112 : i32
      %add3A_192 = arith.addi %mul3A_157, %add3A_191 : i32
      %get3A_193 = arith.index_cast %add3A_192 : i32 to index
      %get3A_194 = tpu.vector_load %arg4[%get3A_193] {strides = array<i32>} : memref<32768xf32, #tpu.memory_space<vmem>>, vector<16xf32>,
      %convert_element_type3A_195 = arith.fptosi %get3A_194 : vector<16xf32> to vector<16xi32>
      tpu.vector_store_idx %arg6[%convert_element_type3A_195, %iota3A], %broadcast_in_dim3A_1 {add = true} : memref<256x16xf32, #tpu.memory_space<vmem>>[vector<16xi32>, vector<16xi32>], vector<16xf32>,
      %add3A_196 = arith.constant 128 : i32
      %add3A_197 = arith.addi %mul3A_157, %add3A_196 : i32
      %get3A_198 = arith.index_cast %add3A_197 : i32 to index
      %get3A_199 = tpu.vector_load %arg4[%get3A_198] {strides = array<i32>} : memref<32768xf32, #tpu.memory_space<vmem>>, vector<16xf32>,
      %convert_element_type3A_200 = arith.fptosi %get3A_199 : vector<16xf32> to vector<16xi32>
      tpu.vector_store_idx %arg6[%convert_element_type3A_200, %iota3A], %broadcast_in_dim3A_1 {add = true} : memref<256x16xf32, #tpu.memory_space<vmem>>[vector<16xi32>, vector<16xi32>], vector<16xf32>,
      %add3A_201 = arith.constant 144 : i32
      %add3A_202 = arith.addi %mul3A_157, %add3A_201 : i32
      %get3A_203 = arith.index_cast %add3A_202 : i32 to index
      %get3A_204 = tpu.vector_load %arg4[%get3A_203] {strides = array<i32>} : memref<32768xf32, #tpu.memory_space<vmem>>, vector<16xf32>,
      %convert_element_type3A_205 = arith.fptosi %get3A_204 : vector<16xf32> to vector<16xi32>
      tpu.vector_store_idx %arg6[%convert_element_type3A_205, %iota3A], %broadcast_in_dim3A_1 {add = true} : memref<256x16xf32, #tpu.memory_space<vmem>>[vector<16xi32>, vector<16xi32>], vector<16xf32>,
      %add3A_206 = arith.constant 160 : i32
      %add3A_207 = arith.addi %mul3A_157, %add3A_206 : i32
      %get3A_208 = arith.index_cast %add3A_207 : i32 to index
      %get3A_209 = tpu.vector_load %arg4[%get3A_208] {strides = array<i32>} : memref<32768xf32, #tpu.memory_space<vmem>>, vector<16xf32>,
      %convert_element_type3A_210 = arith.fptosi %get3A_209 : vector<16xf32> to vector<16xi32>
      tpu.vector_store_idx %arg6[%convert_element_type3A_210, %iota3A], %broadcast_in_dim3A_1 {add = true} : memref<256x16xf32, #tpu.memory_space<vmem>>[vector<16xi32>, vector<16xi32>], vector<16xf32>,
      %add3A_211 = arith.constant 176 : i32
      %add3A_212 = arith.addi %mul3A_157, %add3A_211 : i32
      %get3A_213 = arith.index_cast %add3A_212 : i32 to index
      %get3A_214 = tpu.vector_load %arg4[%get3A_213] {strides = array<i32>} : memref<32768xf32, #tpu.memory_space<vmem>>, vector<16xf32>,
      %convert_element_type3A_215 = arith.fptosi %get3A_214 : vector<16xf32> to vector<16xi32>
      tpu.vector_store_idx %arg6[%convert_element_type3A_215, %iota3A], %broadcast_in_dim3A_1 {add = true} : memref<256x16xf32, #tpu.memory_space<vmem>>[vector<16xi32>, vector<16xi32>], vector<16xf32>,
      %add3A_216 = arith.constant 192 : i32
      %add3A_217 = arith.addi %mul3A_157, %add3A_216 : i32
      %get3A_218 = arith.index_cast %add3A_217 : i32 to index
      %get3A_219 = tpu.vector_load %arg4[%get3A_218] {strides = array<i32>} : memref<32768xf32, #tpu.memory_space<vmem>>, vector<16xf32>,
      %convert_element_type3A_220 = arith.fptosi %get3A_219 : vector<16xf32> to vector<16xi32>
      tpu.vector_store_idx %arg6[%convert_element_type3A_220, %iota3A], %broadcast_in_dim3A_1 {add = true} : memref<256x16xf32, #tpu.memory_space<vmem>>[vector<16xi32>, vector<16xi32>], vector<16xf32>,
      %add3A_221 = arith.constant 208 : i32
      %add3A_222 = arith.addi %mul3A_157, %add3A_221 : i32
      %get3A_223 = arith.index_cast %add3A_222 : i32 to index
      %get3A_224 = tpu.vector_load %arg4[%get3A_223] {strides = array<i32>} : memref<32768xf32, #tpu.memory_space<vmem>>, vector<16xf32>,
      %convert_element_type3A_225 = arith.fptosi %get3A_224 : vector<16xf32> to vector<16xi32>
      tpu.vector_store_idx %arg6[%convert_element_type3A_225, %iota3A], %broadcast_in_dim3A_1 {add = true} : memref<256x16xf32, #tpu.memory_space<vmem>>[vector<16xi32>, vector<16xi32>], vector<16xf32>,
      %add3A_226 = arith.constant 224 : i32
      %add3A_227 = arith.addi %mul3A_157, %add3A_226 : i32
      %get3A_228 = arith.index_cast %add3A_227 : i32 to index
      %get3A_229 = tpu.vector_load %arg4[%get3A_228] {strides = array<i32>} : memref<32768xf32, #tpu.memory_space<vmem>>, vector<16xf32>,
      %convert_element_type3A_230 = arith.fptosi %get3A_229 : vector<16xf32> to vector<16xi32>
      tpu.vector_store_idx %arg6[%convert_element_type3A_230, %iota3A], %broadcast_in_dim3A_1 {add = true} : memref<256x16xf32, #tpu.memory_space<vmem>>[vector<16xi32>, vector<16xi32>], vector<16xf32>,
      %add3A_231 = arith.constant 240 : i32
      %add3A_232 = arith.addi %mul3A_157, %add3A_231 : i32
      %get3A_233 = arith.index_cast %add3A_232 : i32 to index
      %get3A_234 = tpu.vector_load %arg4[%get3A_233] {strides = array<i32>} : memref<32768xf32, #tpu.memory_space<vmem>>, vector<16xf32>,
      %convert_element_type3A_235 = arith.fptosi %get3A_234 : vector<16xf32> to vector<16xi32>
      tpu.vector_store_idx %arg6[%convert_element_type3A_235, %iota3A], %broadcast_in_dim3A_1 {add = true} : memref<256x16xf32, #tpu.memory_space<vmem>>[vector<16xi32>, vector<16xi32>], vector<16xf32>,
    }
    %scan3A_28 = arith.constant 128 : i32
    %dma_start3A_29 = arith.constant 65536 : i32
    %dma_start3A_30 = tpu.memref_slice %arg2[%add3A, %dma_start3A_29] : memref<32x262144xf32, #tpu.memory_space<hbm>> -> memref<1x32768xf32, #tpu.memory_space<hbm>>
    %dma_start3A_31 = tpu.memref_squeeze %dma_start3A_30 : memref<1x32768xf32, #tpu.memory_space<hbm>> -> memref<32768xf32, #tpu.memory_space<hbm>>
    %dma_start3A_32 = arith.constant 65536 : i32
    %dma_start3A_33 = tpu.memref_slice %arg2[%add3A, %dma_start3A_32] : memref<32x262144xf32, #tpu.memory_space<hbm>> -> memref<1x32768xf32, #tpu.memory_space<hbm>>
    %dma_start3A_34 = tpu.memref_squeeze %dma_start3A_33 : memref<1x32768xf32, #tpu.memory_space<hbm>> -> memref<32768xf32, #tpu.memory_space<hbm>>
    tpu.enqueue_dma source(%dma_start3A_34 : memref<32768xf32, #tpu.memory_space<hbm>>) target(%arg4 : memref<32768xf32, #tpu.memory_space<vmem>>) target_semaphore(%arg8 : memref<!tpu.dma_semaphore, #tpu.memory_space<semaphore_mem>>)
    %dma_wait3A_35 = arith.constant 32768 : i32
    %dma_wait3A_36 = tpu.memref_slice %arg2[%add3A, %dma_wait3A_35] : memref<32x262144xf32, #tpu.memory_space<hbm>> -> memref<1x32768xf32, #tpu.memory_space<hbm>>
    %dma_wait3A_37 = tpu.memref_squeeze %dma_wait3A_36 : memref<1x32768xf32, #tpu.memory_space<hbm>> -> memref<32768xf32, #tpu.memory_space<hbm>>
    %dma_wait3A_38 = arith.constant 32768 : i32
    %dma_wait3A_39 = tpu.memref_slice %arg2[%add3A, %dma_wait3A_38] : memref<32x262144xf32, #tpu.memory_space<hbm>> -> memref<1x32768xf32, #tpu.memory_space<hbm>>
    %dma_wait3A_40 = tpu.memref_squeeze %dma_wait3A_39 : memref<1x32768xf32, #tpu.memory_space<hbm>> -> memref<32768xf32, #tpu.memory_space<hbm>>
    tpu.wait_dma2 semaphore(%arg9 : memref<!tpu.dma_semaphore, #tpu.memory_space<semaphore_mem>>) src(%dma_wait3A_40 : memref<32768xf32, #tpu.memory_space<hbm>>) dst(%arg5 : memref<32768xf32, #tpu.memory_space<vmem>>)
    %scan3A_41 = arith.constant 0 : i32
    %scan3A_42 = arith.constant 0 : i32
    %scan3A_43 = arith.constant 128 : i32
    %scan3A_44 = arith.addi %scan3A_42, %scan3A_43 : i32
    %scan3A_45 = arith.constant 1 : i32
    scf.for %scan3A_155 = %scan3A_42 to %scan3A_44 step %scan3A_45  : i32 {
      %mul3A_156 = arith.constant 256 : i32
      %mul3A_157 = arith.muli %scan3A_155, %mul3A_156 : i32
      %add3A_158 = arith.constant 0 : i32
      %add3A_159 = arith.addi %mul3A_157, %add3A_158 : i32
      %get3A = arith.index_cast %add3A_159 : i32 to index
      %get3A_160 = tpu.vector_load %arg5[%get3A] {strides = array<i32>} : memref<32768xf32, #tpu.memory_space<vmem>>, vector<16xf32>,
      %convert_element_type3A = arith.fptosi %get3A_160 : vector<16xf32> to vector<16xi32>
      tpu.vector_store_idx %arg6[%convert_element_type3A, %iota3A], %broadcast_in_dim3A_1 {add = true} : memref<256x16xf32, #tpu.memory_space<vmem>>[vector<16xi32>, vector<16xi32>], vector<16xf32>,
      %add3A_161 = arith.constant 16 : i32
      %add3A_162 = arith.addi %mul3A_157, %add3A_161 : i32
      %get3A_163 = arith.index_cast %add3A_162 : i32 to index
      %get3A_164 = tpu.vector_load %arg5[%get3A_163] {strides = array<i32>} : memref<32768xf32, #tpu.memory_space<vmem>>, vector<16xf32>,
      %convert_element_type3A_165 = arith.fptosi %get3A_164 : vector<16xf32> to vector<16xi32>
      tpu.vector_store_idx %arg6[%convert_element_type3A_165, %iota3A], %broadcast_in_dim3A_1 {add = true} : memref<256x16xf32, #tpu.memory_space<vmem>>[vector<16xi32>, vector<16xi32>], vector<16xf32>,
      %add3A_166 = arith.constant 32 : i32
      %add3A_167 = arith.addi %mul3A_157, %add3A_166 : i32
      %get3A_168 = arith.index_cast %add3A_167 : i32 to index
      %get3A_169 = tpu.vector_load %arg5[%get3A_168] {strides = array<i32>} : memref<32768xf32, #tpu.memory_space<vmem>>, vector<16xf32>,
      %convert_element_type3A_170 = arith.fptosi %get3A_169 : vector<16xf32> to vector<16xi32>
      tpu.vector_store_idx %arg6[%convert_element_type3A_170, %iota3A], %broadcast_in_dim3A_1 {add = true} : memref<256x16xf32, #tpu.memory_space<vmem>>[vector<16xi32>, vector<16xi32>], vector<16xf32>,
      %add3A_171 = arith.constant 48 : i32
      %add3A_172 = arith.addi %mul3A_157, %add3A_171 : i32
      %get3A_173 = arith.index_cast %add3A_172 : i32 to index
      %get3A_174 = tpu.vector_load %arg5[%get3A_173] {strides = array<i32>} : memref<32768xf32, #tpu.memory_space<vmem>>, vector<16xf32>,
      %convert_element_type3A_175 = arith.fptosi %get3A_174 : vector<16xf32> to vector<16xi32>
      tpu.vector_store_idx %arg6[%convert_element_type3A_175, %iota3A], %broadcast_in_dim3A_1 {add = true} : memref<256x16xf32, #tpu.memory_space<vmem>>[vector<16xi32>, vector<16xi32>], vector<16xf32>,
      %add3A_176 = arith.constant 64 : i32
      %add3A_177 = arith.addi %mul3A_157, %add3A_176 : i32
      %get3A_178 = arith.index_cast %add3A_177 : i32 to index
      %get3A_179 = tpu.vector_load %arg5[%get3A_178] {strides = array<i32>} : memref<32768xf32, #tpu.memory_space<vmem>>, vector<16xf32>,
      %convert_element_type3A_180 = arith.fptosi %get3A_179 : vector<16xf32> to vector<16xi32>
      tpu.vector_store_idx %arg6[%convert_element_type3A_180, %iota3A], %broadcast_in_dim3A_1 {add = true} : memref<256x16xf32, #tpu.memory_space<vmem>>[vector<16xi32>, vector<16xi32>], vector<16xf32>,
      %add3A_181 = arith.constant 80 : i32
      %add3A_182 = arith.addi %mul3A_157, %add3A_181 : i32
      %get3A_183 = arith.index_cast %add3A_182 : i32 to index
      %get3A_184 = tpu.vector_load %arg5[%get3A_183] {strides = array<i32>} : memref<32768xf32, #tpu.memory_space<vmem>>, vector<16xf32>,
      %convert_element_type3A_185 = arith.fptosi %get3A_184 : vector<16xf32> to vector<16xi32>
      tpu.vector_store_idx %arg6[%convert_element_type3A_185, %iota3A], %broadcast_in_dim3A_1 {add = true} : memref<256x16xf32, #tpu.memory_space<vmem>>[vector<16xi32>, vector<16xi32>], vector<16xf32>,
      %add3A_186 = arith.constant 96 : i32
      %add3A_187 = arith.addi %mul3A_157, %add3A_186 : i32
      %get3A_188 = arith.index_cast %add3A_187 : i32 to index
      %get3A_189 = tpu.vector_load %arg5[%get3A_188] {strides = array<i32>} : memref<32768xf32, #tpu.memory_space<vmem>>, vector<16xf32>,
      %convert_element_type3A_190 = arith.fptosi %get3A_189 : vector<16xf32> to vector<16xi32>
      tpu.vector_store_idx %arg6[%convert_element_type3A_190, %iota3A], %broadcast_in_dim3A_1 {add = true} : memref<256x16xf32, #tpu.memory_space<vmem>>[vector<16xi32>, vector<16xi32>], vector<16xf32>,
      %add3A_191 = arith.constant 112 : i32
      %add3A_192 = arith.addi %mul3A_157, %add3A_191 : i32
      %get3A_193 = arith.index_cast %add3A_192 : i32 to index
      %get3A_194 = tpu.vector_load %arg5[%get3A_193] {strides = array<i32>} : memref<32768xf32, #tpu.memory_space<vmem>>, vector<16xf32>,
      %convert_element_type3A_195 = arith.fptosi %get3A_194 : vector<16xf32> to vector<16xi32>
      tpu.vector_store_idx %arg6[%convert_element_type3A_195, %iota3A], %broadcast_in_dim3A_1 {add = true} : memref<256x16xf32, #tpu.memory_space<vmem>>[vector<16xi32>, vector<16xi32>], vector<16xf32>,
      %add3A_196 = arith.constant 128 : i32
      %add3A_197 = arith.addi %mul3A_157, %add3A_196 : i32
      %get3A_198 = arith.index_cast %add3A_197 : i32 to index
      %get3A_199 = tpu.vector_load %arg5[%get3A_198] {strides = array<i32>} : memref<32768xf32, #tpu.memory_space<vmem>>, vector<16xf32>,
      %convert_element_type3A_200 = arith.fptosi %get3A_199 : vector<16xf32> to vector<16xi32>
      tpu.vector_store_idx %arg6[%convert_element_type3A_200, %iota3A], %broadcast_in_dim3A_1 {add = true} : memref<256x16xf32, #tpu.memory_space<vmem>>[vector<16xi32>, vector<16xi32>], vector<16xf32>,
      %add3A_201 = arith.constant 144 : i32
      %add3A_202 = arith.addi %mul3A_157, %add3A_201 : i32
      %get3A_203 = arith.index_cast %add3A_202 : i32 to index
      %get3A_204 = tpu.vector_load %arg5[%get3A_203] {strides = array<i32>} : memref<32768xf32, #tpu.memory_space<vmem>>, vector<16xf32>,
      %convert_element_type3A_205 = arith.fptosi %get3A_204 : vector<16xf32> to vector<16xi32>
      tpu.vector_store_idx %arg6[%convert_element_type3A_205, %iota3A], %broadcast_in_dim3A_1 {add = true} : memref<256x16xf32, #tpu.memory_space<vmem>>[vector<16xi32>, vector<16xi32>], vector<16xf32>,
      %add3A_206 = arith.constant 160 : i32
      %add3A_207 = arith.addi %mul3A_157, %add3A_206 : i32
      %get3A_208 = arith.index_cast %add3A_207 : i32 to index
      %get3A_209 = tpu.vector_load %arg5[%get3A_208] {strides = array<i32>} : memref<32768xf32, #tpu.memory_space<vmem>>, vector<16xf32>,
      %convert_element_type3A_210 = arith.fptosi %get3A_209 : vector<16xf32> to vector<16xi32>
      tpu.vector_store_idx %arg6[%convert_element_type3A_210, %iota3A], %broadcast_in_dim3A_1 {add = true} : memref<256x16xf32, #tpu.memory_space<vmem>>[vector<16xi32>, vector<16xi32>], vector<16xf32>,
      %add3A_211 = arith.constant 176 : i32
      %add3A_212 = arith.addi %mul3A_157, %add3A_211 : i32
      %get3A_213 = arith.index_cast %add3A_212 : i32 to index
      %get3A_214 = tpu.vector_load %arg5[%get3A_213] {strides = array<i32>} : memref<32768xf32, #tpu.memory_space<vmem>>, vector<16xf32>,
      %convert_element_type3A_215 = arith.fptosi %get3A_214 : vector<16xf32> to vector<16xi32>
      tpu.vector_store_idx %arg6[%convert_element_type3A_215, %iota3A], %broadcast_in_dim3A_1 {add = true} : memref<256x16xf32, #tpu.memory_space<vmem>>[vector<16xi32>, vector<16xi32>], vector<16xf32>,
      %add3A_216 = arith.constant 192 : i32
      %add3A_217 = arith.addi %mul3A_157, %add3A_216 : i32
      %get3A_218 = arith.index_cast %add3A_217 : i32 to index
      %get3A_219 = tpu.vector_load %arg5[%get3A_218] {strides = array<i32>} : memref<32768xf32, #tpu.memory_space<vmem>>, vector<16xf32>,
      %convert_element_type3A_220 = arith.fptosi %get3A_219 : vector<16xf32> to vector<16xi32>
      tpu.vector_store_idx %arg6[%convert_element_type3A_220, %iota3A], %broadcast_in_dim3A_1 {add = true} : memref<256x16xf32, #tpu.memory_space<vmem>>[vector<16xi32>, vector<16xi32>], vector<16xf32>,
      %add3A_221 = arith.constant 208 : i32
      %add3A_222 = arith.addi %mul3A_157, %add3A_221 : i32
      %get3A_223 = arith.index_cast %add3A_222 : i32 to index
      %get3A_224 = tpu.vector_load %arg5[%get3A_223] {strides = array<i32>} : memref<32768xf32, #tpu.memory_space<vmem>>, vector<16xf32>,
      %convert_element_type3A_225 = arith.fptosi %get3A_224 : vector<16xf32> to vector<16xi32>
      tpu.vector_store_idx %arg6[%convert_element_type3A_225, %iota3A], %broadcast_in_dim3A_1 {add = true} : memref<256x16xf32, #tpu.memory_space<vmem>>[vector<16xi32>, vector<16xi32>], vector<16xf32>,
      %add3A_226 = arith.constant 224 : i32
      %add3A_227 = arith.addi %mul3A_157, %add3A_226 : i32
      %get3A_228 = arith.index_cast %add3A_227 : i32 to index
      %get3A_229 = tpu.vector_load %arg5[%get3A_228] {strides = array<i32>} : memref<32768xf32, #tpu.memory_space<vmem>>, vector<16xf32>,
      %convert_element_type3A_230 = arith.fptosi %get3A_229 : vector<16xf32> to vector<16xi32>
      tpu.vector_store_idx %arg6[%convert_element_type3A_230, %iota3A], %broadcast_in_dim3A_1 {add = true} : memref<256x16xf32, #tpu.memory_space<vmem>>[vector<16xi32>, vector<16xi32>], vector<16xf32>,
      %add3A_231 = arith.constant 240 : i32
      %add3A_232 = arith.addi %mul3A_157, %add3A_231 : i32
      %get3A_233 = arith.index_cast %add3A_232 : i32 to index
      %get3A_234 = tpu.vector_load %arg5[%get3A_233] {strides = array<i32>} : memref<32768xf32, #tpu.memory_space<vmem>>, vector<16xf32>,
      %convert_element_type3A_235 = arith.fptosi %get3A_234 : vector<16xf32> to vector<16xi32>
      tpu.vector_store_idx %arg6[%convert_element_type3A_235, %iota3A], %broadcast_in_dim3A_1 {add = true} : memref<256x16xf32, #tpu.memory_space<vmem>>[vector<16xi32>, vector<16xi32>], vector<16xf32>,
    }
    %scan3A_46 = arith.constant 128 : i32
    %dma_start3A_47 = arith.constant 98304 : i32
    %dma_start3A_48 = tpu.memref_slice %arg2[%add3A, %dma_start3A_47] : memref<32x262144xf32, #tpu.memory_space<hbm>> -> memref<1x32768xf32, #tpu.memory_space<hbm>>
    %dma_start3A_49 = tpu.memref_squeeze %dma_start3A_48 : memref<1x32768xf32, #tpu.memory_space<hbm>> -> memref<32768xf32, #tpu.memory_space<hbm>>
    %dma_start3A_50 = arith.constant 98304 : i32
    %dma_start3A_51 = tpu.memref_slice %arg2[%add3A, %dma_start3A_50] : memref<32x262144xf32, #tpu.memory_space<hbm>> -> memref<1x32768xf32, #tpu.memory_space<hbm>>
    %dma_start3A_52 = tpu.memref_squeeze %dma_start3A_51 : memref<1x32768xf32, #tpu.memory_space<hbm>> -> memref<32768xf32, #tpu.memory_space<hbm>>
    tpu.enqueue_dma source(%dma_start3A_52 : memref<32768xf32, #tpu.memory_space<hbm>>) target(%arg5 : memref<32768xf32, #tpu.memory_space<vmem>>) target_semaphore(%arg9 : memref<!tpu.dma_semaphore, #tpu.memory_space<semaphore_mem>>)
    %dma_wait3A_53 = arith.constant 65536 : i32
    %dma_wait3A_54 = tpu.memref_slice %arg2[%add3A, %dma_wait3A_53] : memref<32x262144xf32, #tpu.memory_space<hbm>> -> memref<1x32768xf32, #tpu.memory_space<hbm>>
    %dma_wait3A_55 = tpu.memref_squeeze %dma_wait3A_54 : memref<1x32768xf32, #tpu.memory_space<hbm>> -> memref<32768xf32, #tpu.memory_space<hbm>>
    %dma_wait3A_56 = arith.constant 65536 : i32
    %dma_wait3A_57 = tpu.memref_slice %arg2[%add3A, %dma_wait3A_56] : memref<32x262144xf32, #tpu.memory_space<hbm>> -> memref<1x32768xf32, #tpu.memory_space<hbm>>
    %dma_wait3A_58 = tpu.memref_squeeze %dma_wait3A_57 : memref<1x32768xf32, #tpu.memory_space<hbm>> -> memref<32768xf32, #tpu.memory_space<hbm>>
    tpu.wait_dma2 semaphore(%arg8 : memref<!tpu.dma_semaphore, #tpu.memory_space<semaphore_mem>>) src(%dma_wait3A_58 : memref<32768xf32, #tpu.memory_space<hbm>>) dst(%arg4 : memref<32768xf32, #tpu.memory_space<vmem>>)
    %scan3A_59 = arith.constant 0 : i32
    %scan3A_60 = arith.constant 0 : i32
    %scan3A_61 = arith.constant 128 : i32
    %scan3A_62 = arith.addi %scan3A_60, %scan3A_61 : i32
    %scan3A_63 = arith.constant 1 : i32
    scf.for %scan3A_155 = %scan3A_60 to %scan3A_62 step %scan3A_63  : i32 {
      %mul3A_156 = arith.constant 256 : i32
      %mul3A_157 = arith.muli %scan3A_155, %mul3A_156 : i32
      %add3A_158 = arith.constant 0 : i32
      %add3A_159 = arith.addi %mul3A_157, %add3A_158 : i32
      %get3A = arith.index_cast %add3A_159 : i32 to index
      %get3A_160 = tpu.vector_load %arg4[%get3A] {strides = array<i32>} : memref<32768xf32, #tpu.memory_space<vmem>>, vector<16xf32>,
      %convert_element_type3A = arith.fptosi %get3A_160 : vector<16xf32> to vector<16xi32>
      tpu.vector_store_idx %arg6[%convert_element_type3A, %iota3A], %broadcast_in_dim3A_1 {add = true} : memref<256x16xf32, #tpu.memory_space<vmem>>[vector<16xi32>, vector<16xi32>], vector<16xf32>,
      %add3A_161 = arith.constant 16 : i32
      %add3A_162 = arith.addi %mul3A_157, %add3A_161 : i32
      %get3A_163 = arith.index_cast %add3A_162 : i32 to index
      %get3A_164 = tpu.vector_load %arg4[%get3A_163] {strides = array<i32>} : memref<32768xf32, #tpu.memory_space<vmem>>, vector<16xf32>,
      %convert_element_type3A_165 = arith.fptosi %get3A_164 : vector<16xf32> to vector<16xi32>
      tpu.vector_store_idx %arg6[%convert_element_type3A_165, %iota3A], %broadcast_in_dim3A_1 {add = true} : memref<256x16xf32, #tpu.memory_space<vmem>>[vector<16xi32>, vector<16xi32>], vector<16xf32>,
      %add3A_166 = arith.constant 32 : i32
      %add3A_167 = arith.addi %mul3A_157, %add3A_166 : i32
      %get3A_168 = arith.index_cast %add3A_167 : i32 to index
      %get3A_169 = tpu.vector_load %arg4[%get3A_168] {strides = array<i32>} : memref<32768xf32, #tpu.memory_space<vmem>>, vector<16xf32>,
      %convert_element_type3A_170 = arith.fptosi %get3A_169 : vector<16xf32> to vector<16xi32>
      tpu.vector_store_idx %arg6[%convert_element_type3A_170, %iota3A], %broadcast_in_dim3A_1 {add = true} : memref<256x16xf32, #tpu.memory_space<vmem>>[vector<16xi32>, vector<16xi32>], vector<16xf32>,
      %add3A_171 = arith.constant 48 : i32
      %add3A_172 = arith.addi %mul3A_157, %add3A_171 : i32
      %get3A_173 = arith.index_cast %add3A_172 : i32 to index
      %get3A_174 = tpu.vector_load %arg4[%get3A_173] {strides = array<i32>} : memref<32768xf32, #tpu.memory_space<vmem>>, vector<16xf32>,
      %convert_element_type3A_175 = arith.fptosi %get3A_174 : vector<16xf32> to vector<16xi32>
      tpu.vector_store_idx %arg6[%convert_element_type3A_175, %iota3A], %broadcast_in_dim3A_1 {add = true} : memref<256x16xf32, #tpu.memory_space<vmem>>[vector<16xi32>, vector<16xi32>], vector<16xf32>,
      %add3A_176 = arith.constant 64 : i32
      %add3A_177 = arith.addi %mul3A_157, %add3A_176 : i32
      %get3A_178 = arith.index_cast %add3A_177 : i32 to index
      %get3A_179 = tpu.vector_load %arg4[%get3A_178] {strides = array<i32>} : memref<32768xf32, #tpu.memory_space<vmem>>, vector<16xf32>,
      %convert_element_type3A_180 = arith.fptosi %get3A_179 : vector<16xf32> to vector<16xi32>
      tpu.vector_store_idx %arg6[%convert_element_type3A_180, %iota3A], %broadcast_in_dim3A_1 {add = true} : memref<256x16xf32, #tpu.memory_space<vmem>>[vector<16xi32>, vector<16xi32>], vector<16xf32>,
      %add3A_181 = arith.constant 80 : i32
      %add3A_182 = arith.addi %mul3A_157, %add3A_181 : i32
      %get3A_183 = arith.index_cast %add3A_182 : i32 to index
      %get3A_184 = tpu.vector_load %arg4[%get3A_183] {strides = array<i32>} : memref<32768xf32, #tpu.memory_space<vmem>>, vector<16xf32>,
      %convert_element_type3A_185 = arith.fptosi %get3A_184 : vector<16xf32> to vector<16xi32>
      tpu.vector_store_idx %arg6[%convert_element_type3A_185, %iota3A], %broadcast_in_dim3A_1 {add = true} : memref<256x16xf32, #tpu.memory_space<vmem>>[vector<16xi32>, vector<16xi32>], vector<16xf32>,
      %add3A_186 = arith.constant 96 : i32
      %add3A_187 = arith.addi %mul3A_157, %add3A_186 : i32
      %get3A_188 = arith.index_cast %add3A_187 : i32 to index
      %get3A_189 = tpu.vector_load %arg4[%get3A_188] {strides = array<i32>} : memref<32768xf32, #tpu.memory_space<vmem>>, vector<16xf32>,
      %convert_element_type3A_190 = arith.fptosi %get3A_189 : vector<16xf32> to vector<16xi32>
      tpu.vector_store_idx %arg6[%convert_element_type3A_190, %iota3A], %broadcast_in_dim3A_1 {add = true} : memref<256x16xf32, #tpu.memory_space<vmem>>[vector<16xi32>, vector<16xi32>], vector<16xf32>,
      %add3A_191 = arith.constant 112 : i32
      %add3A_192 = arith.addi %mul3A_157, %add3A_191 : i32
      %get3A_193 = arith.index_cast %add3A_192 : i32 to index
      %get3A_194 = tpu.vector_load %arg4[%get3A_193] {strides = array<i32>} : memref<32768xf32, #tpu.memory_space<vmem>>, vector<16xf32>,
      %convert_element_type3A_195 = arith.fptosi %get3A_194 : vector<16xf32> to vector<16xi32>
      tpu.vector_store_idx %arg6[%convert_element_type3A_195, %iota3A], %broadcast_in_dim3A_1 {add = true} : memref<256x16xf32, #tpu.memory_space<vmem>>[vector<16xi32>, vector<16xi32>], vector<16xf32>,
      %add3A_196 = arith.constant 128 : i32
      %add3A_197 = arith.addi %mul3A_157, %add3A_196 : i32
      %get3A_198 = arith.index_cast %add3A_197 : i32 to index
      %get3A_199 = tpu.vector_load %arg4[%get3A_198] {strides = array<i32>} : memref<32768xf32, #tpu.memory_space<vmem>>, vector<16xf32>,
      %convert_element_type3A_200 = arith.fptosi %get3A_199 : vector<16xf32> to vector<16xi32>
      tpu.vector_store_idx %arg6[%convert_element_type3A_200, %iota3A], %broadcast_in_dim3A_1 {add = true} : memref<256x16xf32, #tpu.memory_space<vmem>>[vector<16xi32>, vector<16xi32>], vector<16xf32>,
      %add3A_201 = arith.constant 144 : i32
      %add3A_202 = arith.addi %mul3A_157, %add3A_201 : i32
      %get3A_203 = arith.index_cast %add3A_202 : i32 to index
      %get3A_204 = tpu.vector_load %arg4[%get3A_203] {strides = array<i32>} : memref<32768xf32, #tpu.memory_space<vmem>>, vector<16xf32>,
      %convert_element_type3A_205 = arith.fptosi %get3A_204 : vector<16xf32> to vector<16xi32>
      tpu.vector_store_idx %arg6[%convert_element_type3A_205, %iota3A], %broadcast_in_dim3A_1 {add = true} : memref<256x16xf32, #tpu.memory_space<vmem>>[vector<16xi32>, vector<16xi32>], vector<16xf32>,
      %add3A_206 = arith.constant 160 : i32
      %add3A_207 = arith.addi %mul3A_157, %add3A_206 : i32
      %get3A_208 = arith.index_cast %add3A_207 : i32 to index
      %get3A_209 = tpu.vector_load %arg4[%get3A_208] {strides = array<i32>} : memref<32768xf32, #tpu.memory_space<vmem>>, vector<16xf32>,
      %convert_element_type3A_210 = arith.fptosi %get3A_209 : vector<16xf32> to vector<16xi32>
      tpu.vector_store_idx %arg6[%convert_element_type3A_210, %iota3A], %broadcast_in_dim3A_1 {add = true} : memref<256x16xf32, #tpu.memory_space<vmem>>[vector<16xi32>, vector<16xi32>], vector<16xf32>,
      %add3A_211 = arith.constant 176 : i32
      %add3A_212 = arith.addi %mul3A_157, %add3A_211 : i32
      %get3A_213 = arith.index_cast %add3A_212 : i32 to index
      %get3A_214 = tpu.vector_load %arg4[%get3A_213] {strides = array<i32>} : memref<32768xf32, #tpu.memory_space<vmem>>, vector<16xf32>,
      %convert_element_type3A_215 = arith.fptosi %get3A_214 : vector<16xf32> to vector<16xi32>
      tpu.vector_store_idx %arg6[%convert_element_type3A_215, %iota3A], %broadcast_in_dim3A_1 {add = true} : memref<256x16xf32, #tpu.memory_space<vmem>>[vector<16xi32>, vector<16xi32>], vector<16xf32>,
      %add3A_216 = arith.constant 192 : i32
      %add3A_217 = arith.addi %mul3A_157, %add3A_216 : i32
      %get3A_218 = arith.index_cast %add3A_217 : i32 to index
      %get3A_219 = tpu.vector_load %arg4[%get3A_218] {strides = array<i32>} : memref<32768xf32, #tpu.memory_space<vmem>>, vector<16xf32>,
      %convert_element_type3A_220 = arith.fptosi %get3A_219 : vector<16xf32> to vector<16xi32>
      tpu.vector_store_idx %arg6[%convert_element_type3A_220, %iota3A], %broadcast_in_dim3A_1 {add = true} : memref<256x16xf32, #tpu.memory_space<vmem>>[vector<16xi32>, vector<16xi32>], vector<16xf32>,
      %add3A_221 = arith.constant 208 : i32
      %add3A_222 = arith.addi %mul3A_157, %add3A_221 : i32
      %get3A_223 = arith.index_cast %add3A_222 : i32 to index
      %get3A_224 = tpu.vector_load %arg4[%get3A_223] {strides = array<i32>} : memref<32768xf32, #tpu.memory_space<vmem>>, vector<16xf32>,
      %convert_element_type3A_225 = arith.fptosi %get3A_224 : vector<16xf32> to vector<16xi32>
      tpu.vector_store_idx %arg6[%convert_element_type3A_225, %iota3A], %broadcast_in_dim3A_1 {add = true} : memref<256x16xf32, #tpu.memory_space<vmem>>[vector<16xi32>, vector<16xi32>], vector<16xf32>,
      %add3A_226 = arith.constant 224 : i32
      %add3A_227 = arith.addi %mul3A_157, %add3A_226 : i32
      %get3A_228 = arith.index_cast %add3A_227 : i32 to index
      %get3A_229 = tpu.vector_load %arg4[%get3A_228] {strides = array<i32>} : memref<32768xf32, #tpu.memory_space<vmem>>, vector<16xf32>,
      %convert_element_type3A_230 = arith.fptosi %get3A_229 : vector<16xf32> to vector<16xi32>
      tpu.vector_store_idx %arg6[%convert_element_type3A_230, %iota3A], %broadcast_in_dim3A_1 {add = true} : memref<256x16xf32, #tpu.memory_space<vmem>>[vector<16xi32>, vector<16xi32>], vector<16xf32>,
      %add3A_231 = arith.constant 240 : i32
      %add3A_232 = arith.addi %mul3A_157, %add3A_231 : i32
      %get3A_233 = arith.index_cast %add3A_232 : i32 to index
      %get3A_234 = tpu.vector_load %arg4[%get3A_233] {strides = array<i32>} : memref<32768xf32, #tpu.memory_space<vmem>>, vector<16xf32>,
      %convert_element_type3A_235 = arith.fptosi %get3A_234 : vector<16xf32> to vector<16xi32>
      tpu.vector_store_idx %arg6[%convert_element_type3A_235, %iota3A], %broadcast_in_dim3A_1 {add = true} : memref<256x16xf32, #tpu.memory_space<vmem>>[vector<16xi32>, vector<16xi32>], vector<16xf32>,
    }
    %scan3A_64 = arith.constant 128 : i32
    %dma_start3A_65 = arith.constant 131072 : i32
    %dma_start3A_66 = tpu.memref_slice %arg2[%add3A, %dma_start3A_65] : memref<32x262144xf32, #tpu.memory_space<hbm>> -> memref<1x32768xf32, #tpu.memory_space<hbm>>
    %dma_start3A_67 = tpu.memref_squeeze %dma_start3A_66 : memref<1x32768xf32, #tpu.memory_space<hbm>> -> memref<32768xf32, #tpu.memory_space<hbm>>
    %dma_start3A_68 = arith.constant 131072 : i32
    %dma_start3A_69 = tpu.memref_slice %arg2[%add3A, %dma_start3A_68] : memref<32x262144xf32, #tpu.memory_space<hbm>> -> memref<1x32768xf32, #tpu.memory_space<hbm>>
    %dma_start3A_70 = tpu.memref_squeeze %dma_start3A_69 : memref<1x32768xf32, #tpu.memory_space<hbm>> -> memref<32768xf32, #tpu.memory_space<hbm>>
    tpu.enqueue_dma source(%dma_start3A_70 : memref<32768xf32, #tpu.memory_space<hbm>>) target(%arg4 : memref<32768xf32, #tpu.memory_space<vmem>>) target_semaphore(%arg8 : memref<!tpu.dma_semaphore, #tpu.memory_space<semaphore_mem>>)
    %dma_wait3A_71 = arith.constant 98304 : i32
    %dma_wait3A_72 = tpu.memref_slice %arg2[%add3A, %dma_wait3A_71] : memref<32x262144xf32, #tpu.memory_space<hbm>> -> memref<1x32768xf32, #tpu.memory_space<hbm>>
    %dma_wait3A_73 = tpu.memref_squeeze %dma_wait3A_72 : memref<1x32768xf32, #tpu.memory_space<hbm>> -> memref<32768xf32, #tpu.memory_space<hbm>>
    %dma_wait3A_74 = arith.constant 98304 : i32
    %dma_wait3A_75 = tpu.memref_slice %arg2[%add3A, %dma_wait3A_74] : memref<32x262144xf32, #tpu.memory_space<hbm>> -> memref<1x32768xf32, #tpu.memory_space<hbm>>
    %dma_wait3A_76 = tpu.memref_squeeze %dma_wait3A_75 : memref<1x32768xf32, #tpu.memory_space<hbm>> -> memref<32768xf32, #tpu.memory_space<hbm>>
    tpu.wait_dma2 semaphore(%arg9 : memref<!tpu.dma_semaphore, #tpu.memory_space<semaphore_mem>>) src(%dma_wait3A_76 : memref<32768xf32, #tpu.memory_space<hbm>>) dst(%arg5 : memref<32768xf32, #tpu.memory_space<vmem>>)
    %scan3A_77 = arith.constant 0 : i32
    %scan3A_78 = arith.constant 0 : i32
    %scan3A_79 = arith.constant 128 : i32
    %scan3A_80 = arith.addi %scan3A_78, %scan3A_79 : i32
    %scan3A_81 = arith.constant 1 : i32
    scf.for %scan3A_155 = %scan3A_78 to %scan3A_80 step %scan3A_81  : i32 {
      %mul3A_156 = arith.constant 256 : i32
      %mul3A_157 = arith.muli %scan3A_155, %mul3A_156 : i32
      %add3A_158 = arith.constant 0 : i32
      %add3A_159 = arith.addi %mul3A_157, %add3A_158 : i32
      %get3A = arith.index_cast %add3A_159 : i32 to index
      %get3A_160 = tpu.vector_load %arg5[%get3A] {strides = array<i32>} : memref<32768xf32, #tpu.memory_space<vmem>>, vector<16xf32>,
      %convert_element_type3A = arith.fptosi %get3A_160 : vector<16xf32> to vector<16xi32>
      tpu.vector_store_idx %arg6[%convert_element_type3A, %iota3A], %broadcast_in_dim3A_1 {add = true} : memref<256x16xf32, #tpu.memory_space<vmem>>[vector<16xi32>, vector<16xi32>], vector<16xf32>,
      %add3A_161 = arith.constant 16 : i32
      %add3A_162 = arith.addi %mul3A_157, %add3A_161 : i32
      %get3A_163 = arith.index_cast %add3A_162 : i32 to index
      %get3A_164 = tpu.vector_load %arg5[%get3A_163] {strides = array<i32>} : memref<32768xf32, #tpu.memory_space<vmem>>, vector<16xf32>,
      %convert_element_type3A_165 = arith.fptosi %get3A_164 : vector<16xf32> to vector<16xi32>
      tpu.vector_store_idx %arg6[%convert_element_type3A_165, %iota3A], %broadcast_in_dim3A_1 {add = true} : memref<256x16xf32, #tpu.memory_space<vmem>>[vector<16xi32>, vector<16xi32>], vector<16xf32>,
      %add3A_166 = arith.constant 32 : i32
      %add3A_167 = arith.addi %mul3A_157, %add3A_166 : i32
      %get3A_168 = arith.index_cast %add3A_167 : i32 to index
      %get3A_169 = tpu.vector_load %arg5[%get3A_168] {strides = array<i32>} : memref<32768xf32, #tpu.memory_space<vmem>>, vector<16xf32>,
      %convert_element_type3A_170 = arith.fptosi %get3A_169 : vector<16xf32> to vector<16xi32>
      tpu.vector_store_idx %arg6[%convert_element_type3A_170, %iota3A], %broadcast_in_dim3A_1 {add = true} : memref<256x16xf32, #tpu.memory_space<vmem>>[vector<16xi32>, vector<16xi32>], vector<16xf32>,
      %add3A_171 = arith.constant 48 : i32
      %add3A_172 = arith.addi %mul3A_157, %add3A_171 : i32
      %get3A_173 = arith.index_cast %add3A_172 : i32 to index
      %get3A_174 = tpu.vector_load %arg5[%get3A_173] {strides = array<i32>} : memref<32768xf32, #tpu.memory_space<vmem>>, vector<16xf32>,
      %convert_element_type3A_175 = arith.fptosi %get3A_174 : vector<16xf32> to vector<16xi32>
      tpu.vector_store_idx %arg6[%convert_element_type3A_175, %iota3A], %broadcast_in_dim3A_1 {add = true} : memref<256x16xf32, #tpu.memory_space<vmem>>[vector<16xi32>, vector<16xi32>], vector<16xf32>,
      %add3A_176 = arith.constant 64 : i32
      %add3A_177 = arith.addi %mul3A_157, %add3A_176 : i32
      %get3A_178 = arith.index_cast %add3A_177 : i32 to index
      %get3A_179 = tpu.vector_load %arg5[%get3A_178] {strides = array<i32>} : memref<32768xf32, #tpu.memory_space<vmem>>, vector<16xf32>,
      %convert_element_type3A_180 = arith.fptosi %get3A_179 : vector<16xf32> to vector<16xi32>
      tpu.vector_store_idx %arg6[%convert_element_type3A_180, %iota3A], %broadcast_in_dim3A_1 {add = true} : memref<256x16xf32, #tpu.memory_space<vmem>>[vector<16xi32>, vector<16xi32>], vector<16xf32>,
      %add3A_181 = arith.constant 80 : i32
      %add3A_182 = arith.addi %mul3A_157, %add3A_181 : i32
      %get3A_183 = arith.index_cast %add3A_182 : i32 to index
      %get3A_184 = tpu.vector_load %arg5[%get3A_183] {strides = array<i32>} : memref<32768xf32, #tpu.memory_space<vmem>>, vector<16xf32>,
      %convert_element_type3A_185 = arith.fptosi %get3A_184 : vector<16xf32> to vector<16xi32>
      tpu.vector_store_idx %arg6[%convert_element_type3A_185, %iota3A], %broadcast_in_dim3A_1 {add = true} : memref<256x16xf32, #tpu.memory_space<vmem>>[vector<16xi32>, vector<16xi32>], vector<16xf32>,
      %add3A_186 = arith.constant 96 : i32
      %add3A_187 = arith.addi %mul3A_157, %add3A_186 : i32
      %get3A_188 = arith.index_cast %add3A_187 : i32 to index
      %get3A_189 = tpu.vector_load %arg5[%get3A_188] {strides = array<i32>} : memref<32768xf32, #tpu.memory_space<vmem>>, vector<16xf32>,
      %convert_element_type3A_190 = arith.fptosi %get3A_189 : vector<16xf32> to vector<16xi32>
      tpu.vector_store_idx %arg6[%convert_element_type3A_190, %iota3A], %broadcast_in_dim3A_1 {add = true} : memref<256x16xf32, #tpu.memory_space<vmem>>[vector<16xi32>, vector<16xi32>], vector<16xf32>,
      %add3A_191 = arith.constant 112 : i32
      %add3A_192 = arith.addi %mul3A_157, %add3A_191 : i32
      %get3A_193 = arith.index_cast %add3A_192 : i32 to index
      %get3A_194 = tpu.vector_load %arg5[%get3A_193] {strides = array<i32>} : memref<32768xf32, #tpu.memory_space<vmem>>, vector<16xf32>,
      %convert_element_type3A_195 = arith.fptosi %get3A_194 : vector<16xf32> to vector<16xi32>
      tpu.vector_store_idx %arg6[%convert_element_type3A_195, %iota3A], %broadcast_in_dim3A_1 {add = true} : memref<256x16xf32, #tpu.memory_space<vmem>>[vector<16xi32>, vector<16xi32>], vector<16xf32>,
      %add3A_196 = arith.constant 128 : i32
      %add3A_197 = arith.addi %mul3A_157, %add3A_196 : i32
      %get3A_198 = arith.index_cast %add3A_197 : i32 to index
      %get3A_199 = tpu.vector_load %arg5[%get3A_198] {strides = array<i32>} : memref<32768xf32, #tpu.memory_space<vmem>>, vector<16xf32>,
      %convert_element_type3A_200 = arith.fptosi %get3A_199 : vector<16xf32> to vector<16xi32>
      tpu.vector_store_idx %arg6[%convert_element_type3A_200, %iota3A], %broadcast_in_dim3A_1 {add = true} : memref<256x16xf32, #tpu.memory_space<vmem>>[vector<16xi32>, vector<16xi32>], vector<16xf32>,
      %add3A_201 = arith.constant 144 : i32
      %add3A_202 = arith.addi %mul3A_157, %add3A_201 : i32
      %get3A_203 = arith.index_cast %add3A_202 : i32 to index
      %get3A_204 = tpu.vector_load %arg5[%get3A_203] {strides = array<i32>} : memref<32768xf32, #tpu.memory_space<vmem>>, vector<16xf32>,
      %convert_element_type3A_205 = arith.fptosi %get3A_204 : vector<16xf32> to vector<16xi32>
      tpu.vector_store_idx %arg6[%convert_element_type3A_205, %iota3A], %broadcast_in_dim3A_1 {add = true} : memref<256x16xf32, #tpu.memory_space<vmem>>[vector<16xi32>, vector<16xi32>], vector<16xf32>,
      %add3A_206 = arith.constant 160 : i32
      %add3A_207 = arith.addi %mul3A_157, %add3A_206 : i32
      %get3A_208 = arith.index_cast %add3A_207 : i32 to index
      %get3A_209 = tpu.vector_load %arg5[%get3A_208] {strides = array<i32>} : memref<32768xf32, #tpu.memory_space<vmem>>, vector<16xf32>,
      %convert_element_type3A_210 = arith.fptosi %get3A_209 : vector<16xf32> to vector<16xi32>
      tpu.vector_store_idx %arg6[%convert_element_type3A_210, %iota3A], %broadcast_in_dim3A_1 {add = true} : memref<256x16xf32, #tpu.memory_space<vmem>>[vector<16xi32>, vector<16xi32>], vector<16xf32>,
      %add3A_211 = arith.constant 176 : i32
      %add3A_212 = arith.addi %mul3A_157, %add3A_211 : i32
      %get3A_213 = arith.index_cast %add3A_212 : i32 to index
      %get3A_214 = tpu.vector_load %arg5[%get3A_213] {strides = array<i32>} : memref<32768xf32, #tpu.memory_space<vmem>>, vector<16xf32>,
      %convert_element_type3A_215 = arith.fptosi %get3A_214 : vector<16xf32> to vector<16xi32>
      tpu.vector_store_idx %arg6[%convert_element_type3A_215, %iota3A], %broadcast_in_dim3A_1 {add = true} : memref<256x16xf32, #tpu.memory_space<vmem>>[vector<16xi32>, vector<16xi32>], vector<16xf32>,
      %add3A_216 = arith.constant 192 : i32
      %add3A_217 = arith.addi %mul3A_157, %add3A_216 : i32
      %get3A_218 = arith.index_cast %add3A_217 : i32 to index
      %get3A_219 = tpu.vector_load %arg5[%get3A_218] {strides = array<i32>} : memref<32768xf32, #tpu.memory_space<vmem>>, vector<16xf32>,
      %convert_element_type3A_220 = arith.fptosi %get3A_219 : vector<16xf32> to vector<16xi32>
      tpu.vector_store_idx %arg6[%convert_element_type3A_220, %iota3A], %broadcast_in_dim3A_1 {add = true} : memref<256x16xf32, #tpu.memory_space<vmem>>[vector<16xi32>, vector<16xi32>], vector<16xf32>,
      %add3A_221 = arith.constant 208 : i32
      %add3A_222 = arith.addi %mul3A_157, %add3A_221 : i32
      %get3A_223 = arith.index_cast %add3A_222 : i32 to index
      %get3A_224 = tpu.vector_load %arg5[%get3A_223] {strides = array<i32>} : memref<32768xf32, #tpu.memory_space<vmem>>, vector<16xf32>,
      %convert_element_type3A_225 = arith.fptosi %get3A_224 : vector<16xf32> to vector<16xi32>
      tpu.vector_store_idx %arg6[%convert_element_type3A_225, %iota3A], %broadcast_in_dim3A_1 {add = true} : memref<256x16xf32, #tpu.memory_space<vmem>>[vector<16xi32>, vector<16xi32>], vector<16xf32>,
      %add3A_226 = arith.constant 224 : i32
      %add3A_227 = arith.addi %mul3A_157, %add3A_226 : i32
      %get3A_228 = arith.index_cast %add3A_227 : i32 to index
      %get3A_229 = tpu.vector_load %arg5[%get3A_228] {strides = array<i32>} : memref<32768xf32, #tpu.memory_space<vmem>>, vector<16xf32>,
      %convert_element_type3A_230 = arith.fptosi %get3A_229 : vector<16xf32> to vector<16xi32>
      tpu.vector_store_idx %arg6[%convert_element_type3A_230, %iota3A], %broadcast_in_dim3A_1 {add = true} : memref<256x16xf32, #tpu.memory_space<vmem>>[vector<16xi32>, vector<16xi32>], vector<16xf32>,
      %add3A_231 = arith.constant 240 : i32
      %add3A_232 = arith.addi %mul3A_157, %add3A_231 : i32
      %get3A_233 = arith.index_cast %add3A_232 : i32 to index
      %get3A_234 = tpu.vector_load %arg5[%get3A_233] {strides = array<i32>} : memref<32768xf32, #tpu.memory_space<vmem>>, vector<16xf32>,
      %convert_element_type3A_235 = arith.fptosi %get3A_234 : vector<16xf32> to vector<16xi32>
      tpu.vector_store_idx %arg6[%convert_element_type3A_235, %iota3A], %broadcast_in_dim3A_1 {add = true} : memref<256x16xf32, #tpu.memory_space<vmem>>[vector<16xi32>, vector<16xi32>], vector<16xf32>,
    }
    %scan3A_82 = arith.constant 128 : i32
    %dma_start3A_83 = arith.constant 163840 : i32
    %dma_start3A_84 = tpu.memref_slice %arg2[%add3A, %dma_start3A_83] : memref<32x262144xf32, #tpu.memory_space<hbm>> -> memref<1x32768xf32, #tpu.memory_space<hbm>>
    %dma_start3A_85 = tpu.memref_squeeze %dma_start3A_84 : memref<1x32768xf32, #tpu.memory_space<hbm>> -> memref<32768xf32, #tpu.memory_space<hbm>>
    %dma_start3A_86 = arith.constant 163840 : i32
    %dma_start3A_87 = tpu.memref_slice %arg2[%add3A, %dma_start3A_86] : memref<32x262144xf32, #tpu.memory_space<hbm>> -> memref<1x32768xf32, #tpu.memory_space<hbm>>
    %dma_start3A_88 = tpu.memref_squeeze %dma_start3A_87 : memref<1x32768xf32, #tpu.memory_space<hbm>> -> memref<32768xf32, #tpu.memory_space<hbm>>
    tpu.enqueue_dma source(%dma_start3A_88 : memref<32768xf32, #tpu.memory_space<hbm>>) target(%arg5 : memref<32768xf32, #tpu.memory_space<vmem>>) target_semaphore(%arg9 : memref<!tpu.dma_semaphore, #tpu.memory_space<semaphore_mem>>)
    %dma_wait3A_89 = arith.constant 131072 : i32
    %dma_wait3A_90 = tpu.memref_slice %arg2[%add3A, %dma_wait3A_89] : memref<32x262144xf32, #tpu.memory_space<hbm>> -> memref<1x32768xf32, #tpu.memory_space<hbm>>
    %dma_wait3A_91 = tpu.memref_squeeze %dma_wait3A_90 : memref<1x32768xf32, #tpu.memory_space<hbm>> -> memref<32768xf32, #tpu.memory_space<hbm>>
    %dma_wait3A_92 = arith.constant 131072 : i32
    %dma_wait3A_93 = tpu.memref_slice %arg2[%add3A, %dma_wait3A_92] : memref<32x262144xf32, #tpu.memory_space<hbm>> -> memref<1x32768xf32, #tpu.memory_space<hbm>>
    %dma_wait3A_94 = tpu.memref_squeeze %dma_wait3A_93 : memref<1x32768xf32, #tpu.memory_space<hbm>> -> memref<32768xf32, #tpu.memory_space<hbm>>
    tpu.wait_dma2 semaphore(%arg8 : memref<!tpu.dma_semaphore, #tpu.memory_space<semaphore_mem>>) src(%dma_wait3A_94 : memref<32768xf32, #tpu.memory_space<hbm>>) dst(%arg4 : memref<32768xf32, #tpu.memory_space<vmem>>)
    %scan3A_95 = arith.constant 0 : i32
    %scan3A_96 = arith.constant 0 : i32
    %scan3A_97 = arith.constant 128 : i32
    %scan3A_98 = arith.addi %scan3A_96, %scan3A_97 : i32
    %scan3A_99 = arith.constant 1 : i32
    scf.for %scan3A_155 = %scan3A_96 to %scan3A_98 step %scan3A_99  : i32 {
      %mul3A_156 = arith.constant 256 : i32
      %mul3A_157 = arith.muli %scan3A_155, %mul3A_156 : i32
      %add3A_158 = arith.constant 0 : i32
      %add3A_159 = arith.addi %mul3A_157, %add3A_158 : i32
      %get3A = arith.index_cast %add3A_159 : i32 to index
      %get3A_160 = tpu.vector_load %arg4[%get3A] {strides = array<i32>} : memref<32768xf32, #tpu.memory_space<vmem>>, vector<16xf32>,
      %convert_element_type3A = arith.fptosi %get3A_160 : vector<16xf32> to vector<16xi32>
      tpu.vector_store_idx %arg6[%convert_element_type3A, %iota3A], %broadcast_in_dim3A_1 {add = true} : memref<256x16xf32, #tpu.memory_space<vmem>>[vector<16xi32>, vector<16xi32>], vector<16xf32>,
      %add3A_161 = arith.constant 16 : i32
      %add3A_162 = arith.addi %mul3A_157, %add3A_161 : i32
      %get3A_163 = arith.index_cast %add3A_162 : i32 to index
      %get3A_164 = tpu.vector_load %arg4[%get3A_163] {strides = array<i32>} : memref<32768xf32, #tpu.memory_space<vmem>>, vector<16xf32>,
      %convert_element_type3A_165 = arith.fptosi %get3A_164 : vector<16xf32> to vector<16xi32>
      tpu.vector_store_idx %arg6[%convert_element_type3A_165, %iota3A], %broadcast_in_dim3A_1 {add = true} : memref<256x16xf32, #tpu.memory_space<vmem>>[vector<16xi32>, vector<16xi32>], vector<16xf32>,
      %add3A_166 = arith.constant 32 : i32
      %add3A_167 = arith.addi %mul3A_157, %add3A_166 : i32
      %get3A_168 = arith.index_cast %add3A_167 : i32 to index
      %get3A_169 = tpu.vector_load %arg4[%get3A_168] {strides = array<i32>} : memref<32768xf32, #tpu.memory_space<vmem>>, vector<16xf32>,
      %convert_element_type3A_170 = arith.fptosi %get3A_169 : vector<16xf32> to vector<16xi32>
      tpu.vector_store_idx %arg6[%convert_element_type3A_170, %iota3A], %broadcast_in_dim3A_1 {add = true} : memref<256x16xf32, #tpu.memory_space<vmem>>[vector<16xi32>, vector<16xi32>], vector<16xf32>,
      %add3A_171 = arith.constant 48 : i32
      %add3A_172 = arith.addi %mul3A_157, %add3A_171 : i32
      %get3A_173 = arith.index_cast %add3A_172 : i32 to index
      %get3A_174 = tpu.vector_load %arg4[%get3A_173] {strides = array<i32>} : memref<32768xf32, #tpu.memory_space<vmem>>, vector<16xf32>,
      %convert_element_type3A_175 = arith.fptosi %get3A_174 : vector<16xf32> to vector<16xi32>
      tpu.vector_store_idx %arg6[%convert_element_type3A_175, %iota3A], %broadcast_in_dim3A_1 {add = true} : memref<256x16xf32, #tpu.memory_space<vmem>>[vector<16xi32>, vector<16xi32>], vector<16xf32>,
      %add3A_176 = arith.constant 64 : i32
      %add3A_177 = arith.addi %mul3A_157, %add3A_176 : i32
      %get3A_178 = arith.index_cast %add3A_177 : i32 to index
      %get3A_179 = tpu.vector_load %arg4[%get3A_178] {strides = array<i32>} : memref<32768xf32, #tpu.memory_space<vmem>>, vector<16xf32>,
      %convert_element_type3A_180 = arith.fptosi %get3A_179 : vector<16xf32> to vector<16xi32>
      tpu.vector_store_idx %arg6[%convert_element_type3A_180, %iota3A], %broadcast_in_dim3A_1 {add = true} : memref<256x16xf32, #tpu.memory_space<vmem>>[vector<16xi32>, vector<16xi32>], vector<16xf32>,
      %add3A_181 = arith.constant 80 : i32
      %add3A_182 = arith.addi %mul3A_157, %add3A_181 : i32
      %get3A_183 = arith.index_cast %add3A_182 : i32 to index
      %get3A_184 = tpu.vector_load %arg4[%get3A_183] {strides = array<i32>} : memref<32768xf32, #tpu.memory_space<vmem>>, vector<16xf32>,
      %convert_element_type3A_185 = arith.fptosi %get3A_184 : vector<16xf32> to vector<16xi32>
      tpu.vector_store_idx %arg6[%convert_element_type3A_185, %iota3A], %broadcast_in_dim3A_1 {add = true} : memref<256x16xf32, #tpu.memory_space<vmem>>[vector<16xi32>, vector<16xi32>], vector<16xf32>,
      %add3A_186 = arith.constant 96 : i32
      %add3A_187 = arith.addi %mul3A_157, %add3A_186 : i32
      %get3A_188 = arith.index_cast %add3A_187 : i32 to index
      %get3A_189 = tpu.vector_load %arg4[%get3A_188] {strides = array<i32>} : memref<32768xf32, #tpu.memory_space<vmem>>, vector<16xf32>,
      %convert_element_type3A_190 = arith.fptosi %get3A_189 : vector<16xf32> to vector<16xi32>
      tpu.vector_store_idx %arg6[%convert_element_type3A_190, %iota3A], %broadcast_in_dim3A_1 {add = true} : memref<256x16xf32, #tpu.memory_space<vmem>>[vector<16xi32>, vector<16xi32>], vector<16xf32>,
      %add3A_191 = arith.constant 112 : i32
      %add3A_192 = arith.addi %mul3A_157, %add3A_191 : i32
      %get3A_193 = arith.index_cast %add3A_192 : i32 to index
      %get3A_194 = tpu.vector_load %arg4[%get3A_193] {strides = array<i32>} : memref<32768xf32, #tpu.memory_space<vmem>>, vector<16xf32>,
      %convert_element_type3A_195 = arith.fptosi %get3A_194 : vector<16xf32> to vector<16xi32>
      tpu.vector_store_idx %arg6[%convert_element_type3A_195, %iota3A], %broadcast_in_dim3A_1 {add = true} : memref<256x16xf32, #tpu.memory_space<vmem>>[vector<16xi32>, vector<16xi32>], vector<16xf32>,
      %add3A_196 = arith.constant 128 : i32
      %add3A_197 = arith.addi %mul3A_157, %add3A_196 : i32
      %get3A_198 = arith.index_cast %add3A_197 : i32 to index
      %get3A_199 = tpu.vector_load %arg4[%get3A_198] {strides = array<i32>} : memref<32768xf32, #tpu.memory_space<vmem>>, vector<16xf32>,
      %convert_element_type3A_200 = arith.fptosi %get3A_199 : vector<16xf32> to vector<16xi32>
      tpu.vector_store_idx %arg6[%convert_element_type3A_200, %iota3A], %broadcast_in_dim3A_1 {add = true} : memref<256x16xf32, #tpu.memory_space<vmem>>[vector<16xi32>, vector<16xi32>], vector<16xf32>,
      %add3A_201 = arith.constant 144 : i32
      %add3A_202 = arith.addi %mul3A_157, %add3A_201 : i32
      %get3A_203 = arith.index_cast %add3A_202 : i32 to index
      %get3A_204 = tpu.vector_load %arg4[%get3A_203] {strides = array<i32>} : memref<32768xf32, #tpu.memory_space<vmem>>, vector<16xf32>,
      %convert_element_type3A_205 = arith.fptosi %get3A_204 : vector<16xf32> to vector<16xi32>
      tpu.vector_store_idx %arg6[%convert_element_type3A_205, %iota3A], %broadcast_in_dim3A_1 {add = true} : memref<256x16xf32, #tpu.memory_space<vmem>>[vector<16xi32>, vector<16xi32>], vector<16xf32>,
      %add3A_206 = arith.constant 160 : i32
      %add3A_207 = arith.addi %mul3A_157, %add3A_206 : i32
      %get3A_208 = arith.index_cast %add3A_207 : i32 to index
      %get3A_209 = tpu.vector_load %arg4[%get3A_208] {strides = array<i32>} : memref<32768xf32, #tpu.memory_space<vmem>>, vector<16xf32>,
      %convert_element_type3A_210 = arith.fptosi %get3A_209 : vector<16xf32> to vector<16xi32>
      tpu.vector_store_idx %arg6[%convert_element_type3A_210, %iota3A], %broadcast_in_dim3A_1 {add = true} : memref<256x16xf32, #tpu.memory_space<vmem>>[vector<16xi32>, vector<16xi32>], vector<16xf32>,
      %add3A_211 = arith.constant 176 : i32
      %add3A_212 = arith.addi %mul3A_157, %add3A_211 : i32
      %get3A_213 = arith.index_cast %add3A_212 : i32 to index
      %get3A_214 = tpu.vector_load %arg4[%get3A_213] {strides = array<i32>} : memref<32768xf32, #tpu.memory_space<vmem>>, vector<16xf32>,
      %convert_element_type3A_215 = arith.fptosi %get3A_214 : vector<16xf32> to vector<16xi32>
      tpu.vector_store_idx %arg6[%convert_element_type3A_215, %iota3A], %broadcast_in_dim3A_1 {add = true} : memref<256x16xf32, #tpu.memory_space<vmem>>[vector<16xi32>, vector<16xi32>], vector<16xf32>,
      %add3A_216 = arith.constant 192 : i32
      %add3A_217 = arith.addi %mul3A_157, %add3A_216 : i32
      %get3A_218 = arith.index_cast %add3A_217 : i32 to index
      %get3A_219 = tpu.vector_load %arg4[%get3A_218] {strides = array<i32>} : memref<32768xf32, #tpu.memory_space<vmem>>, vector<16xf32>,
      %convert_element_type3A_220 = arith.fptosi %get3A_219 : vector<16xf32> to vector<16xi32>
      tpu.vector_store_idx %arg6[%convert_element_type3A_220, %iota3A], %broadcast_in_dim3A_1 {add = true} : memref<256x16xf32, #tpu.memory_space<vmem>>[vector<16xi32>, vector<16xi32>], vector<16xf32>,
      %add3A_221 = arith.constant 208 : i32
      %add3A_222 = arith.addi %mul3A_157, %add3A_221 : i32
      %get3A_223 = arith.index_cast %add3A_222 : i32 to index
      %get3A_224 = tpu.vector_load %arg4[%get3A_223] {strides = array<i32>} : memref<32768xf32, #tpu.memory_space<vmem>>, vector<16xf32>,
      %convert_element_type3A_225 = arith.fptosi %get3A_224 : vector<16xf32> to vector<16xi32>
      tpu.vector_store_idx %arg6[%convert_element_type3A_225, %iota3A], %broadcast_in_dim3A_1 {add = true} : memref<256x16xf32, #tpu.memory_space<vmem>>[vector<16xi32>, vector<16xi32>], vector<16xf32>,
      %add3A_226 = arith.constant 224 : i32
      %add3A_227 = arith.addi %mul3A_157, %add3A_226 : i32
      %get3A_228 = arith.index_cast %add3A_227 : i32 to index
      %get3A_229 = tpu.vector_load %arg4[%get3A_228] {strides = array<i32>} : memref<32768xf32, #tpu.memory_space<vmem>>, vector<16xf32>,
      %convert_element_type3A_230 = arith.fptosi %get3A_229 : vector<16xf32> to vector<16xi32>
      tpu.vector_store_idx %arg6[%convert_element_type3A_230, %iota3A], %broadcast_in_dim3A_1 {add = true} : memref<256x16xf32, #tpu.memory_space<vmem>>[vector<16xi32>, vector<16xi32>], vector<16xf32>,
      %add3A_231 = arith.constant 240 : i32
      %add3A_232 = arith.addi %mul3A_157, %add3A_231 : i32
      %get3A_233 = arith.index_cast %add3A_232 : i32 to index
      %get3A_234 = tpu.vector_load %arg4[%get3A_233] {strides = array<i32>} : memref<32768xf32, #tpu.memory_space<vmem>>, vector<16xf32>,
      %convert_element_type3A_235 = arith.fptosi %get3A_234 : vector<16xf32> to vector<16xi32>
      tpu.vector_store_idx %arg6[%convert_element_type3A_235, %iota3A], %broadcast_in_dim3A_1 {add = true} : memref<256x16xf32, #tpu.memory_space<vmem>>[vector<16xi32>, vector<16xi32>], vector<16xf32>,
    }
    %scan3A_100 = arith.constant 128 : i32
    %dma_start3A_101 = arith.constant 196608 : i32
    %dma_start3A_102 = tpu.memref_slice %arg2[%add3A, %dma_start3A_101] : memref<32x262144xf32, #tpu.memory_space<hbm>> -> memref<1x32768xf32, #tpu.memory_space<hbm>>
    %dma_start3A_103 = tpu.memref_squeeze %dma_start3A_102 : memref<1x32768xf32, #tpu.memory_space<hbm>> -> memref<32768xf32, #tpu.memory_space<hbm>>
    %dma_start3A_104 = arith.constant 196608 : i32
    %dma_start3A_105 = tpu.memref_slice %arg2[%add3A, %dma_start3A_104] : memref<32x262144xf32, #tpu.memory_space<hbm>> -> memref<1x32768xf32, #tpu.memory_space<hbm>>
    %dma_start3A_106 = tpu.memref_squeeze %dma_start3A_105 : memref<1x32768xf32, #tpu.memory_space<hbm>> -> memref<32768xf32, #tpu.memory_space<hbm>>
    tpu.enqueue_dma source(%dma_start3A_106 : memref<32768xf32, #tpu.memory_space<hbm>>) target(%arg4 : memref<32768xf32, #tpu.memory_space<vmem>>) target_semaphore(%arg8 : memref<!tpu.dma_semaphore, #tpu.memory_space<semaphore_mem>>)
    %dma_wait3A_107 = arith.constant 163840 : i32
    %dma_wait3A_108 = tpu.memref_slice %arg2[%add3A, %dma_wait3A_107] : memref<32x262144xf32, #tpu.memory_space<hbm>> -> memref<1x32768xf32, #tpu.memory_space<hbm>>
    %dma_wait3A_109 = tpu.memref_squeeze %dma_wait3A_108 : memref<1x32768xf32, #tpu.memory_space<hbm>> -> memref<32768xf32, #tpu.memory_space<hbm>>
    %dma_wait3A_110 = arith.constant 163840 : i32
    %dma_wait3A_111 = tpu.memref_slice %arg2[%add3A, %dma_wait3A_110] : memref<32x262144xf32, #tpu.memory_space<hbm>> -> memref<1x32768xf32, #tpu.memory_space<hbm>>
    %dma_wait3A_112 = tpu.memref_squeeze %dma_wait3A_111 : memref<1x32768xf32, #tpu.memory_space<hbm>> -> memref<32768xf32, #tpu.memory_space<hbm>>
    tpu.wait_dma2 semaphore(%arg9 : memref<!tpu.dma_semaphore, #tpu.memory_space<semaphore_mem>>) src(%dma_wait3A_112 : memref<32768xf32, #tpu.memory_space<hbm>>) dst(%arg5 : memref<32768xf32, #tpu.memory_space<vmem>>)
    %scan3A_113 = arith.constant 0 : i32
    %scan3A_114 = arith.constant 0 : i32
    %scan3A_115 = arith.constant 128 : i32
    %scan3A_116 = arith.addi %scan3A_114, %scan3A_115 : i32
    %scan3A_117 = arith.constant 1 : i32
    scf.for %scan3A_155 = %scan3A_114 to %scan3A_116 step %scan3A_117  : i32 {
      %mul3A_156 = arith.constant 256 : i32
      %mul3A_157 = arith.muli %scan3A_155, %mul3A_156 : i32
      %add3A_158 = arith.constant 0 : i32
      %add3A_159 = arith.addi %mul3A_157, %add3A_158 : i32
      %get3A = arith.index_cast %add3A_159 : i32 to index
      %get3A_160 = tpu.vector_load %arg5[%get3A] {strides = array<i32>} : memref<32768xf32, #tpu.memory_space<vmem>>, vector<16xf32>,
      %convert_element_type3A = arith.fptosi %get3A_160 : vector<16xf32> to vector<16xi32>
      tpu.vector_store_idx %arg6[%convert_element_type3A, %iota3A], %broadcast_in_dim3A_1 {add = true} : memref<256x16xf32, #tpu.memory_space<vmem>>[vector<16xi32>, vector<16xi32>], vector<16xf32>,
      %add3A_161 = arith.constant 16 : i32
      %add3A_162 = arith.addi %mul3A_157, %add3A_161 : i32
      %get3A_163 = arith.index_cast %add3A_162 : i32 to index
      %get3A_164 = tpu.vector_load %arg5[%get3A_163] {strides = array<i32>} : memref<32768xf32, #tpu.memory_space<vmem>>, vector<16xf32>,
      %convert_element_type3A_165 = arith.fptosi %get3A_164 : vector<16xf32> to vector<16xi32>
      tpu.vector_store_idx %arg6[%convert_element_type3A_165, %iota3A], %broadcast_in_dim3A_1 {add = true} : memref<256x16xf32, #tpu.memory_space<vmem>>[vector<16xi32>, vector<16xi32>], vector<16xf32>,
      %add3A_166 = arith.constant 32 : i32
      %add3A_167 = arith.addi %mul3A_157, %add3A_166 : i32
      %get3A_168 = arith.index_cast %add3A_167 : i32 to index
      %get3A_169 = tpu.vector_load %arg5[%get3A_168] {strides = array<i32>} : memref<32768xf32, #tpu.memory_space<vmem>>, vector<16xf32>,
      %convert_element_type3A_170 = arith.fptosi %get3A_169 : vector<16xf32> to vector<16xi32>
      tpu.vector_store_idx %arg6[%convert_element_type3A_170, %iota3A], %broadcast_in_dim3A_1 {add = true} : memref<256x16xf32, #tpu.memory_space<vmem>>[vector<16xi32>, vector<16xi32>], vector<16xf32>,
      %add3A_171 = arith.constant 48 : i32
      %add3A_172 = arith.addi %mul3A_157, %add3A_171 : i32
      %get3A_173 = arith.index_cast %add3A_172 : i32 to index
      %get3A_174 = tpu.vector_load %arg5[%get3A_173] {strides = array<i32>} : memref<32768xf32, #tpu.memory_space<vmem>>, vector<16xf32>,
      %convert_element_type3A_175 = arith.fptosi %get3A_174 : vector<16xf32> to vector<16xi32>
      tpu.vector_store_idx %arg6[%convert_element_type3A_175, %iota3A], %broadcast_in_dim3A_1 {add = true} : memref<256x16xf32, #tpu.memory_space<vmem>>[vector<16xi32>, vector<16xi32>], vector<16xf32>,
      %add3A_176 = arith.constant 64 : i32
      %add3A_177 = arith.addi %mul3A_157, %add3A_176 : i32
      %get3A_178 = arith.index_cast %add3A_177 : i32 to index
      %get3A_179 = tpu.vector_load %arg5[%get3A_178] {strides = array<i32>} : memref<32768xf32, #tpu.memory_space<vmem>>, vector<16xf32>,
      %convert_element_type3A_180 = arith.fptosi %get3A_179 : vector<16xf32> to vector<16xi32>
      tpu.vector_store_idx %arg6[%convert_element_type3A_180, %iota3A], %broadcast_in_dim3A_1 {add = true} : memref<256x16xf32, #tpu.memory_space<vmem>>[vector<16xi32>, vector<16xi32>], vector<16xf32>,
      %add3A_181 = arith.constant 80 : i32
      %add3A_182 = arith.addi %mul3A_157, %add3A_181 : i32
      %get3A_183 = arith.index_cast %add3A_182 : i32 to index
      %get3A_184 = tpu.vector_load %arg5[%get3A_183] {strides = array<i32>} : memref<32768xf32, #tpu.memory_space<vmem>>, vector<16xf32>,
      %convert_element_type3A_185 = arith.fptosi %get3A_184 : vector<16xf32> to vector<16xi32>
      tpu.vector_store_idx %arg6[%convert_element_type3A_185, %iota3A], %broadcast_in_dim3A_1 {add = true} : memref<256x16xf32, #tpu.memory_space<vmem>>[vector<16xi32>, vector<16xi32>], vector<16xf32>,
      %add3A_186 = arith.constant 96 : i32
      %add3A_187 = arith.addi %mul3A_157, %add3A_186 : i32
      %get3A_188 = arith.index_cast %add3A_187 : i32 to index
      %get3A_189 = tpu.vector_load %arg5[%get3A_188] {strides = array<i32>} : memref<32768xf32, #tpu.memory_space<vmem>>, vector<16xf32>,
      %convert_element_type3A_190 = arith.fptosi %get3A_189 : vector<16xf32> to vector<16xi32>
      tpu.vector_store_idx %arg6[%convert_element_type3A_190, %iota3A], %broadcast_in_dim3A_1 {add = true} : memref<256x16xf32, #tpu.memory_space<vmem>>[vector<16xi32>, vector<16xi32>], vector<16xf32>,
      %add3A_191 = arith.constant 112 : i32
      %add3A_192 = arith.addi %mul3A_157, %add3A_191 : i32
      %get3A_193 = arith.index_cast %add3A_192 : i32 to index
      %get3A_194 = tpu.vector_load %arg5[%get3A_193] {strides = array<i32>} : memref<32768xf32, #tpu.memory_space<vmem>>, vector<16xf32>,
      %convert_element_type3A_195 = arith.fptosi %get3A_194 : vector<16xf32> to vector<16xi32>
      tpu.vector_store_idx %arg6[%convert_element_type3A_195, %iota3A], %broadcast_in_dim3A_1 {add = true} : memref<256x16xf32, #tpu.memory_space<vmem>>[vector<16xi32>, vector<16xi32>], vector<16xf32>,
      %add3A_196 = arith.constant 128 : i32
      %add3A_197 = arith.addi %mul3A_157, %add3A_196 : i32
      %get3A_198 = arith.index_cast %add3A_197 : i32 to index
      %get3A_199 = tpu.vector_load %arg5[%get3A_198] {strides = array<i32>} : memref<32768xf32, #tpu.memory_space<vmem>>, vector<16xf32>,
      %convert_element_type3A_200 = arith.fptosi %get3A_199 : vector<16xf32> to vector<16xi32>
      tpu.vector_store_idx %arg6[%convert_element_type3A_200, %iota3A], %broadcast_in_dim3A_1 {add = true} : memref<256x16xf32, #tpu.memory_space<vmem>>[vector<16xi32>, vector<16xi32>], vector<16xf32>,
      %add3A_201 = arith.constant 144 : i32
      %add3A_202 = arith.addi %mul3A_157, %add3A_201 : i32
      %get3A_203 = arith.index_cast %add3A_202 : i32 to index
      %get3A_204 = tpu.vector_load %arg5[%get3A_203] {strides = array<i32>} : memref<32768xf32, #tpu.memory_space<vmem>>, vector<16xf32>,
      %convert_element_type3A_205 = arith.fptosi %get3A_204 : vector<16xf32> to vector<16xi32>
      tpu.vector_store_idx %arg6[%convert_element_type3A_205, %iota3A], %broadcast_in_dim3A_1 {add = true} : memref<256x16xf32, #tpu.memory_space<vmem>>[vector<16xi32>, vector<16xi32>], vector<16xf32>,
      %add3A_206 = arith.constant 160 : i32
      %add3A_207 = arith.addi %mul3A_157, %add3A_206 : i32
      %get3A_208 = arith.index_cast %add3A_207 : i32 to index
      %get3A_209 = tpu.vector_load %arg5[%get3A_208] {strides = array<i32>} : memref<32768xf32, #tpu.memory_space<vmem>>, vector<16xf32>,
      %convert_element_type3A_210 = arith.fptosi %get3A_209 : vector<16xf32> to vector<16xi32>
      tpu.vector_store_idx %arg6[%convert_element_type3A_210, %iota3A], %broadcast_in_dim3A_1 {add = true} : memref<256x16xf32, #tpu.memory_space<vmem>>[vector<16xi32>, vector<16xi32>], vector<16xf32>,
      %add3A_211 = arith.constant 176 : i32
      %add3A_212 = arith.addi %mul3A_157, %add3A_211 : i32
      %get3A_213 = arith.index_cast %add3A_212 : i32 to index
      %get3A_214 = tpu.vector_load %arg5[%get3A_213] {strides = array<i32>} : memref<32768xf32, #tpu.memory_space<vmem>>, vector<16xf32>,
      %convert_element_type3A_215 = arith.fptosi %get3A_214 : vector<16xf32> to vector<16xi32>
      tpu.vector_store_idx %arg6[%convert_element_type3A_215, %iota3A], %broadcast_in_dim3A_1 {add = true} : memref<256x16xf32, #tpu.memory_space<vmem>>[vector<16xi32>, vector<16xi32>], vector<16xf32>,
      %add3A_216 = arith.constant 192 : i32
      %add3A_217 = arith.addi %mul3A_157, %add3A_216 : i32
      %get3A_218 = arith.index_cast %add3A_217 : i32 to index
      %get3A_219 = tpu.vector_load %arg5[%get3A_218] {strides = array<i32>} : memref<32768xf32, #tpu.memory_space<vmem>>, vector<16xf32>,
      %convert_element_type3A_220 = arith.fptosi %get3A_219 : vector<16xf32> to vector<16xi32>
      tpu.vector_store_idx %arg6[%convert_element_type3A_220, %iota3A], %broadcast_in_dim3A_1 {add = true} : memref<256x16xf32, #tpu.memory_space<vmem>>[vector<16xi32>, vector<16xi32>], vector<16xf32>,
      %add3A_221 = arith.constant 208 : i32
      %add3A_222 = arith.addi %mul3A_157, %add3A_221 : i32
      %get3A_223 = arith.index_cast %add3A_222 : i32 to index
      %get3A_224 = tpu.vector_load %arg5[%get3A_223] {strides = array<i32>} : memref<32768xf32, #tpu.memory_space<vmem>>, vector<16xf32>,
      %convert_element_type3A_225 = arith.fptosi %get3A_224 : vector<16xf32> to vector<16xi32>
      tpu.vector_store_idx %arg6[%convert_element_type3A_225, %iota3A], %broadcast_in_dim3A_1 {add = true} : memref<256x16xf32, #tpu.memory_space<vmem>>[vector<16xi32>, vector<16xi32>], vector<16xf32>,
      %add3A_226 = arith.constant 224 : i32
      %add3A_227 = arith.addi %mul3A_157, %add3A_226 : i32
      %get3A_228 = arith.index_cast %add3A_227 : i32 to index
      %get3A_229 = tpu.vector_load %arg5[%get3A_228] {strides = array<i32>} : memref<32768xf32, #tpu.memory_space<vmem>>, vector<16xf32>,
      %convert_element_type3A_230 = arith.fptosi %get3A_229 : vector<16xf32> to vector<16xi32>
      tpu.vector_store_idx %arg6[%convert_element_type3A_230, %iota3A], %broadcast_in_dim3A_1 {add = true} : memref<256x16xf32, #tpu.memory_space<vmem>>[vector<16xi32>, vector<16xi32>], vector<16xf32>,
      %add3A_231 = arith.constant 240 : i32
      %add3A_232 = arith.addi %mul3A_157, %add3A_231 : i32
      %get3A_233 = arith.index_cast %add3A_232 : i32 to index
      %get3A_234 = tpu.vector_load %arg5[%get3A_233] {strides = array<i32>} : memref<32768xf32, #tpu.memory_space<vmem>>, vector<16xf32>,
      %convert_element_type3A_235 = arith.fptosi %get3A_234 : vector<16xf32> to vector<16xi32>
      tpu.vector_store_idx %arg6[%convert_element_type3A_235, %iota3A], %broadcast_in_dim3A_1 {add = true} : memref<256x16xf32, #tpu.memory_space<vmem>>[vector<16xi32>, vector<16xi32>], vector<16xf32>,
    }
    %scan3A_118 = arith.constant 128 : i32
    %dma_start3A_119 = arith.constant 229376 : i32
    %dma_start3A_120 = tpu.memref_slice %arg2[%add3A, %dma_start3A_119] : memref<32x262144xf32, #tpu.memory_space<hbm>> -> memref<1x32768xf32, #tpu.memory_space<hbm>>
    %dma_start3A_121 = tpu.memref_squeeze %dma_start3A_120 : memref<1x32768xf32, #tpu.memory_space<hbm>> -> memref<32768xf32, #tpu.memory_space<hbm>>
    %dma_start3A_122 = arith.constant 229376 : i32
    %dma_start3A_123 = tpu.memref_slice %arg2[%add3A, %dma_start3A_122] : memref<32x262144xf32, #tpu.memory_space<hbm>> -> memref<1x32768xf32, #tpu.memory_space<hbm>>
    %dma_start3A_124 = tpu.memref_squeeze %dma_start3A_123 : memref<1x32768xf32, #tpu.memory_space<hbm>> -> memref<32768xf32, #tpu.memory_space<hbm>>
    tpu.enqueue_dma source(%dma_start3A_124 : memref<32768xf32, #tpu.memory_space<hbm>>) target(%arg5 : memref<32768xf32, #tpu.memory_space<vmem>>) target_semaphore(%arg9 : memref<!tpu.dma_semaphore, #tpu.memory_space<semaphore_mem>>)
    %dma_wait3A_125 = arith.constant 196608 : i32
    %dma_wait3A_126 = tpu.memref_slice %arg2[%add3A, %dma_wait3A_125] : memref<32x262144xf32, #tpu.memory_space<hbm>> -> memref<1x32768xf32, #tpu.memory_space<hbm>>
    %dma_wait3A_127 = tpu.memref_squeeze %dma_wait3A_126 : memref<1x32768xf32, #tpu.memory_space<hbm>> -> memref<32768xf32, #tpu.memory_space<hbm>>
    %dma_wait3A_128 = arith.constant 196608 : i32
    %dma_wait3A_129 = tpu.memref_slice %arg2[%add3A, %dma_wait3A_128] : memref<32x262144xf32, #tpu.memory_space<hbm>> -> memref<1x32768xf32, #tpu.memory_space<hbm>>
    %dma_wait3A_130 = tpu.memref_squeeze %dma_wait3A_129 : memref<1x32768xf32, #tpu.memory_space<hbm>> -> memref<32768xf32, #tpu.memory_space<hbm>>
    tpu.wait_dma2 semaphore(%arg8 : memref<!tpu.dma_semaphore, #tpu.memory_space<semaphore_mem>>) src(%dma_wait3A_130 : memref<32768xf32, #tpu.memory_space<hbm>>) dst(%arg4 : memref<32768xf32, #tpu.memory_space<vmem>>)
    %scan3A_131 = arith.constant 0 : i32
    %scan3A_132 = arith.constant 0 : i32
    %scan3A_133 = arith.constant 128 : i32
    %scan3A_134 = arith.addi %scan3A_132, %scan3A_133 : i32
    %scan3A_135 = arith.constant 1 : i32
    scf.for %scan3A_155 = %scan3A_132 to %scan3A_134 step %scan3A_135  : i32 {
      %mul3A_156 = arith.constant 256 : i32
      %mul3A_157 = arith.muli %scan3A_155, %mul3A_156 : i32
      %add3A_158 = arith.constant 0 : i32
      %add3A_159 = arith.addi %mul3A_157, %add3A_158 : i32
      %get3A = arith.index_cast %add3A_159 : i32 to index
      %get3A_160 = tpu.vector_load %arg4[%get3A] {strides = array<i32>} : memref<32768xf32, #tpu.memory_space<vmem>>, vector<16xf32>,
      %convert_element_type3A = arith.fptosi %get3A_160 : vector<16xf32> to vector<16xi32>
      tpu.vector_store_idx %arg6[%convert_element_type3A, %iota3A], %broadcast_in_dim3A_1 {add = true} : memref<256x16xf32, #tpu.memory_space<vmem>>[vector<16xi32>, vector<16xi32>], vector<16xf32>,
      %add3A_161 = arith.constant 16 : i32
      %add3A_162 = arith.addi %mul3A_157, %add3A_161 : i32
      %get3A_163 = arith.index_cast %add3A_162 : i32 to index
      %get3A_164 = tpu.vector_load %arg4[%get3A_163] {strides = array<i32>} : memref<32768xf32, #tpu.memory_space<vmem>>, vector<16xf32>,
      %convert_element_type3A_165 = arith.fptosi %get3A_164 : vector<16xf32> to vector<16xi32>
      tpu.vector_store_idx %arg6[%convert_element_type3A_165, %iota3A], %broadcast_in_dim3A_1 {add = true} : memref<256x16xf32, #tpu.memory_space<vmem>>[vector<16xi32>, vector<16xi32>], vector<16xf32>,
      %add3A_166 = arith.constant 32 : i32
      %add3A_167 = arith.addi %mul3A_157, %add3A_166 : i32
      %get3A_168 = arith.index_cast %add3A_167 : i32 to index
      %get3A_169 = tpu.vector_load %arg4[%get3A_168] {strides = array<i32>} : memref<32768xf32, #tpu.memory_space<vmem>>, vector<16xf32>,
      %convert_element_type3A_170 = arith.fptosi %get3A_169 : vector<16xf32> to vector<16xi32>
      tpu.vector_store_idx %arg6[%convert_element_type3A_170, %iota3A], %broadcast_in_dim3A_1 {add = true} : memref<256x16xf32, #tpu.memory_space<vmem>>[vector<16xi32>, vector<16xi32>], vector<16xf32>,
      %add3A_171 = arith.constant 48 : i32
      %add3A_172 = arith.addi %mul3A_157, %add3A_171 : i32
      %get3A_173 = arith.index_cast %add3A_172 : i32 to index
      %get3A_174 = tpu.vector_load %arg4[%get3A_173] {strides = array<i32>} : memref<32768xf32, #tpu.memory_space<vmem>>, vector<16xf32>,
      %convert_element_type3A_175 = arith.fptosi %get3A_174 : vector<16xf32> to vector<16xi32>
      tpu.vector_store_idx %arg6[%convert_element_type3A_175, %iota3A], %broadcast_in_dim3A_1 {add = true} : memref<256x16xf32, #tpu.memory_space<vmem>>[vector<16xi32>, vector<16xi32>], vector<16xf32>,
      %add3A_176 = arith.constant 64 : i32
      %add3A_177 = arith.addi %mul3A_157, %add3A_176 : i32
      %get3A_178 = arith.index_cast %add3A_177 : i32 to index
      %get3A_179 = tpu.vector_load %arg4[%get3A_178] {strides = array<i32>} : memref<32768xf32, #tpu.memory_space<vmem>>, vector<16xf32>,
      %convert_element_type3A_180 = arith.fptosi %get3A_179 : vector<16xf32> to vector<16xi32>
      tpu.vector_store_idx %arg6[%convert_element_type3A_180, %iota3A], %broadcast_in_dim3A_1 {add = true} : memref<256x16xf32, #tpu.memory_space<vmem>>[vector<16xi32>, vector<16xi32>], vector<16xf32>,
      %add3A_181 = arith.constant 80 : i32
      %add3A_182 = arith.addi %mul3A_157, %add3A_181 : i32
      %get3A_183 = arith.index_cast %add3A_182 : i32 to index
      %get3A_184 = tpu.vector_load %arg4[%get3A_183] {strides = array<i32>} : memref<32768xf32, #tpu.memory_space<vmem>>, vector<16xf32>,
      %convert_element_type3A_185 = arith.fptosi %get3A_184 : vector<16xf32> to vector<16xi32>
      tpu.vector_store_idx %arg6[%convert_element_type3A_185, %iota3A], %broadcast_in_dim3A_1 {add = true} : memref<256x16xf32, #tpu.memory_space<vmem>>[vector<16xi32>, vector<16xi32>], vector<16xf32>,
      %add3A_186 = arith.constant 96 : i32
      %add3A_187 = arith.addi %mul3A_157, %add3A_186 : i32
      %get3A_188 = arith.index_cast %add3A_187 : i32 to index
      %get3A_189 = tpu.vector_load %arg4[%get3A_188] {strides = array<i32>} : memref<32768xf32, #tpu.memory_space<vmem>>, vector<16xf32>,
      %convert_element_type3A_190 = arith.fptosi %get3A_189 : vector<16xf32> to vector<16xi32>
      tpu.vector_store_idx %arg6[%convert_element_type3A_190, %iota3A], %broadcast_in_dim3A_1 {add = true} : memref<256x16xf32, #tpu.memory_space<vmem>>[vector<16xi32>, vector<16xi32>], vector<16xf32>,
      %add3A_191 = arith.constant 112 : i32
      %add3A_192 = arith.addi %mul3A_157, %add3A_191 : i32
      %get3A_193 = arith.index_cast %add3A_192 : i32 to index
      %get3A_194 = tpu.vector_load %arg4[%get3A_193] {strides = array<i32>} : memref<32768xf32, #tpu.memory_space<vmem>>, vector<16xf32>,
      %convert_element_type3A_195 = arith.fptosi %get3A_194 : vector<16xf32> to vector<16xi32>
      tpu.vector_store_idx %arg6[%convert_element_type3A_195, %iota3A], %broadcast_in_dim3A_1 {add = true} : memref<256x16xf32, #tpu.memory_space<vmem>>[vector<16xi32>, vector<16xi32>], vector<16xf32>,
      %add3A_196 = arith.constant 128 : i32
      %add3A_197 = arith.addi %mul3A_157, %add3A_196 : i32
      %get3A_198 = arith.index_cast %add3A_197 : i32 to index
      %get3A_199 = tpu.vector_load %arg4[%get3A_198] {strides = array<i32>} : memref<32768xf32, #tpu.memory_space<vmem>>, vector<16xf32>,
      %convert_element_type3A_200 = arith.fptosi %get3A_199 : vector<16xf32> to vector<16xi32>
      tpu.vector_store_idx %arg6[%convert_element_type3A_200, %iota3A], %broadcast_in_dim3A_1 {add = true} : memref<256x16xf32, #tpu.memory_space<vmem>>[vector<16xi32>, vector<16xi32>], vector<16xf32>,
      %add3A_201 = arith.constant 144 : i32
      %add3A_202 = arith.addi %mul3A_157, %add3A_201 : i32
      %get3A_203 = arith.index_cast %add3A_202 : i32 to index
      %get3A_204 = tpu.vector_load %arg4[%get3A_203] {strides = array<i32>} : memref<32768xf32, #tpu.memory_space<vmem>>, vector<16xf32>,
      %convert_element_type3A_205 = arith.fptosi %get3A_204 : vector<16xf32> to vector<16xi32>
      tpu.vector_store_idx %arg6[%convert_element_type3A_205, %iota3A], %broadcast_in_dim3A_1 {add = true} : memref<256x16xf32, #tpu.memory_space<vmem>>[vector<16xi32>, vector<16xi32>], vector<16xf32>,
      %add3A_206 = arith.constant 160 : i32
      %add3A_207 = arith.addi %mul3A_157, %add3A_206 : i32
      %get3A_208 = arith.index_cast %add3A_207 : i32 to index
      %get3A_209 = tpu.vector_load %arg4[%get3A_208] {strides = array<i32>} : memref<32768xf32, #tpu.memory_space<vmem>>, vector<16xf32>,
      %convert_element_type3A_210 = arith.fptosi %get3A_209 : vector<16xf32> to vector<16xi32>
      tpu.vector_store_idx %arg6[%convert_element_type3A_210, %iota3A], %broadcast_in_dim3A_1 {add = true} : memref<256x16xf32, #tpu.memory_space<vmem>>[vector<16xi32>, vector<16xi32>], vector<16xf32>,
      %add3A_211 = arith.constant 176 : i32
      %add3A_212 = arith.addi %mul3A_157, %add3A_211 : i32
      %get3A_213 = arith.index_cast %add3A_212 : i32 to index
      %get3A_214 = tpu.vector_load %arg4[%get3A_213] {strides = array<i32>} : memref<32768xf32, #tpu.memory_space<vmem>>, vector<16xf32>,
      %convert_element_type3A_215 = arith.fptosi %get3A_214 : vector<16xf32> to vector<16xi32>
      tpu.vector_store_idx %arg6[%convert_element_type3A_215, %iota3A], %broadcast_in_dim3A_1 {add = true} : memref<256x16xf32, #tpu.memory_space<vmem>>[vector<16xi32>, vector<16xi32>], vector<16xf32>,
      %add3A_216 = arith.constant 192 : i32
      %add3A_217 = arith.addi %mul3A_157, %add3A_216 : i32
      %get3A_218 = arith.index_cast %add3A_217 : i32 to index
      %get3A_219 = tpu.vector_load %arg4[%get3A_218] {strides = array<i32>} : memref<32768xf32, #tpu.memory_space<vmem>>, vector<16xf32>,
      %convert_element_type3A_220 = arith.fptosi %get3A_219 : vector<16xf32> to vector<16xi32>
      tpu.vector_store_idx %arg6[%convert_element_type3A_220, %iota3A], %broadcast_in_dim3A_1 {add = true} : memref<256x16xf32, #tpu.memory_space<vmem>>[vector<16xi32>, vector<16xi32>], vector<16xf32>,
      %add3A_221 = arith.constant 208 : i32
      %add3A_222 = arith.addi %mul3A_157, %add3A_221 : i32
      %get3A_223 = arith.index_cast %add3A_222 : i32 to index
      %get3A_224 = tpu.vector_load %arg4[%get3A_223] {strides = array<i32>} : memref<32768xf32, #tpu.memory_space<vmem>>, vector<16xf32>,
      %convert_element_type3A_225 = arith.fptosi %get3A_224 : vector<16xf32> to vector<16xi32>
      tpu.vector_store_idx %arg6[%convert_element_type3A_225, %iota3A], %broadcast_in_dim3A_1 {add = true} : memref<256x16xf32, #tpu.memory_space<vmem>>[vector<16xi32>, vector<16xi32>], vector<16xf32>,
      %add3A_226 = arith.constant 224 : i32
      %add3A_227 = arith.addi %mul3A_157, %add3A_226 : i32
      %get3A_228 = arith.index_cast %add3A_227 : i32 to index
      %get3A_229 = tpu.vector_load %arg4[%get3A_228] {strides = array<i32>} : memref<32768xf32, #tpu.memory_space<vmem>>, vector<16xf32>,
      %convert_element_type3A_230 = arith.fptosi %get3A_229 : vector<16xf32> to vector<16xi32>
      tpu.vector_store_idx %arg6[%convert_element_type3A_230, %iota3A], %broadcast_in_dim3A_1 {add = true} : memref<256x16xf32, #tpu.memory_space<vmem>>[vector<16xi32>, vector<16xi32>], vector<16xf32>,
      %add3A_231 = arith.constant 240 : i32
      %add3A_232 = arith.addi %mul3A_157, %add3A_231 : i32
      %get3A_233 = arith.index_cast %add3A_232 : i32 to index
      %get3A_234 = tpu.vector_load %arg4[%get3A_233] {strides = array<i32>} : memref<32768xf32, #tpu.memory_space<vmem>>, vector<16xf32>,
      %convert_element_type3A_235 = arith.fptosi %get3A_234 : vector<16xf32> to vector<16xi32>
      tpu.vector_store_idx %arg6[%convert_element_type3A_235, %iota3A], %broadcast_in_dim3A_1 {add = true} : memref<256x16xf32, #tpu.memory_space<vmem>>[vector<16xi32>, vector<16xi32>], vector<16xf32>,
    }
    %scan3A_136 = arith.constant 128 : i32
    %dma_wait3A_137 = arith.constant 229376 : i32
    %dma_wait3A_138 = tpu.memref_slice %arg2[%add3A, %dma_wait3A_137] : memref<32x262144xf32, #tpu.memory_space<hbm>> -> memref<1x32768xf32, #tpu.memory_space<hbm>>
    %dma_wait3A_139 = tpu.memref_squeeze %dma_wait3A_138 : memref<1x32768xf32, #tpu.memory_space<hbm>> -> memref<32768xf32, #tpu.memory_space<hbm>>
    %dma_wait3A_140 = arith.constant 229376 : i32
    %dma_wait3A_141 = tpu.memref_slice %arg2[%add3A, %dma_wait3A_140] : memref<32x262144xf32, #tpu.memory_space<hbm>> -> memref<1x32768xf32, #tpu.memory_space<hbm>>
    %dma_wait3A_142 = tpu.memref_squeeze %dma_wait3A_141 : memref<1x32768xf32, #tpu.memory_space<hbm>> -> memref<32768xf32, #tpu.memory_space<hbm>>
    tpu.wait_dma2 semaphore(%arg9 : memref<!tpu.dma_semaphore, #tpu.memory_space<semaphore_mem>>) src(%dma_wait3A_142 : memref<32768xf32, #tpu.memory_space<hbm>>) dst(%arg5 : memref<32768xf32, #tpu.memory_space<vmem>>)
    %scan3A_143 = arith.constant 0 : i32
    %scan3A_144 = arith.constant 0 : i32
    %scan3A_145 = arith.constant 128 : i32
    %scan3A_146 = arith.addi %scan3A_144, %scan3A_145 : i32
    %scan3A_147 = arith.constant 1 : i32
    scf.for %scan3A_155 = %scan3A_144 to %scan3A_146 step %scan3A_147  : i32 {
      %mul3A_156 = arith.constant 256 : i32
      %mul3A_157 = arith.muli %scan3A_155, %mul3A_156 : i32
      %add3A_158 = arith.constant 0 : i32
      %add3A_159 = arith.addi %mul3A_157, %add3A_158 : i32
      %get3A = arith.index_cast %add3A_159 : i32 to index
      %get3A_160 = tpu.vector_load %arg5[%get3A] {strides = array<i32>} : memref<32768xf32, #tpu.memory_space<vmem>>, vector<16xf32>,
      %convert_element_type3A = arith.fptosi %get3A_160 : vector<16xf32> to vector<16xi32>
      tpu.vector_store_idx %arg6[%convert_element_type3A, %iota3A], %broadcast_in_dim3A_1 {add = true} : memref<256x16xf32, #tpu.memory_space<vmem>>[vector<16xi32>, vector<16xi32>], vector<16xf32>,
      %add3A_161 = arith.constant 16 : i32
      %add3A_162 = arith.addi %mul3A_157, %add3A_161 : i32
      %get3A_163 = arith.index_cast %add3A_162 : i32 to index
      %get3A_164 = tpu.vector_load %arg5[%get3A_163] {strides = array<i32>} : memref<32768xf32, #tpu.memory_space<vmem>>, vector<16xf32>,
      %convert_element_type3A_165 = arith.fptosi %get3A_164 : vector<16xf32> to vector<16xi32>
      tpu.vector_store_idx %arg6[%convert_element_type3A_165, %iota3A], %broadcast_in_dim3A_1 {add = true} : memref<256x16xf32, #tpu.memory_space<vmem>>[vector<16xi32>, vector<16xi32>], vector<16xf32>,
      %add3A_166 = arith.constant 32 : i32
      %add3A_167 = arith.addi %mul3A_157, %add3A_166 : i32
      %get3A_168 = arith.index_cast %add3A_167 : i32 to index
      %get3A_169 = tpu.vector_load %arg5[%get3A_168] {strides = array<i32>} : memref<32768xf32, #tpu.memory_space<vmem>>, vector<16xf32>,
      %convert_element_type3A_170 = arith.fptosi %get3A_169 : vector<16xf32> to vector<16xi32>
      tpu.vector_store_idx %arg6[%convert_element_type3A_170, %iota3A], %broadcast_in_dim3A_1 {add = true} : memref<256x16xf32, #tpu.memory_space<vmem>>[vector<16xi32>, vector<16xi32>], vector<16xf32>,
      %add3A_171 = arith.constant 48 : i32
      %add3A_172 = arith.addi %mul3A_157, %add3A_171 : i32
      %get3A_173 = arith.index_cast %add3A_172 : i32 to index
      %get3A_174 = tpu.vector_load %arg5[%get3A_173] {strides = array<i32>} : memref<32768xf32, #tpu.memory_space<vmem>>, vector<16xf32>,
      %convert_element_type3A_175 = arith.fptosi %get3A_174 : vector<16xf32> to vector<16xi32>
      tpu.vector_store_idx %arg6[%convert_element_type3A_175, %iota3A], %broadcast_in_dim3A_1 {add = true} : memref<256x16xf32, #tpu.memory_space<vmem>>[vector<16xi32>, vector<16xi32>], vector<16xf32>,
      %add3A_176 = arith.constant 64 : i32
      %add3A_177 = arith.addi %mul3A_157, %add3A_176 : i32
      %get3A_178 = arith.index_cast %add3A_177 : i32 to index
      %get3A_179 = tpu.vector_load %arg5[%get3A_178] {strides = array<i32>} : memref<32768xf32, #tpu.memory_space<vmem>>, vector<16xf32>,
      %convert_element_type3A_180 = arith.fptosi %get3A_179 : vector<16xf32> to vector<16xi32>
      tpu.vector_store_idx %arg6[%convert_element_type3A_180, %iota3A], %broadcast_in_dim3A_1 {add = true} : memref<256x16xf32, #tpu.memory_space<vmem>>[vector<16xi32>, vector<16xi32>], vector<16xf32>,
      %add3A_181 = arith.constant 80 : i32
      %add3A_182 = arith.addi %mul3A_157, %add3A_181 : i32
      %get3A_183 = arith.index_cast %add3A_182 : i32 to index
      %get3A_184 = tpu.vector_load %arg5[%get3A_183] {strides = array<i32>} : memref<32768xf32, #tpu.memory_space<vmem>>, vector<16xf32>,
      %convert_element_type3A_185 = arith.fptosi %get3A_184 : vector<16xf32> to vector<16xi32>
      tpu.vector_store_idx %arg6[%convert_element_type3A_185, %iota3A], %broadcast_in_dim3A_1 {add = true} : memref<256x16xf32, #tpu.memory_space<vmem>>[vector<16xi32>, vector<16xi32>], vector<16xf32>,
      %add3A_186 = arith.constant 96 : i32
      %add3A_187 = arith.addi %mul3A_157, %add3A_186 : i32
      %get3A_188 = arith.index_cast %add3A_187 : i32 to index
      %get3A_189 = tpu.vector_load %arg5[%get3A_188] {strides = array<i32>} : memref<32768xf32, #tpu.memory_space<vmem>>, vector<16xf32>,
      %convert_element_type3A_190 = arith.fptosi %get3A_189 : vector<16xf32> to vector<16xi32>
      tpu.vector_store_idx %arg6[%convert_element_type3A_190, %iota3A], %broadcast_in_dim3A_1 {add = true} : memref<256x16xf32, #tpu.memory_space<vmem>>[vector<16xi32>, vector<16xi32>], vector<16xf32>,
      %add3A_191 = arith.constant 112 : i32
      %add3A_192 = arith.addi %mul3A_157, %add3A_191 : i32
      %get3A_193 = arith.index_cast %add3A_192 : i32 to index
      %get3A_194 = tpu.vector_load %arg5[%get3A_193] {strides = array<i32>} : memref<32768xf32, #tpu.memory_space<vmem>>, vector<16xf32>,
      %convert_element_type3A_195 = arith.fptosi %get3A_194 : vector<16xf32> to vector<16xi32>
      tpu.vector_store_idx %arg6[%convert_element_type3A_195, %iota3A], %broadcast_in_dim3A_1 {add = true} : memref<256x16xf32, #tpu.memory_space<vmem>>[vector<16xi32>, vector<16xi32>], vector<16xf32>,
      %add3A_196 = arith.constant 128 : i32
      %add3A_197 = arith.addi %mul3A_157, %add3A_196 : i32
      %get3A_198 = arith.index_cast %add3A_197 : i32 to index
      %get3A_199 = tpu.vector_load %arg5[%get3A_198] {strides = array<i32>} : memref<32768xf32, #tpu.memory_space<vmem>>, vector<16xf32>,
      %convert_element_type3A_200 = arith.fptosi %get3A_199 : vector<16xf32> to vector<16xi32>
      tpu.vector_store_idx %arg6[%convert_element_type3A_200, %iota3A], %broadcast_in_dim3A_1 {add = true} : memref<256x16xf32, #tpu.memory_space<vmem>>[vector<16xi32>, vector<16xi32>], vector<16xf32>,
      %add3A_201 = arith.constant 144 : i32
      %add3A_202 = arith.addi %mul3A_157, %add3A_201 : i32
      %get3A_203 = arith.index_cast %add3A_202 : i32 to index
      %get3A_204 = tpu.vector_load %arg5[%get3A_203] {strides = array<i32>} : memref<32768xf32, #tpu.memory_space<vmem>>, vector<16xf32>,
      %convert_element_type3A_205 = arith.fptosi %get3A_204 : vector<16xf32> to vector<16xi32>
      tpu.vector_store_idx %arg6[%convert_element_type3A_205, %iota3A], %broadcast_in_dim3A_1 {add = true} : memref<256x16xf32, #tpu.memory_space<vmem>>[vector<16xi32>, vector<16xi32>], vector<16xf32>,
      %add3A_206 = arith.constant 160 : i32
      %add3A_207 = arith.addi %mul3A_157, %add3A_206 : i32
      %get3A_208 = arith.index_cast %add3A_207 : i32 to index
      %get3A_209 = tpu.vector_load %arg5[%get3A_208] {strides = array<i32>} : memref<32768xf32, #tpu.memory_space<vmem>>, vector<16xf32>,
      %convert_element_type3A_210 = arith.fptosi %get3A_209 : vector<16xf32> to vector<16xi32>
      tpu.vector_store_idx %arg6[%convert_element_type3A_210, %iota3A], %broadcast_in_dim3A_1 {add = true} : memref<256x16xf32, #tpu.memory_space<vmem>>[vector<16xi32>, vector<16xi32>], vector<16xf32>,
      %add3A_211 = arith.constant 176 : i32
      %add3A_212 = arith.addi %mul3A_157, %add3A_211 : i32
      %get3A_213 = arith.index_cast %add3A_212 : i32 to index
      %get3A_214 = tpu.vector_load %arg5[%get3A_213] {strides = array<i32>} : memref<32768xf32, #tpu.memory_space<vmem>>, vector<16xf32>,
      %convert_element_type3A_215 = arith.fptosi %get3A_214 : vector<16xf32> to vector<16xi32>
      tpu.vector_store_idx %arg6[%convert_element_type3A_215, %iota3A], %broadcast_in_dim3A_1 {add = true} : memref<256x16xf32, #tpu.memory_space<vmem>>[vector<16xi32>, vector<16xi32>], vector<16xf32>,
      %add3A_216 = arith.constant 192 : i32
      %add3A_217 = arith.addi %mul3A_157, %add3A_216 : i32
      %get3A_218 = arith.index_cast %add3A_217 : i32 to index
      %get3A_219 = tpu.vector_load %arg5[%get3A_218] {strides = array<i32>} : memref<32768xf32, #tpu.memory_space<vmem>>, vector<16xf32>,
      %convert_element_type3A_220 = arith.fptosi %get3A_219 : vector<16xf32> to vector<16xi32>
      tpu.vector_store_idx %arg6[%convert_element_type3A_220, %iota3A], %broadcast_in_dim3A_1 {add = true} : memref<256x16xf32, #tpu.memory_space<vmem>>[vector<16xi32>, vector<16xi32>], vector<16xf32>,
      %add3A_221 = arith.constant 208 : i32
      %add3A_222 = arith.addi %mul3A_157, %add3A_221 : i32
      %get3A_223 = arith.index_cast %add3A_222 : i32 to index
      %get3A_224 = tpu.vector_load %arg5[%get3A_223] {strides = array<i32>} : memref<32768xf32, #tpu.memory_space<vmem>>, vector<16xf32>,
      %convert_element_type3A_225 = arith.fptosi %get3A_224 : vector<16xf32> to vector<16xi32>
      tpu.vector_store_idx %arg6[%convert_element_type3A_225, %iota3A], %broadcast_in_dim3A_1 {add = true} : memref<256x16xf32, #tpu.memory_space<vmem>>[vector<16xi32>, vector<16xi32>], vector<16xf32>,
      %add3A_226 = arith.constant 224 : i32
      %add3A_227 = arith.addi %mul3A_157, %add3A_226 : i32
      %get3A_228 = arith.index_cast %add3A_227 : i32 to index
      %get3A_229 = tpu.vector_load %arg5[%get3A_228] {strides = array<i32>} : memref<32768xf32, #tpu.memory_space<vmem>>, vector<16xf32>,
      %convert_element_type3A_230 = arith.fptosi %get3A_229 : vector<16xf32> to vector<16xi32>
      tpu.vector_store_idx %arg6[%convert_element_type3A_230, %iota3A], %broadcast_in_dim3A_1 {add = true} : memref<256x16xf32, #tpu.memory_space<vmem>>[vector<16xi32>, vector<16xi32>], vector<16xf32>,
      %add3A_231 = arith.constant 240 : i32
      %add3A_232 = arith.addi %mul3A_157, %add3A_231 : i32
      %get3A_233 = arith.index_cast %add3A_232 : i32 to index
      %get3A_234 = tpu.vector_load %arg5[%get3A_233] {strides = array<i32>} : memref<32768xf32, #tpu.memory_space<vmem>>, vector<16xf32>,
      %convert_element_type3A_235 = arith.fptosi %get3A_234 : vector<16xf32> to vector<16xi32>
      tpu.vector_store_idx %arg6[%convert_element_type3A_235, %iota3A], %broadcast_in_dim3A_1 {add = true} : memref<256x16xf32, #tpu.memory_space<vmem>>[vector<16xi32>, vector<16xi32>], vector<16xf32>,
    }
    %scan3A_148 = arith.constant 128 : i32
    %scan3A_149 = arith.constant 0 : i32
    %scan3A_150 = arith.constant 0 : i32
    %scan3A_151 = arith.constant 16 : i32
    %scan3A_152 = arith.addi %scan3A_150, %scan3A_151 : i32
    %scan3A_153 = arith.constant 1 : i32
    scf.for %scan3A_155 = %scan3A_150 to %scan3A_152 step %scan3A_153  : i32 {
      %broadcast_in_dim3A_156 = arith.constant 0.000000e+00 : f32
      %broadcast_in_dim3A_157 = vector.broadcast %broadcast_in_dim3A_156 : f32 to vector<16xf32>
      %mul3A_158 = arith.constant 16 : i32
      %mul3A_159 = arith.muli %scan3A_155, %mul3A_158 : i32
      %add3A_160 = arith.constant 0 : i32
      %add3A_161 = arith.addi %mul3A_159, %add3A_160 : i32
      %get3A = arith.index_cast %add3A_161 : i32 to index
      %get3A_162 = arith.constant 0 : index
      %get3A_163 = tpu.vector_load %arg6[%get3A, %get3A_162] {strides = array<i32>} : memref<256x16xf32, #tpu.memory_space<vmem>>, vector<16xf32>,
      %reduce_sum3A = arith.constant true
      %reduce_sum3A_164 = vector.broadcast %reduce_sum3A : i1 to vector<16xi1>
      %reduce_sum3A_165 = tpu.scan <sum>, %get3A_163 masked %reduce_sum3A_164 : vector<16xf32>, vector<16xi1> -> vector<16xf32>
      %reduce_sum3A_166 = vector.extract %reduce_sum3A_165[15] : f32 from vector<16xf32>
      %eq3A = arith.constant 0 : i32
      %eq3A_167 = vector.broadcast %eq3A : i32 to vector<16xi32>
      %eq3A_168 = arith.cmpi eq, %iota3A, %eq3A_167 : vector<16xi32>
      %broadcast_in_dim3A_169 = vector.broadcast %reduce_sum3A_166 : f32 to vector<16xf32>
      %select_n3A = arith.select %eq3A_168, %broadcast_in_dim3A_169, %broadcast_in_dim3A_157 : vector<16xi1>, vector<16xf32>
      %mul3A_170 = arith.constant 16 : i32
      %mul3A_171 = arith.muli %scan3A_155, %mul3A_170 : i32
      %add3A_172 = arith.constant 1 : i32
      %add3A_173 = arith.addi %mul3A_171, %add3A_172 : i32
      %get3A_174 = arith.index_cast %add3A_173 : i32 to index
      %get3A_175 = arith.constant 0 : index
      %get3A_176 = tpu.vector_load %arg6[%get3A_174, %get3A_175] {strides = array<i32>} : memref<256x16xf32, #tpu.memory_space<vmem>>, vector<16xf32>,
      %reduce_sum3A_177 = arith.constant true
      %reduce_sum3A_178 = vector.broadcast %reduce_sum3A_177 : i1 to vector<16xi1>
      %reduce_sum3A_179 = tpu.scan <sum>, %get3A_176 masked %reduce_sum3A_178 : vector<16xf32>, vector<16xi1> -> vector<16xf32>
      %reduce_sum3A_180 = vector.extract %reduce_sum3A_179[15] : f32 from vector<16xf32>
      %eq3A_181 = arith.constant 1 : i32
      %eq3A_182 = vector.broadcast %eq3A_181 : i32 to vector<16xi32>
      %eq3A_183 = arith.cmpi eq, %iota3A, %eq3A_182 : vector<16xi32>
      %broadcast_in_dim3A_184 = vector.broadcast %reduce_sum3A_180 : f32 to vector<16xf32>
      %select_n3A_185 = arith.select %eq3A_183, %broadcast_in_dim3A_184, %select_n3A : vector<16xi1>, vector<16xf32>
      %mul3A_186 = arith.constant 16 : i32
      %mul3A_187 = arith.muli %scan3A_155, %mul3A_186 : i32
      %add3A_188 = arith.constant 2 : i32
      %add3A_189 = arith.addi %mul3A_187, %add3A_188 : i32
      %get3A_190 = arith.index_cast %add3A_189 : i32 to index
      %get3A_191 = arith.constant 0 : index
      %get3A_192 = tpu.vector_load %arg6[%get3A_190, %get3A_191] {strides = array<i32>} : memref<256x16xf32, #tpu.memory_space<vmem>>, vector<16xf32>,
      %reduce_sum3A_193 = arith.constant true
      %reduce_sum3A_194 = vector.broadcast %reduce_sum3A_193 : i1 to vector<16xi1>
      %reduce_sum3A_195 = tpu.scan <sum>, %get3A_192 masked %reduce_sum3A_194 : vector<16xf32>, vector<16xi1> -> vector<16xf32>
      %reduce_sum3A_196 = vector.extract %reduce_sum3A_195[15] : f32 from vector<16xf32>
      %eq3A_197 = arith.constant 2 : i32
      %eq3A_198 = vector.broadcast %eq3A_197 : i32 to vector<16xi32>
      %eq3A_199 = arith.cmpi eq, %iota3A, %eq3A_198 : vector<16xi32>
      %broadcast_in_dim3A_200 = vector.broadcast %reduce_sum3A_196 : f32 to vector<16xf32>
      %select_n3A_201 = arith.select %eq3A_199, %broadcast_in_dim3A_200, %select_n3A_185 : vector<16xi1>, vector<16xf32>
      %mul3A_202 = arith.constant 16 : i32
      %mul3A_203 = arith.muli %scan3A_155, %mul3A_202 : i32
      %add3A_204 = arith.constant 3 : i32
      %add3A_205 = arith.addi %mul3A_203, %add3A_204 : i32
      %get3A_206 = arith.index_cast %add3A_205 : i32 to index
      %get3A_207 = arith.constant 0 : index
      %get3A_208 = tpu.vector_load %arg6[%get3A_206, %get3A_207] {strides = array<i32>} : memref<256x16xf32, #tpu.memory_space<vmem>>, vector<16xf32>,
      %reduce_sum3A_209 = arith.constant true
      %reduce_sum3A_210 = vector.broadcast %reduce_sum3A_209 : i1 to vector<16xi1>
      %reduce_sum3A_211 = tpu.scan <sum>, %get3A_208 masked %reduce_sum3A_210 : vector<16xf32>, vector<16xi1> -> vector<16xf32>
      %reduce_sum3A_212 = vector.extract %reduce_sum3A_211[15] : f32 from vector<16xf32>
      %eq3A_213 = arith.constant 3 : i32
      %eq3A_214 = vector.broadcast %eq3A_213 : i32 to vector<16xi32>
      %eq3A_215 = arith.cmpi eq, %iota3A, %eq3A_214 : vector<16xi32>
      %broadcast_in_dim3A_216 = vector.broadcast %reduce_sum3A_212 : f32 to vector<16xf32>
      %select_n3A_217 = arith.select %eq3A_215, %broadcast_in_dim3A_216, %select_n3A_201 : vector<16xi1>, vector<16xf32>
      %mul3A_218 = arith.constant 16 : i32
      %mul3A_219 = arith.muli %scan3A_155, %mul3A_218 : i32
      %add3A_220 = arith.constant 4 : i32
      %add3A_221 = arith.addi %mul3A_219, %add3A_220 : i32
      %get3A_222 = arith.index_cast %add3A_221 : i32 to index
      %get3A_223 = arith.constant 0 : index
      %get3A_224 = tpu.vector_load %arg6[%get3A_222, %get3A_223] {strides = array<i32>} : memref<256x16xf32, #tpu.memory_space<vmem>>, vector<16xf32>,
      %reduce_sum3A_225 = arith.constant true
      %reduce_sum3A_226 = vector.broadcast %reduce_sum3A_225 : i1 to vector<16xi1>
      %reduce_sum3A_227 = tpu.scan <sum>, %get3A_224 masked %reduce_sum3A_226 : vector<16xf32>, vector<16xi1> -> vector<16xf32>
      %reduce_sum3A_228 = vector.extract %reduce_sum3A_227[15] : f32 from vector<16xf32>
      %eq3A_229 = arith.constant 4 : i32
      %eq3A_230 = vector.broadcast %eq3A_229 : i32 to vector<16xi32>
      %eq3A_231 = arith.cmpi eq, %iota3A, %eq3A_230 : vector<16xi32>
      %broadcast_in_dim3A_232 = vector.broadcast %reduce_sum3A_228 : f32 to vector<16xf32>
      %select_n3A_233 = arith.select %eq3A_231, %broadcast_in_dim3A_232, %select_n3A_217 : vector<16xi1>, vector<16xf32>
      %mul3A_234 = arith.constant 16 : i32
      %mul3A_235 = arith.muli %scan3A_155, %mul3A_234 : i32
      %add3A_236 = arith.constant 5 : i32
      %add3A_237 = arith.addi %mul3A_235, %add3A_236 : i32
      %get3A_238 = arith.index_cast %add3A_237 : i32 to index
      %get3A_239 = arith.constant 0 : index
      %get3A_240 = tpu.vector_load %arg6[%get3A_238, %get3A_239] {strides = array<i32>} : memref<256x16xf32, #tpu.memory_space<vmem>>, vector<16xf32>,
      %reduce_sum3A_241 = arith.constant true
      %reduce_sum3A_242 = vector.broadcast %reduce_sum3A_241 : i1 to vector<16xi1>
      %reduce_sum3A_243 = tpu.scan <sum>, %get3A_240 masked %reduce_sum3A_242 : vector<16xf32>, vector<16xi1> -> vector<16xf32>
      %reduce_sum3A_244 = vector.extract %reduce_sum3A_243[15] : f32 from vector<16xf32>
      %eq3A_245 = arith.constant 5 : i32
      %eq3A_246 = vector.broadcast %eq3A_245 : i32 to vector<16xi32>
      %eq3A_247 = arith.cmpi eq, %iota3A, %eq3A_246 : vector<16xi32>
      %broadcast_in_dim3A_248 = vector.broadcast %reduce_sum3A_244 : f32 to vector<16xf32>
      %select_n3A_249 = arith.select %eq3A_247, %broadcast_in_dim3A_248, %select_n3A_233 : vector<16xi1>, vector<16xf32>
      %mul3A_250 = arith.constant 16 : i32
      %mul3A_251 = arith.muli %scan3A_155, %mul3A_250 : i32
      %add3A_252 = arith.constant 6 : i32
      %add3A_253 = arith.addi %mul3A_251, %add3A_252 : i32
      %get3A_254 = arith.index_cast %add3A_253 : i32 to index
      %get3A_255 = arith.constant 0 : index
      %get3A_256 = tpu.vector_load %arg6[%get3A_254, %get3A_255] {strides = array<i32>} : memref<256x16xf32, #tpu.memory_space<vmem>>, vector<16xf32>,
      %reduce_sum3A_257 = arith.constant true
      %reduce_sum3A_258 = vector.broadcast %reduce_sum3A_257 : i1 to vector<16xi1>
      %reduce_sum3A_259 = tpu.scan <sum>, %get3A_256 masked %reduce_sum3A_258 : vector<16xf32>, vector<16xi1> -> vector<16xf32>
      %reduce_sum3A_260 = vector.extract %reduce_sum3A_259[15] : f32 from vector<16xf32>
      %eq3A_261 = arith.constant 6 : i32
      %eq3A_262 = vector.broadcast %eq3A_261 : i32 to vector<16xi32>
      %eq3A_263 = arith.cmpi eq, %iota3A, %eq3A_262 : vector<16xi32>
      %broadcast_in_dim3A_264 = vector.broadcast %reduce_sum3A_260 : f32 to vector<16xf32>
      %select_n3A_265 = arith.select %eq3A_263, %broadcast_in_dim3A_264, %select_n3A_249 : vector<16xi1>, vector<16xf32>
      %mul3A_266 = arith.constant 16 : i32
      %mul3A_267 = arith.muli %scan3A_155, %mul3A_266 : i32
      %add3A_268 = arith.constant 7 : i32
      %add3A_269 = arith.addi %mul3A_267, %add3A_268 : i32
      %get3A_270 = arith.index_cast %add3A_269 : i32 to index
      %get3A_271 = arith.constant 0 : index
      %get3A_272 = tpu.vector_load %arg6[%get3A_270, %get3A_271] {strides = array<i32>} : memref<256x16xf32, #tpu.memory_space<vmem>>, vector<16xf32>,
      %reduce_sum3A_273 = arith.constant true
      %reduce_sum3A_274 = vector.broadcast %reduce_sum3A_273 : i1 to vector<16xi1>
      %reduce_sum3A_275 = tpu.scan <sum>, %get3A_272 masked %reduce_sum3A_274 : vector<16xf32>, vector<16xi1> -> vector<16xf32>
      %reduce_sum3A_276 = vector.extract %reduce_sum3A_275[15] : f32 from vector<16xf32>
      %eq3A_277 = arith.constant 7 : i32
      %eq3A_278 = vector.broadcast %eq3A_277 : i32 to vector<16xi32>
      %eq3A_279 = arith.cmpi eq, %iota3A, %eq3A_278 : vector<16xi32>
      %broadcast_in_dim3A_280 = vector.broadcast %reduce_sum3A_276 : f32 to vector<16xf32>
      %select_n3A_281 = arith.select %eq3A_279, %broadcast_in_dim3A_280, %select_n3A_265 : vector<16xi1>, vector<16xf32>
      %mul3A_282 = arith.constant 16 : i32
      %mul3A_283 = arith.muli %scan3A_155, %mul3A_282 : i32
      %add3A_284 = arith.constant 8 : i32
      %add3A_285 = arith.addi %mul3A_283, %add3A_284 : i32
      %get3A_286 = arith.index_cast %add3A_285 : i32 to index
      %get3A_287 = arith.constant 0 : index
      %get3A_288 = tpu.vector_load %arg6[%get3A_286, %get3A_287] {strides = array<i32>} : memref<256x16xf32, #tpu.memory_space<vmem>>, vector<16xf32>,
      %reduce_sum3A_289 = arith.constant true
      %reduce_sum3A_290 = vector.broadcast %reduce_sum3A_289 : i1 to vector<16xi1>
      %reduce_sum3A_291 = tpu.scan <sum>, %get3A_288 masked %reduce_sum3A_290 : vector<16xf32>, vector<16xi1> -> vector<16xf32>
      %reduce_sum3A_292 = vector.extract %reduce_sum3A_291[15] : f32 from vector<16xf32>
      %eq3A_293 = arith.constant 8 : i32
      %eq3A_294 = vector.broadcast %eq3A_293 : i32 to vector<16xi32>
      %eq3A_295 = arith.cmpi eq, %iota3A, %eq3A_294 : vector<16xi32>
      %broadcast_in_dim3A_296 = vector.broadcast %reduce_sum3A_292 : f32 to vector<16xf32>
      %select_n3A_297 = arith.select %eq3A_295, %broadcast_in_dim3A_296, %select_n3A_281 : vector<16xi1>, vector<16xf32>
      %mul3A_298 = arith.constant 16 : i32
      %mul3A_299 = arith.muli %scan3A_155, %mul3A_298 : i32
      %add3A_300 = arith.constant 9 : i32
      %add3A_301 = arith.addi %mul3A_299, %add3A_300 : i32
      %get3A_302 = arith.index_cast %add3A_301 : i32 to index
      %get3A_303 = arith.constant 0 : index
      %get3A_304 = tpu.vector_load %arg6[%get3A_302, %get3A_303] {strides = array<i32>} : memref<256x16xf32, #tpu.memory_space<vmem>>, vector<16xf32>,
      %reduce_sum3A_305 = arith.constant true
      %reduce_sum3A_306 = vector.broadcast %reduce_sum3A_305 : i1 to vector<16xi1>
      %reduce_sum3A_307 = tpu.scan <sum>, %get3A_304 masked %reduce_sum3A_306 : vector<16xf32>, vector<16xi1> -> vector<16xf32>
      %reduce_sum3A_308 = vector.extract %reduce_sum3A_307[15] : f32 from vector<16xf32>
      %eq3A_309 = arith.constant 9 : i32
      %eq3A_310 = vector.broadcast %eq3A_309 : i32 to vector<16xi32>
      %eq3A_311 = arith.cmpi eq, %iota3A, %eq3A_310 : vector<16xi32>
      %broadcast_in_dim3A_312 = vector.broadcast %reduce_sum3A_308 : f32 to vector<16xf32>
      %select_n3A_313 = arith.select %eq3A_311, %broadcast_in_dim3A_312, %select_n3A_297 : vector<16xi1>, vector<16xf32>
      %mul3A_314 = arith.constant 16 : i32
      %mul3A_315 = arith.muli %scan3A_155, %mul3A_314 : i32
      %add3A_316 = arith.constant 10 : i32
      %add3A_317 = arith.addi %mul3A_315, %add3A_316 : i32
      %get3A_318 = arith.index_cast %add3A_317 : i32 to index
      %get3A_319 = arith.constant 0 : index
      %get3A_320 = tpu.vector_load %arg6[%get3A_318, %get3A_319] {strides = array<i32>} : memref<256x16xf32, #tpu.memory_space<vmem>>, vector<16xf32>,
      %reduce_sum3A_321 = arith.constant true
      %reduce_sum3A_322 = vector.broadcast %reduce_sum3A_321 : i1 to vector<16xi1>
      %reduce_sum3A_323 = tpu.scan <sum>, %get3A_320 masked %reduce_sum3A_322 : vector<16xf32>, vector<16xi1> -> vector<16xf32>
      %reduce_sum3A_324 = vector.extract %reduce_sum3A_323[15] : f32 from vector<16xf32>
      %eq3A_325 = arith.constant 10 : i32
      %eq3A_326 = vector.broadcast %eq3A_325 : i32 to vector<16xi32>
      %eq3A_327 = arith.cmpi eq, %iota3A, %eq3A_326 : vector<16xi32>
      %broadcast_in_dim3A_328 = vector.broadcast %reduce_sum3A_324 : f32 to vector<16xf32>
      %select_n3A_329 = arith.select %eq3A_327, %broadcast_in_dim3A_328, %select_n3A_313 : vector<16xi1>, vector<16xf32>
      %mul3A_330 = arith.constant 16 : i32
      %mul3A_331 = arith.muli %scan3A_155, %mul3A_330 : i32
      %add3A_332 = arith.constant 11 : i32
      %add3A_333 = arith.addi %mul3A_331, %add3A_332 : i32
      %get3A_334 = arith.index_cast %add3A_333 : i32 to index
      %get3A_335 = arith.constant 0 : index
      %get3A_336 = tpu.vector_load %arg6[%get3A_334, %get3A_335] {strides = array<i32>} : memref<256x16xf32, #tpu.memory_space<vmem>>, vector<16xf32>,
      %reduce_sum3A_337 = arith.constant true
      %reduce_sum3A_338 = vector.broadcast %reduce_sum3A_337 : i1 to vector<16xi1>
      %reduce_sum3A_339 = tpu.scan <sum>, %get3A_336 masked %reduce_sum3A_338 : vector<16xf32>, vector<16xi1> -> vector<16xf32>
      %reduce_sum3A_340 = vector.extract %reduce_sum3A_339[15] : f32 from vector<16xf32>
      %eq3A_341 = arith.constant 11 : i32
      %eq3A_342 = vector.broadcast %eq3A_341 : i32 to vector<16xi32>
      %eq3A_343 = arith.cmpi eq, %iota3A, %eq3A_342 : vector<16xi32>
      %broadcast_in_dim3A_344 = vector.broadcast %reduce_sum3A_340 : f32 to vector<16xf32>
      %select_n3A_345 = arith.select %eq3A_343, %broadcast_in_dim3A_344, %select_n3A_329 : vector<16xi1>, vector<16xf32>
      %mul3A_346 = arith.constant 16 : i32
      %mul3A_347 = arith.muli %scan3A_155, %mul3A_346 : i32
      %add3A_348 = arith.constant 12 : i32
      %add3A_349 = arith.addi %mul3A_347, %add3A_348 : i32
      %get3A_350 = arith.index_cast %add3A_349 : i32 to index
      %get3A_351 = arith.constant 0 : index
      %get3A_352 = tpu.vector_load %arg6[%get3A_350, %get3A_351] {strides = array<i32>} : memref<256x16xf32, #tpu.memory_space<vmem>>, vector<16xf32>,
      %reduce_sum3A_353 = arith.constant true
      %reduce_sum3A_354 = vector.broadcast %reduce_sum3A_353 : i1 to vector<16xi1>
      %reduce_sum3A_355 = tpu.scan <sum>, %get3A_352 masked %reduce_sum3A_354 : vector<16xf32>, vector<16xi1> -> vector<16xf32>
      %reduce_sum3A_356 = vector.extract %reduce_sum3A_355[15] : f32 from vector<16xf32>
      %eq3A_357 = arith.constant 12 : i32
      %eq3A_358 = vector.broadcast %eq3A_357 : i32 to vector<16xi32>
      %eq3A_359 = arith.cmpi eq, %iota3A, %eq3A_358 : vector<16xi32>
      %broadcast_in_dim3A_360 = vector.broadcast %reduce_sum3A_356 : f32 to vector<16xf32>
      %select_n3A_361 = arith.select %eq3A_359, %broadcast_in_dim3A_360, %select_n3A_345 : vector<16xi1>, vector<16xf32>
      %mul3A_362 = arith.constant 16 : i32
      %mul3A_363 = arith.muli %scan3A_155, %mul3A_362 : i32
      %add3A_364 = arith.constant 13 : i32
      %add3A_365 = arith.addi %mul3A_363, %add3A_364 : i32
      %get3A_366 = arith.index_cast %add3A_365 : i32 to index
      %get3A_367 = arith.constant 0 : index
      %get3A_368 = tpu.vector_load %arg6[%get3A_366, %get3A_367] {strides = array<i32>} : memref<256x16xf32, #tpu.memory_space<vmem>>, vector<16xf32>,
      %reduce_sum3A_369 = arith.constant true
      %reduce_sum3A_370 = vector.broadcast %reduce_sum3A_369 : i1 to vector<16xi1>
      %reduce_sum3A_371 = tpu.scan <sum>, %get3A_368 masked %reduce_sum3A_370 : vector<16xf32>, vector<16xi1> -> vector<16xf32>
      %reduce_sum3A_372 = vector.extract %reduce_sum3A_371[15] : f32 from vector<16xf32>
      %eq3A_373 = arith.constant 13 : i32
      %eq3A_374 = vector.broadcast %eq3A_373 : i32 to vector<16xi32>
      %eq3A_375 = arith.cmpi eq, %iota3A, %eq3A_374 : vector<16xi32>
      %broadcast_in_dim3A_376 = vector.broadcast %reduce_sum3A_372 : f32 to vector<16xf32>
      %select_n3A_377 = arith.select %eq3A_375, %broadcast_in_dim3A_376, %select_n3A_361 : vector<16xi1>, vector<16xf32>
      %mul3A_378 = arith.constant 16 : i32
      %mul3A_379 = arith.muli %scan3A_155, %mul3A_378 : i32
      %add3A_380 = arith.constant 14 : i32
      %add3A_381 = arith.addi %mul3A_379, %add3A_380 : i32
      %get3A_382 = arith.index_cast %add3A_381 : i32 to index
      %get3A_383 = arith.constant 0 : index
      %get3A_384 = tpu.vector_load %arg6[%get3A_382, %get3A_383] {strides = array<i32>} : memref<256x16xf32, #tpu.memory_space<vmem>>, vector<16xf32>,
      %reduce_sum3A_385 = arith.constant true
      %reduce_sum3A_386 = vector.broadcast %reduce_sum3A_385 : i1 to vector<16xi1>
      %reduce_sum3A_387 = tpu.scan <sum>, %get3A_384 masked %reduce_sum3A_386 : vector<16xf32>, vector<16xi1> -> vector<16xf32>
      %reduce_sum3A_388 = vector.extract %reduce_sum3A_387[15] : f32 from vector<16xf32>
      %eq3A_389 = arith.constant 14 : i32
      %eq3A_390 = vector.broadcast %eq3A_389 : i32 to vector<16xi32>
      %eq3A_391 = arith.cmpi eq, %iota3A, %eq3A_390 : vector<16xi32>
      %broadcast_in_dim3A_392 = vector.broadcast %reduce_sum3A_388 : f32 to vector<16xf32>
      %select_n3A_393 = arith.select %eq3A_391, %broadcast_in_dim3A_392, %select_n3A_377 : vector<16xi1>, vector<16xf32>
      %mul3A_394 = arith.constant 16 : i32
      %mul3A_395 = arith.muli %scan3A_155, %mul3A_394 : i32
      %add3A_396 = arith.constant 15 : i32
      %add3A_397 = arith.addi %mul3A_395, %add3A_396 : i32
      %get3A_398 = arith.index_cast %add3A_397 : i32 to index
      %get3A_399 = arith.constant 0 : index
      %get3A_400 = tpu.vector_load %arg6[%get3A_398, %get3A_399] {strides = array<i32>} : memref<256x16xf32, #tpu.memory_space<vmem>>, vector<16xf32>,
      %reduce_sum3A_401 = arith.constant true
      %reduce_sum3A_402 = vector.broadcast %reduce_sum3A_401 : i1 to vector<16xi1>
      %reduce_sum3A_403 = tpu.scan <sum>, %get3A_400 masked %reduce_sum3A_402 : vector<16xf32>, vector<16xi1> -> vector<16xf32>
      %reduce_sum3A_404 = vector.extract %reduce_sum3A_403[15] : f32 from vector<16xf32>
      %eq3A_405 = arith.constant 15 : i32
      %eq3A_406 = vector.broadcast %eq3A_405 : i32 to vector<16xi32>
      %eq3A_407 = arith.cmpi eq, %iota3A, %eq3A_406 : vector<16xi32>
      %broadcast_in_dim3A_408 = vector.broadcast %reduce_sum3A_404 : f32 to vector<16xf32>
      %select_n3A_409 = arith.select %eq3A_407, %broadcast_in_dim3A_408, %select_n3A_393 : vector<16xi1>, vector<16xf32>
      %mul3A_410 = arith.constant 16 : i32
      %mul3A_411 = arith.muli %scan3A_155, %mul3A_410 : i32
      %swap3A = arith.index_cast %mul3A_411 : i32 to index
      %swap3A_412 = tpu.vector_load %arg7[%swap3A] {strides = array<i32>} : memref<256xf32, #tpu.memory_space<vmem>>, vector<16xf32>,
      tpu.vector_store %arg7[%swap3A], %select_n3A_409 {strides = array<i32>} : memref<256xf32, #tpu.memory_space<vmem>>, vector<16xf32>,
    }
    %scan3A_154 = arith.constant 16 : i32
    "tpu.region"() ({
      %run_scoped3A = tpu.sem_alloc : memref<!tpu.dma_semaphore, #tpu.memory_space<semaphore_mem>>
      %dma_start3A_155 = arith.constant 0 : i32
      %dma_start3A_156 = tpu.memref_slice %arg3[%add3A, %dma_start3A_155] : memref<32x256xf32, #tpu.memory_space<hbm>> -> memref<1x256xf32, #tpu.memory_space<hbm>>
      %dma_start3A_157 = tpu.memref_squeeze %dma_start3A_156 : memref<1x256xf32, #tpu.memory_space<hbm>> -> memref<256xf32, #tpu.memory_space<hbm>>
      %dma_start3A_158 = arith.constant 0 : i32
      %dma_start3A_159 = tpu.memref_slice %arg3[%add3A, %dma_start3A_158] : memref<32x256xf32, #tpu.memory_space<hbm>> -> memref<1x256xf32, #tpu.memory_space<hbm>>
      %dma_start3A_160 = tpu.memref_squeeze %dma_start3A_159 : memref<1x256xf32, #tpu.memory_space<hbm>> -> memref<256xf32, #tpu.memory_space<hbm>>
      tpu.enqueue_dma source(%arg7 : memref<256xf32, #tpu.memory_space<vmem>>) target(%dma_start3A_160 : memref<256xf32, #tpu.memory_space<hbm>>) target_semaphore(%run_scoped3A : memref<!tpu.dma_semaphore, #tpu.memory_space<semaphore_mem>>)
      %dma_wait3A_161 = arith.constant 0 : i32
      %dma_wait3A_162 = tpu.memref_slice %arg3[%add3A, %dma_wait3A_161] : memref<32x256xf32, #tpu.memory_space<hbm>> -> memref<1x256xf32, #tpu.memory_space<hbm>>
      %dma_wait3A_163 = tpu.memref_squeeze %dma_wait3A_162 : memref<1x256xf32, #tpu.memory_space<hbm>> -> memref<256xf32, #tpu.memory_space<hbm>>
      %dma_wait3A_164 = arith.constant 0 : i32
      %dma_wait3A_165 = tpu.memref_slice %arg3[%add3A, %dma_wait3A_164] : memref<32x256xf32, #tpu.memory_space<hbm>> -> memref<1x256xf32, #tpu.memory_space<hbm>>
      %dma_wait3A_166 = tpu.memref_squeeze %dma_wait3A_165 : memref<1x256xf32, #tpu.memory_space<hbm>> -> memref<256xf32, #tpu.memory_space<hbm>>
      tpu.wait_dma2 semaphore(%run_scoped3A : memref<!tpu.dma_semaphore, #tpu.memory_space<semaphore_mem>>) src(%arg7 : memref<256xf32, #tpu.memory_space<vmem>>) dst(%dma_wait3A_166 : memref<256xf32, #tpu.memory_space<hbm>>)
      tpu.yield
    }) : () -> ()
    return
  }
}

module attributes {stable_mosaic.version = 14 : i64} {
  func.func @_entropy_body(%arg0: memref<32x256xf32, #tpu.memory_space<vmem>>, %arg1: memref<32x1xf32, #tpu.memory_space<vmem>>) attributes {dimension_semantics = [], scalar_prefetch = 0 : i64, scratch_operands = 0 : i64, tpu.core_type = #tpu.core_type<tc>} {
    %get3A = arith.constant 0 : index
    %get3A_0 = arith.constant 0 : index
    %get3A_1 = vector.load %arg0[%get3A, %get3A_0] : memref<32x256xf32, #tpu.memory_space<vmem>>, vector<32x256xf32>
    %reduce_sum3A = arith.constant dense<0.000000e+00> : vector<32xf32>
    %reduce_sum3A_2 = vector.multi_reduction <add>, %get3A_1, %reduce_sum3A [1] : vector<32x256xf32> to vector<32xf32>
    %broadcast_in_dim3A = vector.shape_cast %reduce_sum3A_2 : vector<32xf32> to vector<32x1xf32>
    %div3A = vector.broadcast %broadcast_in_dim3A : vector<32x1xf32> to vector<32x256xf32>
    %div3A_3 = arith.divf %get3A_1, %div3A : vector<32x256xf32>
    %add3A = arith.constant 9.99999993E-9 : f32
    %add3A_4 = vector.broadcast %add3A : f32 to vector<32x256xf32>
    %add3A_5 = arith.addf %div3A_3, %add3A_4 : vector<32x256xf32>
    %log3A = math.log %add3A_5 : vector<32x256xf32>
    %log3A_6 = arith.constant 2.000000e+00 : f32
    %log3A_7 = math.log %log3A_6 : f32
    %div3A_8 = vector.broadcast %log3A_7 : f32 to vector<32x256xf32>
    %div3A_9 = arith.divf %log3A, %div3A_8 : vector<32x256xf32>
    %mul3A = arith.mulf %div3A_3, %div3A_9 : vector<32x256xf32>
    %reduce_sum3A_10 = arith.constant dense<0.000000e+00> : vector<32xf32>
    %reduce_sum3A_11 = vector.multi_reduction <add>, %mul3A, %reduce_sum3A_10 [1] : vector<32x256xf32> to vector<32xf32>
    %broadcast_in_dim3A_12 = vector.shape_cast %reduce_sum3A_11 : vector<32xf32> to vector<32x1xf32>
    %neg3A = arith.constant 0.000000e+00 : f32
    %neg3A_13 = vector.broadcast %neg3A : f32 to vector<32x1xf32>
    %neg3A_14 = arith.subf %neg3A_13, %broadcast_in_dim3A_12 : vector<32x1xf32>
    %swap3A = arith.constant 0 : index
    %swap3A_15 = arith.constant 0 : index
    %swap3A_16 = vector.load %arg1[%swap3A, %swap3A_15] : memref<32x1xf32, #tpu.memory_space<vmem>>, vector<32x1xf32>
    tpu.vector_store %arg1[%swap3A, %swap3A_15], %neg3A_14 {strides = array<i32>} : memref<32x1xf32, #tpu.memory_space<vmem>>, vector<32x1xf32>,
    return
  }
}

</mosaic_0001>

<sc_bundles>
// kernel: kernel.4.cloned.1.call-start
scs
__scs_entry_jumppad:
0x0: {  	(pc) =	sbr.rel $0x88, $3  }
0x1: {  	(tag) =	ssettag $0x0;
	lr =	simm.s32 $0x1  }
0x2: {  	[smem:$0x3FA0] =	sst lr;
	_ =	strace $0xD0000000  }
0x3: {  	_ = 	snop  }
0x4: {  	_ = 	snop  }
0x5: {  	_ = 	snop  }
0x6: {  	_ = 	snop  }
0x7: {  	_ = 	snop  }
__scs_overlays_trampoline_lowered:
0x8: {  	[smem:$0x3FAF] =	sst s0  }
0x9: {  	[smem:$0x3FB0] =	sst s1  }
0xa: {  	[smem:$0x3FB1] =	sst s2  }
0xb: {  	[smem:$0x3FB2] =	sst s3  }
0xc: {  	[smem:$0x3FB3] =	sst s4  }
0xd: {  	[smem:$0x3FB4] =	sst s5  }
0xe: {  	[smem:$0x3FB5] =	sst s6  }
0xf: {  	[smem:$0x3FB6] =	sst s7  }
0x10: {  	[smem:$0x3FB7] =	sst s8  }
0x11: {  	[smem:$0x3FB8] =	sst s9;
	s0 =	simm.s32 @!p0 $0x0  }
0x12: {  	s1 =	sld [smem:$0x3F9E];
	s0 =	simm.s32 @p0 $0x1  }
0x13: {  	[smem:$0x3FB9] =	sst s0;
	s0 =	simm.s32 @!p1 $0x0  }
0x14: {  	s2 =	sld [smem:$0x3F9D];
	s0 =	simm.s32 @p1 $0x1  }
0x15: {  	[smem:$0x3FBA] =	sst s0;
	s0 =	simm.s32 @!p2 $0x0  }
0x16: {  	s3 =	sld [smem:$0x3FDB];
	s0 =	simm.s32 @p2 $0x1  }
0x17: {  	s4 =	simm.s32 $0x1BF5;
	[smem:$0x3FBC] =	sst s0  }
0x18: {  	s0 =	sld [smem:$0x3F9F];
	_ =	swait.ge [sflag:s4], $0x0  }
0x19: {  	s7 =	sld [smem:$0x3FA0]  }
0x1a: {  	s8 =	sadd.s32 $0xFFFFE003, lr  }
0x1b: {  	s9 =	sadd.s32 $0xFFFFFEF7, lr;
	s5 =	simm.s32 $0xFFFFFFFF;
	p2 =	slt.u32 s8, $0xFFFFF086  }
0x1c: {  	p1 =	slt.u32 s9, $0xF7A;
	s5 =	simm.s32 @!p2 $0x0  }
0x1d: {  	s5 =	simm.s32 @p1 $0x1;
	p0 =	seq.s32 s7, s2  }
0x1e: {  	s7 =	smul.u32 @!p0 $0xF7A, s2;
	p2 =	seq.s32 @!p0 s5, $0x0  }
0x1f: {  	s9 =	smul.u32 $0xF7A, s1;
	s8 =	simm.s32 @!p0 $0x1BF5;
	p2 =	por !p2, p0  }
0x20: {  	[sflag:s8] =	ssyncset.s32 @!p0 $0xFFFFF086;
	s6 =	sadd.s32 @!p0 s3, s7;
	s7 =	simm.s32 @!p0 $0x108  }
0x21: {  	s3 =	sadd.s32 s3, s9;
	s6 =	sadd.s32 @!p0 $0x88, s6;
	s7 =	simm.s32 @p2 $0x1082  }
0x22: {  	[simem:s7], [sflag:s8] =	dma.local @!p0 [hbm:s6], $0xF7A  }
0x23: {  	s9 =	sor.u32 $0xD0000000, s2;
	s6 =	simm.s32 $0x108;
	_ =	swait.ge @!p0 [sflag:s8], $0x0  }
0x24: {  	s3 =	sadd.s32 $0x88, s3;
	s6 =	simm.s32 @!p1 $0x1082;
	[sflag:s4] =	ssyncset.s32 $0xFFFFF086  }
0x25: {  	[simem:s6], [sflag:s4] =	dma.local [hbm:s3], $0xF7A  }
0x26: {  	[smem:$0x3FA0] =	sst s1;
	(tag) =	ssettag s2;
	_ =	strace s9  }
0x27: {  	s1 =	sld [smem:$0x3FB0]  }
0x28: {  	s2 =	sld [smem:$0x3FB1]  }
0x29: {  	s4 =	sld [smem:$0x3FB3]  }
0x2a: {  	p0 =	seq.s32 s5, $0x0;
	s5 =	sld [smem:$0x3FB4]  }
0x2b: {  	s6 =	sld [smem:$0x3FB5]  }
0x2c: {  	s7 =	sld [smem:$0x3FB6]  }
0x2d: {  	s3 =	simm.s32 $0x108;
	s8 =	sld [smem:$0x3FB7]  }
0x2e: {  	s3 =	simm.s32 @!p0 $0x1082;
	s9 =	sld [smem:$0x3FB8]  }
0x2f: {  	lr =	sadd.s32 s0, s3;
	s0 =	sld [smem:$0x3FAF]  }
0x30: {  	s3 =	sld [smem:$0x3FB2]  }
0x31: {  	[smem:$0x3FBB] =	sst s10  }
0x32: {  	s10 =	sld [smem:$0x3FB9];
	_ =	sdelay $0x3  }
0x33: {  	p0 =	seq.s32 s10, $0x1;
	s10 =	sld [smem:$0x3FBB];
	_ =	sdelay $0x3  }
0x34: {  	[smem:$0x3FBB] =	sst s10  }
0x35: {  	s10 =	sld [smem:$0x3FBA];
	_ =	sdelay $0x3  }
0x36: {  	p1 =	seq.s32 s10, $0x1;
	s10 =	sld [smem:$0x3FBB];
	_ =	sdelay $0x3  }
0x37: {  	[smem:$0x3FBB] =	sst s10  }
0x38: {  	s10 =	sld [smem:$0x3FBC]  }
0x39: {  	_ = 	snop;
	(pc) =	sbr.ind lr, $3  }
0x3a: {  	_ = 	snop  }
0x3b: {  	_ = 	snop  }
0x3c: {  	p2 =	seq.s32 s10, $0x1;
	s10 =	sld [smem:$0x3FBB]  }
0x3d: {  	_ =	shalt  }
0x3e: {  	_ =	shalt  }
0x3f: {  	_ =	shalt  }
0x40: {  	_ =	shalt  }
0x41: {  	_ =	shalt  }
0x42: {  	_ =	shalt  }
0x43: {  	_ =	shalt  }
0x44: {  	_ =	shalt  }
0x45: {  	_ =	shalt  }
0x46: {  	_ =	shalt  }
0x47: {  	_ =	shalt  }
0x48: {  	_ =	shalt  }
0x49: {  	_ =	shalt  }
0x4a: {  	_ =	shalt  }
0x4b: {  	_ =	shalt  }
0x4c: {  	_ =	shalt  }
0x4d: {  	_ =	shalt  }
0x4e: {  	_ =	shalt  }
0x4f: {  	_ =	shalt  }
0x50: {  	_ =	shalt  }
0x51: {  	_ =	shalt  }
0x52: {  	_ =	shalt  }
0x53: {  	_ =	shalt  }
0x54: {  	_ =	shalt  }
0x55: {  	_ =	shalt  }
0x56: {  	_ =	shalt  }
0x57: {  	_ =	shalt  }
0x58: {  	_ =	shalt  }
0x59: {  	_ =	shalt  }
0x5a: {  	_ =	shalt  }
0x5b: {  	_ =	shalt  }
0x5c: {  	_ =	shalt  }
0x5d: {  	_ =	shalt  }
0x5e: {  	_ =	shalt  }
0x5f: {  	_ =	shalt  }
0x60: {  	_ =	shalt  }
0x61: {  	_ =	shalt  }
0x62: {  	_ =	shalt  }
0x63: {  	_ =	shalt  }
0x64: {  	_ =	shalt  }
0x65: {  	_ =	shalt  }
0x66: {  	_ =	shalt  }
0x67: {  	_ =	shalt  }
0x68: {  	_ =	shalt  }
0x69: {  	_ =	shalt  }
0x6a: {  	_ =	shalt  }
0x6b: {  	_ =	shalt  }
0x6c: {  	_ =	shalt  }
0x6d: {  	_ =	shalt  }
0x6e: {  	_ =	shalt  }
0x6f: {  	_ =	shalt  }
0x70: {  	_ =	shalt  }
0x71: {  	_ =	shalt  }
0x72: {  	_ =	shalt  }
0x73: {  	_ =	shalt  }
0x74: {  	_ =	shalt  }
0x75: {  	_ =	shalt  }
0x76: {  	_ =	shalt  }
0x77: {  	_ =	shalt  }
0x78: {  	_ =	shalt  }
0x79: {  	_ =	shalt  }
0x7a: {  	_ =	shalt  }
0x7b: {  	_ =	shalt  }
0x7c: {  	_ =	shalt  }
0x7d: {  	_ =	shalt  }
0x7e: {  	_ =	shalt  }
0x7f: {  	_ =	shalt  }
0x80: {  	_ =	shalt  }
0x81: {  	_ =	shalt  }
0x82: {  	_ =	shalt  }
0x83: {  	_ =	shalt  }
0x84: {  	_ =	shalt  }
0x85: {  	_ =	shalt  }
0x86: {  	_ =	shalt  }
0x87: {  	_ =	shalt  }
.Lfunc_end0:
.L_simem_size_0:
called_computation.1_lowered:
.L_overlay_start_0:
0x88: {  	s2 =	sld [smem:$0x3FD9]  }
0x89: {  	s3 =	sld [smem:$0x3FFE];
	_ =	sdelay $0x1  }
0x8a: {  	s1 =	srdreg.scid  }
0x8b: {  	s0 =	sand.u32 $0x1, s1  }
0x8c: {  	s16 =	sshll.u32 s0, $0xA;
	s2 =	sadd.s32 s3, s2  }
0x8d: {  	s2 =	sadd.s32 s2, s16  }
0x8e: {  	[smem:$0x3FC7] =	sst s2  }
0x8f: {  	_ = 	snop  }
0x90: {  	(tm) =	ssettm $0x1  }
0x91: {  	s17 =	sld [smem:$0x3FFB];
	_ =	sdelay $0x3  }
0x92: {  	_ =	strace s17  }
0x93: {  	s2 =	sld [smem:$0x3FFC];
	_ =	sdelay $0x3  }
0x94: {  	_ =	strace s2  }
0x95: {  	s2 =	sld [smem:$0x3FFD];
	_ =	sdelay $0x3  }
0x96: {  	_ =	strace s2  }
0x97: {  	_ =	strace $0x8FFFFFFF  }
0x98: {  	s18 =	sld [smem:$0x3FDB];
	_ =	sdelay $0x1  }
0x99: {  	s19 =	simm.s32 $_scs_section_size  }
0x9a: {  	s4 =	simm.s32 $_size__tile_overlayer_lowered;
	s5 =	simm.s32 $_tile_overlayer_lowered  }
0x9b: {  	s22 =	simm.s32 $0x1BFF;
	s21 =	sshll.u32 s5, $0x1;
	s2 =	sadd.s32 s19, s18  }
0x9c: {  	s6 =	simm.s32 $0x0;
	s20 =	sshll.u32 s4, $0x1;
	s4 =	sadd.s32 s21, s2  }
0x9d: {  	[timem:s6], [sflag:s22] =	dma.local [hbm:s4], s20  }
0x9e: {  	_ =	swait.ge [sflag:s22], s20  }
0x9f: {  	s3 =	ssub.s32 $0x0, s20;
	[sflag:s22] =	ssyncset.done $0x0  }
0xa0: {  	[sflag:s22] =	ssyncadd.s32 s3;
	_ =	sdelay $0x1  }
0xa1: {  	s23 =	simm.s32 $0x1B8B  }
0xa2: {  	_ =	swait.ge [sflag:s23], $0x1  }
0xa3: {  	[sflag:s23] =	ssyncset.done $0x0  }
0xa4: {  	s25 =	simm.s32 $0x1B8E;
	s24 =	sld [smem:$0x3FFE];
	[sflag:s23] =	ssyncadd.s32 $0xFFFFFFFF  }
0xa5: {  	s26 =	simm.s32 $execute0_lowered;
	[smem:$0x3FD2] =	sst s25  }
0xa6: {  	s4 =	sshll.u32 s26, $0x1;
	_ =	strace $0x80000049;
	[dreg:$0x1] =	wrdreg $0xFFFFFFFF  }
0xa7: {  	s28 =	simm.s32 $_size_execute0_lowered;
	s2 =	sadd.s32 s2, s4;
	[dreg:$0x0] =	wrdreg $0x0  }
0xa8: {  	s4 =	sshll.u32 s28, $0x1;
	[dreg:$0x2] =	wrdreg s2  }
0xa9: {  	[dreg:$0x3] =	wrdreg s4  }
0xaa: {  	[dreg:$0x4] =	wrdreg $0xC0  }
0xab: {  	_ =	task [dreg:s6], $0x5FFFF  }
0xac: {  	[dreg:$0x1] =	wrdreg $0xFFFFFFFF  }
0xad: {  	[dreg:$0x0] =	wrdreg $0x60  }
0xae: {  	[dreg:$0x2] =	wrdreg s24  }
0xaf: {  	[dreg:$0x3] =	wrdreg $0x9  }
0xb0: {  	_ =	task.clear_ibuf [dreg:s6], $0x4FFFF;
	_ =	strace $0x90000049  }
0xb1: {  	s29 =	simm.s32 $0x9;
	_ =	strace $0x8000004B  }
0xb2: {  	_ =	swait.ge [sflag:s29], $0x1  }
0xb3: {  	[sflag:s29] =	ssyncadd.s32 $0xFFFFFFFF  }
0xb4: {  	_ =	strace $0x9000004B  }
0xb5: {  	_ =	sfence  }
0xb6: {  	s30 =	sld [smem:$0x0];
	_ =	sdelay $0x2  }
0xb7: {  	s31 =	sshll.u32 s1, $0xD;
	s1 =	sshrl.u32 s1, $0x2  }
0xb8: {  	s3 =	sand.u32 $0x4000, s31;
	s1 =	sadd.s32 s1, s30  }
0xb9: {  	s0 =	sor.u32 s3, s0;
	s1 =	sshll.u32 s1, $0x11  }
0xba: {  	s0 =	sor.u32 s1, s0  }
0xbb: {  	s0 =	sadd.s32 $0x8F2B, s0  }
0xbc: {  	[sflag:s0] =	ssyncadd.remote.s32 $0x1  }
0xbd: {  	_ =	sfence.sel $0xFFFF  }
0xbe: {  	[dreg:$0x0] =	wrdreg $0xFFFFFFFF;
	(pc) =	sbr.abs _section_cstart, $3  }
0xbf: {  	[dreg:$0x1] =	wrdreg $0xFFFFFFFF  }
0xc0: {  	_ =	task.clear_ibuf [dreg:s6], $0x2FFFF;
	_ =	strace $0x9FFFFFFF  }
0xc1: {  	(tm) =	ssettm $0x7FFFFFFF  }
tec
execute0_lowered:
.L_overlay_start_1:
0x0: {  	(tag) =	ssettag $0x1  }
0x1: {  	s3 =	rddreg [dreg:$0x0]  }
0x2: {  	s0 =	rddreg [dreg:$0x1];
	s2 =	simm.s32 $0x0  }
0x3: {  	s4 =	srdreg.scid;
	s1 =	stileid.u32;
	s13 =	simm.s32 $0x80  }
0x4: {  	s14 =	simm.s32 $0x400;
	s15 =	simm.s32 $0x8000;
	s16 =	simm.s32 $0x1  }
0x5: {  	s17 =	simm.s32 $0x10000;
	s18 =	simm.s32 $0x2;
	s19 =	simm.s32 $0x18000  }
0x6: {  	s20 =	simm.s32 $0x3;
	[smem:$0x7FF] =	sst s2;
	s4 =	sand.u32 $0x1, s4  }
0x7: {  	s5 =	sshll.u32 s1, $0x8;
	s6 =	sshrl.u32 s1, $0x2;
	_ =	strace $0x8000004A  }
0x8: {  	s7 =	sshll.u32 s4, $0x7;
	s5 =	sand.u32 $0x300, s5;
	s8 =	sshll.u32 s6, $0x15  }
0x9: {  	s6 =	sshll.u32 s6, $0xB;
	s4 =	ssub.s32 $0x2, s4;
	s5 =	sor.u32 s7, s5  }
0xa: {  	v0 =	vimm.f32 $0.0e+00;
	v1 =	vlaneseq.u32;
	v2 =	vimm.f32 $1.000000000e+00;
	s31 =	sshrl.u32 s4, $0x1;
	s7 =	sor.u32 s8, s5;
	s5 =	sor.u32 s6, s5  }
0xb: {  	vm0 =	vmmov $0x1;
	vm1 =	vmmov $0x3;
	vm2 =	vmmov $0x7;
	s12 =	ssub.s32 s4, s31;
	s30 =	sshrl.u32 s7, $0x3;
	s5 =	sshrl.u32 s5, $0x3  }
0xc: {  	vm3 =	vmmov $0xf;
	vm4 =	vmmov $0x1f;
	vm5 =	vmmov $0x3f;
	s12 =	smax.u32 s12, $0x1;
	s10 =	sadd.s32 s30, s3;
	s11 =	sadd.s32 s5, s3  }
0xd: {  	vm6 =	vmmov $0x7f;
	vm7 =	vmmov $0xff;
	vm8 =	vmmov $0x1ff;
	s3 =	sadd.s32 $0x600, s10;
	s4 =	sadd.s32 $0x8600, s10;
	s5 =	sadd.s32 $0x10600, s10  }
0xe: {  	vm9 =	vmmov $0x3ff;
	vm10 =	vmmov $0x7ff;
	vm11 =	vmmov $0xfff;
	s6 =	sadd.s32 $0x18600, s10;
	s7 =	sadd.s32 $0x20600, s10;
	s8 =	sadd.s32 $0x28600, s10  }
0xf: {  	vm12 =	vmmov $0x1fff;
	vm13 =	vmmov $0x3fff;
	vm14 =	vmmov $0x7fff;
	s9 =	sadd.s32 $0x30600, s10;
	s10 =	sadd.s32 $0x38600, s10;
	s11 =	sadd.s32 $0x100600, s11  }
.LBB2_1:
0x10: {  	s21 =	simm.s32 $0x200;
	s22 =	simm.s32 $0x0  }
.LBB2_2:
0x11: {  	p0 =	sne.s32 s21, $0x1FE00;
	[tilespmem:s22+$0x10000] =	vst v0;
	s22 =	smov.u32 s21;
	s21 =	sadd.s32 $0x200, s21  }
.Ltmp0:
0x12: {  	(pc) =	sbr.rel @p0 .LBB2_2-.Ltmp0, $2  }
0x13: {  	_ =	sdelay $0x2  }
0x14: {  	s22 =	sshra.s32 s22, $0x2  }
0x15: {  	[tilespmem:s22+$0x10000] =	vst v0;
	s21 =	simm.s32 $0x0  }
0x16: {  	[tilespmem:s21], [sflag:$0x1] =	stream.strided.gather [hbm4b:s3+s13], $0x8000, s14, s13, $0x38;
	[tilespmem:$0x18100] =	vst v63  }
0x17: {  	_ = 	snop  }
0x18: {  	[tilespmem:s15], [sflag:$0x2] =	stream.strided.gather [hbm4b:s4+s13], $0x8000, s14, s13, $0x38;
	[tilespmem:$0x18100] =	vst v63  }
0x19: {  	_ =	swait.ge [sflag:s16], $0x8000  }
0x1a: {  	[sflag:s16] =	ssyncset.done $0x0  }
0x1b: {  	[sflag:s16] =	ssyncadd.s32 $0xFFFF8000  }
.LBB2_4:
0x1c: {  	s22 =	sshra.s32 s21, $0x2  }
0x1d: {  	v3 =	vld [tilespmem:s22+$0x0];
	_ =	sdelay $0x4  }
0x1e: {  	v3 =	vtrunc.f32 v3  }
0x1f: {  	v3 =	vcvt.f32.s32 v3;
	_ =	sdelay $0x1  }
0x20: {  	v3 =	vshll.u32 v3, $0x7  }
0x21: {  	v3 =	vor.u32 v1, v3;
	_ =	sdelay $0x4  }
0x22: {  	[tilespmem:v3+s17+$0x0] =	vst.idx.add.f32.msk $0xffff, v2  }
0x23: {  	v3 =	vld [tilespmem:s22+$0x10];
	_ =	sdelay $0x4  }
0x24: {  	v3 =	vtrunc.f32 v3  }
0x25: {  	v3 =	vcvt.f32.s32 v3;
	_ =	sdelay $0x1  }
0x26: {  	v3 =	vshll.u32 v3, $0x7  }
0x27: {  	v3 =	vor.u32 v1, v3;
	_ =	sdelay $0x4  }
0x28: {  	[tilespmem:v3+s17+$0x0] =	vst.idx.add.f32.msk $0xffff, v2  }
0x29: {  	v3 =	vld [tilespmem:s22+$0x20];
	_ =	sdelay $0x4  }
0x2a: {  	v3 =	vtrunc.f32 v3  }
0x2b: {  	v3 =	vcvt.f32.s32 v3;
	_ =	sdelay $0x1  }
0x2c: {  	v3 =	vshll.u32 v3, $0x7  }
0x2d: {  	v3 =	vor.u32 v1, v3;
	_ =	sdelay $0x4  }
0x2e: {  	[tilespmem:v3+s17+$0x0] =	vst.idx.add.f32.msk $0xffff, v2  }
0x2f: {  	v3 =	vld [tilespmem:s22+$0x30];
	_ =	sdelay $0x4  }
0x30: {  	v3 =	vtrunc.f32 v3  }
0x31: {  	v3 =	vcvt.f32.s32 v3;
	_ =	sdelay $0x1  }
0x32: {  	v3 =	vshll.u32 v3, $0x7  }
0x33: {  	v3 =	vor.u32 v1, v3;
	_ =	sdelay $0x4  }
0x34: {  	[tilespmem:v3+s17+$0x0] =	vst.idx.add.f32.msk $0xffff, v2  }
0x35: {  	v3 =	vld [tilespmem:s22+$0x40];
	_ =	sdelay $0x4  }
0x36: {  	v3 =	vtrunc.f32 v3  }
0x37: {  	v3 =	vcvt.f32.s32 v3;
	_ =	sdelay $0x1  }
0x38: {  	v3 =	vshll.u32 v3, $0x7  }
0x39: {  	v3 =	vor.u32 v1, v3;
	_ =	sdelay $0x4  }
0x3a: {  	[tilespmem:v3+s17+$0x0] =	vst.idx.add.f32.msk $0xffff, v2  }
0x3b: {  	v3 =	vld [tilespmem:s22+$0x50];
	_ =	sdelay $0x4  }
0x3c: {  	v3 =	vtrunc.f32 v3  }
0x3d: {  	v3 =	vcvt.f32.s32 v3;
	_ =	sdelay $0x1  }
0x3e: {  	v3 =	vshll.u32 v3, $0x7  }
0x3f: {  	v3 =	vor.u32 v1, v3;
	_ =	sdelay $0x4  }
0x40: {  	[tilespmem:v3+s17+$0x0] =	vst.idx.add.f32.msk $0xffff, v2  }
0x41: {  	v3 =	vld [tilespmem:s22+$0x60];
	_ =	sdelay $0x4  }
0x42: {  	v3 =	vtrunc.f32 v3  }
0x43: {  	v3 =	vcvt.f32.s32 v3;
	_ =	sdelay $0x1  }
0x44: {  	v3 =	vshll.u32 v3, $0x7  }
0x45: {  	v3 =	vor.u32 v1, v3;
	_ =	sdelay $0x4  }
0x46: {  	[tilespmem:v3+s17+$0x0] =	vst.idx.add.f32.msk $0xffff, v2  }
0x47: {  	v3 =	vld [tilespmem:s22+$0x70];
	_ =	sdelay $0x4  }
0x48: {  	v3 =	vtrunc.f32 v3  }
0x49: {  	v3 =	vcvt.f32.s32 v3;
	_ =	sdelay $0x1  }
0x4a: {  	v3 =	vshll.u32 v3, $0x7  }
0x4b: {  	v3 =	vor.u32 v1, v3;
	_ =	sdelay $0x4  }
0x4c: {  	[tilespmem:v3+s17+$0x0] =	vst.idx.add.f32.msk $0xffff, v2  }
0x4d: {  	v3 =	vld [tilespmem:s22+$0x80];
	_ =	sdelay $0x4  }
0x4e: {  	v3 =	vtrunc.f32 v3  }
0x4f: {  	v3 =	vcvt.f32.s32 v3;
	_ =	sdelay $0x1  }
0x50: {  	v3 =	vshll.u32 v3, $0x7  }
0x51: {  	v3 =	vor.u32 v1, v3;
	_ =	sdelay $0x4  }
0x52: {  	[tilespmem:v3+s17+$0x0] =	vst.idx.add.f32.msk $0xffff, v2  }
0x53: {  	v3 =	vld [tilespmem:s22+$0x90];
	_ =	sdelay $0x4  }
0x54: {  	v3 =	vtrunc.f32 v3  }
0x55: {  	v3 =	vcvt.f32.s32 v3;
	_ =	sdelay $0x1  }
0x56: {  	v3 =	vshll.u32 v3, $0x7  }
0x57: {  	v3 =	vor.u32 v1, v3;
	_ =	sdelay $0x4  }
0x58: {  	[tilespmem:v3+s17+$0x0] =	vst.idx.add.f32.msk $0xffff, v2  }
0x59: {  	v3 =	vld [tilespmem:s22+$0xA0];
	_ =	sdelay $0x4  }
0x5a: {  	v3 =	vtrunc.f32 v3  }
0x5b: {  	v3 =	vcvt.f32.s32 v3;
	_ =	sdelay $0x1  }
0x5c: {  	v3 =	vshll.u32 v3, $0x7  }
0x5d: {  	v3 =	vor.u32 v1, v3;
	_ =	sdelay $0x4  }
0x5e: {  	[tilespmem:v3+s17+$0x0] =	vst.idx.add.f32.msk $0xffff, v2  }
0x5f: {  	v3 =	vld [tilespmem:s22+$0xB0];
	_ =	sdelay $0x4  }
0x60: {  	v3 =	vtrunc.f32 v3  }
0x61: {  	v3 =	vcvt.f32.s32 v3;
	_ =	sdelay $0x1  }
0x62: {  	v3 =	vshll.u32 v3, $0x7  }
0x63: {  	v3 =	vor.u32 v1, v3;
	_ =	sdelay $0x4  }
0x64: {  	[tilespmem:v3+s17+$0x0] =	vst.idx.add.f32.msk $0xffff, v2  }
0x65: {  	v3 =	vld [tilespmem:s22+$0xC0];
	_ =	sdelay $0x4  }
0x66: {  	v3 =	vtrunc.f32 v3  }
0x67: {  	v3 =	vcvt.f32.s32 v3;
	_ =	sdelay $0x1  }
0x68: {  	v3 =	vshll.u32 v3, $0x7  }
0x69: {  	v3 =	vor.u32 v1, v3;
	_ =	sdelay $0x4  }
0x6a: {  	[tilespmem:v3+s17+$0x0] =	vst.idx.add.f32.msk $0xffff, v2  }
0x6b: {  	v3 =	vld [tilespmem:s22+$0xD0];
	_ =	sdelay $0x4  }
0x6c: {  	v3 =	vtrunc.f32 v3  }
0x6d: {  	v3 =	vcvt.f32.s32 v3;
	_ =	sdelay $0x1  }
0x6e: {  	v3 =	vshll.u32 v3, $0x7  }
0x6f: {  	v3 =	vor.u32 v1, v3;
	_ =	sdelay $0x4  }
0x70: {  	[tilespmem:v3+s17+$0x0] =	vst.idx.add.f32.msk $0xffff, v2  }
0x71: {  	v3 =	vld [tilespmem:s22+$0xE0];
	_ =	sdelay $0x4  }
0x72: {  	v3 =	vtrunc.f32 v3  }
0x73: {  	v3 =	vcvt.f32.s32 v3;
	_ =	sdelay $0x1  }
0x74: {  	v3 =	vshll.u32 v3, $0x7  }
0x75: {  	v3 =	vor.u32 v1, v3;
	_ =	sdelay $0x4  }
0x76: {  	[tilespmem:v3+s17+$0x0] =	vst.idx.add.f32.msk $0xffff, v2  }
0x77: {  	v3 =	vld [tilespmem:s22+$0xF0];
	_ =	sdelay $0x4  }
0x78: {  	v3 =	vtrunc.f32 v3  }
0x79: {  	v3 =	vcvt.f32.s32 v3;
	_ =	sdelay $0x1  }
0x7a: {  	v3 =	vshll.u32 v3, $0x7  }
0x7b: {  	p0 =	sne.s32 s21, $0x1FC00;
	v3 =	vor.u32 v1, v3  }
.Ltmp1:
0x7c: {  	_ = 	snop;
	(pc) =	sbr.rel @p0 .LBB2_4-.Ltmp1, $2  }
0x7d: {  	_ =	sdelay $0x2  }
0x7e: {  	s21 =	sadd.s32 $0x400, s21;
	[tilespmem:v3+s17+$0x0] =	vst.idx.add.f32.msk $0xffff, v2  }
0x7f: {  	s21 =	simm.s32 $0x0  }
0x80: {  	[tilespmem:s21], [sflag:$0x1] =	stream.strided.gather [hbm4b:s5+s13], $0x8000, s14, s13, $0x38;
	[tilespmem:$0x18100] =	vst v63  }
0x81: {  	_ =	swait.ge [sflag:s18], $0x8000  }
0x82: {  	[sflag:s18] =	ssyncset.done $0x0  }
0x83: {  	[sflag:s18] =	ssyncadd.s32 $0xFFFF8000  }
.LBB2_6:
0x84: {  	s22 =	sshra.s32 s21, $0x2  }
0x85: {  	v3 =	vld [tilespmem:s22+$0x8000];
	_ =	sdelay $0x4  }
0x86: {  	v3 =	vtrunc.f32 v3  }
0x87: {  	v3 =	vcvt.f32.s32 v3;
	_ =	sdelay $0x1  }
0x88: {  	v3 =	vshll.u32 v3, $0x7  }
0x89: {  	v3 =	vor.u32 v1, v3;
	_ =	sdelay $0x4  }
0x8a: {  	[tilespmem:v3+s17+$0x0] =	vst.idx.add.f32.msk $0xffff, v2  }
0x8b: {  	v3 =	vld [tilespmem:s22+$0x8010];
	_ =	sdelay $0x4  }
0x8c: {  	v3 =	vtrunc.f32 v3  }
0x8d: {  	v3 =	vcvt.f32.s32 v3;
	_ =	sdelay $0x1  }
0x8e: {  	v3 =	vshll.u32 v3, $0x7  }
0x8f: {  	v3 =	vor.u32 v1, v3;
	_ =	sdelay $0x4  }
0x90: {  	[tilespmem:v3+s17+$0x0] =	vst.idx.add.f32.msk $0xffff, v2  }
0x91: {  	v3 =	vld [tilespmem:s22+$0x8020];
	_ =	sdelay $0x4  }
0x92: {  	v3 =	vtrunc.f32 v3  }
0x93: {  	v3 =	vcvt.f32.s32 v3;
	_ =	sdelay $0x1  }
0x94: {  	v3 =	vshll.u32 v3, $0x7  }
0x95: {  	v3 =	vor.u32 v1, v3;
	_ =	sdelay $0x4  }
0x96: {  	[tilespmem:v3+s17+$0x0] =	vst.idx.add.f32.msk $0xffff, v2  }
0x97: {  	v3 =	vld [tilespmem:s22+$0x8030];
	_ =	sdelay $0x4  }
0x98: {  	v3 =	vtrunc.f32 v3  }
0x99: {  	v3 =	vcvt.f32.s32 v3;
	_ =	sdelay $0x1  }
0x9a: {  	v3 =	vshll.u32 v3, $0x7  }
0x9b: {  	v3 =	vor.u32 v1, v3;
	_ =	sdelay $0x4  }
0x9c: {  	[tilespmem:v3+s17+$0x0] =	vst.idx.add.f32.msk $0xffff, v2  }
0x9d: {  	v3 =	vld [tilespmem:s22+$0x8040];
	_ =	sdelay $0x4  }
0x9e: {  	v3 =	vtrunc.f32 v3  }
0x9f: {  	v3 =	vcvt.f32.s32 v3;
	_ =	sdelay $0x1  }
0xa0: {  	v3 =	vshll.u32 v3, $0x7  }
0xa1: {  	v3 =	vor.u32 v1, v3;
	_ =	sdelay $0x4  }
0xa2: {  	[tilespmem:v3+s17+$0x0] =	vst.idx.add.f32.msk $0xffff, v2  }
0xa3: {  	v3 =	vld [tilespmem:s22+$0x8050];
	_ =	sdelay $0x4  }
0xa4: {  	v3 =	vtrunc.f32 v3  }
0xa5: {  	v3 =	vcvt.f32.s32 v3;
	_ =	sdelay $0x1  }
0xa6: {  	v3 =	vshll.u32 v3, $0x7  }
0xa7: {  	v3 =	vor.u32 v1, v3;
	_ =	sdelay $0x4  }
0xa8: {  	[tilespmem:v3+s17+$0x0] =	vst.idx.add.f32.msk $0xffff, v2  }
0xa9: {  	v3 =	vld [tilespmem:s22+$0x8060];
	_ =	sdelay $0x4  }
0xaa: {  	v3 =	vtrunc.f32 v3  }
0xab: {  	v3 =	vcvt.f32.s32 v3;
	_ =	sdelay $0x1  }
0xac: {  	v3 =	vshll.u32 v3, $0x7  }
0xad: {  	v3 =	vor.u32 v1, v3;
	_ =	sdelay $0x4  }
0xae: {  	[tilespmem:v3+s17+$0x0] =	vst.idx.add.f32.msk $0xffff, v2  }
0xaf: {  	v3 =	vld [tilespmem:s22+$0x8070];
	_ =	sdelay $0x4  }
0xb0: {  	v3 =	vtrunc.f32 v3  }
0xb1: {  	v3 =	vcvt.f32.s32 v3;
	_ =	sdelay $0x1  }
0xb2: {  	v3 =	vshll.u32 v3, $0x7  }
0xb3: {  	v3 =	vor.u32 v1, v3;
	_ =	sdelay $0x4  }
0xb4: {  	[tilespmem:v3+s17+$0x0] =	vst.idx.add.f32.msk $0xffff, v2  }
0xb5: {  	v3 =	vld [tilespmem:s22+$0x8080];
	_ =	sdelay $0x4  }
0xb6: {  	v3 =	vtrunc.f32 v3  }
0xb7: {  	v3 =	vcvt.f32.s32 v3;
	_ =	sdelay $0x1  }
0xb8: {  	v3 =	vshll.u32 v3, $0x7  }
0xb9: {  	v3 =	vor.u32 v1, v3;
	_ =	sdelay $0x4  }
0xba: {  	[tilespmem:v3+s17+$0x0] =	vst.idx.add.f32.msk $0xffff, v2  }
0xbb: {  	v3 =	vld [tilespmem:s22+$0x8090];
	_ =	sdelay $0x4  }
0xbc: {  	v3 =	vtrunc.f32 v3  }
0xbd: {  	v3 =	vcvt.f32.s32 v3;
	_ =	sdelay $0x1  }
0xbe: {  	v3 =	vshll.u32 v3, $0x7  }
0xbf: {  	v3 =	vor.u32 v1, v3;
	_ =	sdelay $0x4  }
0xc0: {  	[tilespmem:v3+s17+$0x0] =	vst.idx.add.f32.msk $0xffff, v2  }
0xc1: {  	v3 =	vld [tilespmem:s22+$0x80A0];
	_ =	sdelay $0x4  }
0xc2: {  	v3 =	vtrunc.f32 v3  }
0xc3: {  	v3 =	vcvt.f32.s32 v3;
	_ =	sdelay $0x1  }
0xc4: {  	v3 =	vshll.u32 v3, $0x7  }
0xc5: {  	v3 =	vor.u32 v1, v3;
	_ =	sdelay $0x4  }
0xc6: {  	[tilespmem:v3+s17+$0x0] =	vst.idx.add.f32.msk $0xffff, v2  }
0xc7: {  	v3 =	vld [tilespmem:s22+$0x80B0];
	_ =	sdelay $0x4  }
0xc8: {  	v3 =	vtrunc.f32 v3  }
0xc9: {  	v3 =	vcvt.f32.s32 v3;
	_ =	sdelay $0x1  }
0xca: {  	v3 =	vshll.u32 v3, $0x7  }
0xcb: {  	v3 =	vor.u32 v1, v3;
	_ =	sdelay $0x4  }
0xcc: {  	[tilespmem:v3+s17+$0x0] =	vst.idx.add.f32.msk $0xffff, v2  }
0xcd: {  	v3 =	vld [tilespmem:s22+$0x80C0];
	_ =	sdelay $0x4  }
0xce: {  	v3 =	vtrunc.f32 v3  }
0xcf: {  	v3 =	vcvt.f32.s32 v3;
	_ =	sdelay $0x1  }
0xd0: {  	v3 =	vshll.u32 v3, $0x7  }
0xd1: {  	v3 =	vor.u32 v1, v3;
	_ =	sdelay $0x4  }
0xd2: {  	[tilespmem:v3+s17+$0x0] =	vst.idx.add.f32.msk $0xffff, v2  }
0xd3: {  	v3 =	vld [tilespmem:s22+$0x80D0];
	_ =	sdelay $0x4  }
0xd4: {  	v3 =	vtrunc.f32 v3  }
0xd5: {  	v3 =	vcvt.f32.s32 v3;
	_ =	sdelay $0x1  }
0xd6: {  	v3 =	vshll.u32 v3, $0x7  }
0xd7: {  	v3 =	vor.u32 v1, v3;
	_ =	sdelay $0x4  }
0xd8: {  	[tilespmem:v3+s17+$0x0] =	vst.idx.add.f32.msk $0xffff, v2  }
0xd9: {  	v3 =	vld [tilespmem:s22+$0x80E0];
	_ =	sdelay $0x4  }
0xda: {  	v3 =	vtrunc.f32 v3  }
0xdb: {  	v3 =	vcvt.f32.s32 v3;
	_ =	sdelay $0x1  }
0xdc: {  	v3 =	vshll.u32 v3, $0x7  }
0xdd: {  	v3 =	vor.u32 v1, v3;
	_ =	sdelay $0x4  }
0xde: {  	[tilespmem:v3+s17+$0x0] =	vst.idx.add.f32.msk $0xffff, v2  }
0xdf: {  	v3 =	vld [tilespmem:s22+$0x80F0];
	_ =	sdelay $0x4  }
0xe0: {  	v3 =	vtrunc.f32 v3  }
0xe1: {  	v3 =	vcvt.f32.s32 v3;
	_ =	sdelay $0x1  }
0xe2: {  	v3 =	vshll.u32 v3, $0x7  }
0xe3: {  	p0 =	sne.s32 s21, $0x1FC00;
	v3 =	vor.u32 v1, v3  }
.Ltmp2:
0xe4: {  	_ = 	snop;
	(pc) =	sbr.rel @p0 .LBB2_6-.Ltmp2, $2  }
0xe5: {  	_ =	sdelay $0x2  }
0xe6: {  	s21 =	sadd.s32 $0x400, s21;
	[tilespmem:v3+s17+$0x0] =	vst.idx.add.f32.msk $0xffff, v2  }
0xe7: {  	[tilespmem:s15], [sflag:$0x2] =	stream.strided.gather [hbm4b:s6+s13], $0x8000, s14, s13, $0x38;
	[tilespmem:$0x18100] =	vst v63  }
0xe8: {  	_ =	swait.ge [sflag:s16], $0x8000  }
0xe9: {  	[sflag:s16] =	ssyncset.done $0x0  }
0xea: {  	s21 =	simm.s32 $0x0;
	[sflag:s16] =	ssyncadd.s32 $0xFFFF8000  }
.LBB2_8:
0xeb: {  	s22 =	sshra.s32 s21, $0x2  }
0xec: {  	v3 =	vld [tilespmem:s22+$0x0];
	_ =	sdelay $0x4  }
0xed: {  	v3 =	vtrunc.f32 v3  }
0xee: {  	v3 =	vcvt.f32.s32 v3;
	_ =	sdelay $0x1  }
0xef: {  	v3 =	vshll.u32 v3, $0x7  }
0xf0: {  	v3 =	vor.u32 v1, v3;
	_ =	sdelay $0x4  }
0xf1: {  	[tilespmem:v3+s17+$0x0] =	vst.idx.add.f32.msk $0xffff, v2  }
0xf2: {  	v3 =	vld [tilespmem:s22+$0x10];
	_ =	sdelay $0x4  }
0xf3: {  	v3 =	vtrunc.f32 v3  }
0xf4: {  	v3 =	vcvt.f32.s32 v3;
	_ =	sdelay $0x1  }
0xf5: {  	v3 =	vshll.u32 v3, $0x7  }
0xf6: {  	v3 =	vor.u32 v1, v3;
	_ =	sdelay $0x4  }
0xf7: {  	[tilespmem:v3+s17+$0x0] =	vst.idx.add.f32.msk $0xffff, v2  }
0xf8: {  	v3 =	vld [tilespmem:s22+$0x20];
	_ =	sdelay $0x4  }
0xf9: {  	v3 =	vtrunc.f32 v3  }
0xfa: {  	v3 =	vcvt.f32.s32 v3;
	_ =	sdelay $0x1  }
0xfb: {  	v3 =	vshll.u32 v3, $0x7  }
0xfc: {  	v3 =	vor.u32 v1, v3;
	_ =	sdelay $0x4  }
0xfd: {  	[tilespmem:v3+s17+$0x0] =	vst.idx.add.f32.msk $0xffff, v2  }
0xfe: {  	v3 =	vld [tilespmem:s22+$0x30];
	_ =	sdelay $0x4  }
0xff: {  	v3 =	vtrunc.f32 v3  }
0x100: {  	v3 =	vcvt.f32.s32 v3;
	_ =	sdelay $0x1  }
0x101: {  	v3 =	vshll.u32 v3, $0x7  }
0x102: {  	v3 =	vor.u32 v1, v3;
	_ =	sdelay $0x4  }
0x103: {  	[tilespmem:v3+s17+$0x0] =	vst.idx.add.f32.msk $0xffff, v2  }
0x104: {  	v3 =	vld [tilespmem:s22+$0x40];
	_ =	sdelay $0x4  }
0x105: {  	v3 =	vtrunc.f32 v3  }
0x106: {  	v3 =	vcvt.f32.s32 v3;
	_ =	sdelay $0x1  }
0x107: {  	v3 =	vshll.u32 v3, $0x7  }
0x108: {  	v3 =	vor.u32 v1, v3;
	_ =	sdelay $0x4  }
0x109: {  	[tilespmem:v3+s17+$0x0] =	vst.idx.add.f32.msk $0xffff, v2  }
0x10a: {  	v3 =	vld [tilespmem:s22+$0x50];
	_ =	sdelay $0x4  }
0x10b: {  	v3 =	vtrunc.f32 v3  }
0x10c: {  	v3 =	vcvt.f32.s32 v3;
	_ =	sdelay $0x1  }
0x10d: {  	v3 =	vshll.u32 v3, $0x7  }
0x10e: {  	v3 =	vor.u32 v1, v3;
	_ =	sdelay $0x4  }
0x10f: {  	[tilespmem:v3+s17+$0x0] =	vst.idx.add.f32.msk $0xffff, v2  }
0x110: {  	v3 =	vld [tilespmem:s22+$0x60];
	_ =	sdelay $0x4  }
0x111: {  	v3 =	vtrunc.f32 v3  }
0x112: {  	v3 =	vcvt.f32.s32 v3;
	_ =	sdelay $0x1  }
0x113: {  	v3 =	vshll.u32 v3, $0x7  }
0x114: {  	v3 =	vor.u32 v1, v3;
	_ =	sdelay $0x4  }
0x115: {  	[tilespmem:v3+s17+$0x0] =	vst.idx.add.f32.msk $0xffff, v2  }
0x116: {  	v3 =	vld [tilespmem:s22+$0x70];
	_ =	sdelay $0x4  }
0x117: {  	v3 =	vtrunc.f32 v3  }
0x118: {  	v3 =	vcvt.f32.s32 v3;
	_ =	sdelay $0x1  }
0x119: {  	v3 =	vshll.u32 v3, $0x7  }
0x11a: {  	v3 =	vor.u32 v1, v3;
	_ =	sdelay $0x4  }
0x11b: {  	[tilespmem:v3+s17+$0x0] =	vst.idx.add.f32.msk $0xffff, v2  }
0x11c: {  	v3 =	vld [tilespmem:s22+$0x80];
	_ =	sdelay $0x4  }
0x11d: {  	v3 =	vtrunc.f32 v3  }
0x11e: {  	v3 =	vcvt.f32.s32 v3;
	_ =	sdelay $0x1  }
0x11f: {  	v3 =	vshll.u32 v3, $0x7  }
0x120: {  	v3 =	vor.u32 v1, v3;
	_ =	sdelay $0x4  }
0x121: {  	[tilespmem:v3+s17+$0x0] =	vst.idx.add.f32.msk $0xffff, v2  }
0x122: {  	v3 =	vld [tilespmem:s22+$0x90];
	_ =	sdelay $0x4  }
0x123: {  	v3 =	vtrunc.f32 v3  }
0x124: {  	v3 =	vcvt.f32.s32 v3;
	_ =	sdelay $0x1  }
0x125: {  	v3 =	vshll.u32 v3, $0x7  }
0x126: {  	v3 =	vor.u32 v1, v3;
	_ =	sdelay $0x4  }
0x127: {  	[tilespmem:v3+s17+$0x0] =	vst.idx.add.f32.msk $0xffff, v2  }
0x128: {  	v3 =	vld [tilespmem:s22+$0xA0];
	_ =	sdelay $0x4  }
0x129: {  	v3 =	vtrunc.f32 v3  }
0x12a: {  	v3 =	vcvt.f32.s32 v3;
	_ =	sdelay $0x1  }
0x12b: {  	v3 =	vshll.u32 v3, $0x7  }
0x12c: {  	v3 =	vor.u32 v1, v3;
	_ =	sdelay $0x4  }
0x12d: {  	[tilespmem:v3+s17+$0x0] =	vst.idx.add.f32.msk $0xffff, v2  }
0x12e: {  	v3 =	vld [tilespmem:s22+$0xB0];
	_ =	sdelay $0x4  }
0x12f: {  	v3 =	vtrunc.f32 v3  }
0x130: {  	v3 =	vcvt.f32.s32 v3;
	_ =	sdelay $0x1  }
0x131: {  	v3 =	vshll.u32 v3, $0x7  }
0x132: {  	v3 =	vor.u32 v1, v3;
	_ =	sdelay $0x4  }
0x133: {  	[tilespmem:v3+s17+$0x0] =	vst.idx.add.f32.msk $0xffff, v2  }
0x134: {  	v3 =	vld [tilespmem:s22+$0xC0];
	_ =	sdelay $0x4  }
0x135: {  	v3 =	vtrunc.f32 v3  }
0x136: {  	v3 =	vcvt.f32.s32 v3;
	_ =	sdelay $0x1  }
0x137: {  	v3 =	vshll.u32 v3, $0x7  }
0x138: {  	v3 =	vor.u32 v1, v3;
	_ =	sdelay $0x4  }
0x139: {  	[tilespmem:v3+s17+$0x0] =	vst.idx.add.f32.msk $0xffff, v2  }
0x13a: {  	v3 =	vld [tilespmem:s22+$0xD0];
	_ =	sdelay $0x4  }
0x13b: {  	v3 =	vtrunc.f32 v3  }
0x13c: {  	v3 =	vcvt.f32.s32 v3;
	_ =	sdelay $0x1  }
0x13d: {  	v3 =	vshll.u32 v3, $0x7  }
0x13e: {  	v3 =	vor.u32 v1, v3;
	_ =	sdelay $0x4  }
0x13f: {  	[tilespmem:v3+s17+$0x0] =	vst.idx.add.f32.msk $0xffff, v2  }
0x140: {  	v3 =	vld [tilespmem:s22+$0xE0];
	_ =	sdelay $0x4  }
0x141: {  	v3 =	vtrunc.f32 v3  }
0x142: {  	v3 =	vcvt.f32.s32 v3;
	_ =	sdelay $0x1  }
0x143: {  	v3 =	vshll.u32 v3, $0x7  }
0x144: {  	v3 =	vor.u32 v1, v3;
	_ =	sdelay $0x4  }
0x145: {  	[tilespmem:v3+s17+$0x0] =	vst.idx.add.f32.msk $0xffff, v2  }
0x146: {  	v3 =	vld [tilespmem:s22+$0xF0];
	_ =	sdelay $0x4  }
0x147: {  	v3 =	vtrunc.f32 v3  }
0x148: {  	v3 =	vcvt.f32.s32 v3;
	_ =	sdelay $0x1  }
0x149: {  	v3 =	vshll.u32 v3, $0x7  }
0x14a: {  	p0 =	sne.s32 s21, $0x1FC00;
	v3 =	vor.u32 v1, v3  }
.Ltmp3:
0x14b: {  	_ = 	snop;
	(pc) =	sbr.rel @p0 .LBB2_8-.Ltmp3, $2  }
0x14c: {  	_ =	sdelay $0x2  }
0x14d: {  	s21 =	sadd.s32 $0x400, s21;
	[tilespmem:v3+s17+$0x0] =	vst.idx.add.f32.msk $0xffff, v2  }
0x14e: {  	s21 =	simm.s32 $0x0  }
0x14f: {  	[tilespmem:s21], [sflag:$0x1] =	stream.strided.gather [hbm4b:s7+s13], $0x8000, s14, s13, $0x38;
	[tilespmem:$0x18100] =	vst v63  }
0x150: {  	_ =	swait.ge [sflag:s18], $0x8000  }
0x151: {  	[sflag:s18] =	ssyncset.done $0x0  }
0x152: {  	[sflag:s18] =	ssyncadd.s32 $0xFFFF8000  }
.LBB2_10:
0x153: {  	s22 =	sshra.s32 s21, $0x2  }
0x154: {  	v3 =	vld [tilespmem:s22+$0x8000];
	_ =	sdelay $0x4  }
0x155: {  	v3 =	vtrunc.f32 v3  }
0x156: {  	v3 =	vcvt.f32.s32 v3;
	_ =	sdelay $0x1  }
0x157: {  	v3 =	vshll.u32 v3, $0x7  }
0x158: {  	v3 =	vor.u32 v1, v3;
	_ =	sdelay $0x4  }
0x159: {  	[tilespmem:v3+s17+$0x0] =	vst.idx.add.f32.msk $0xffff, v2  }
0x15a: {  	v3 =	vld [tilespmem:s22+$0x8010];
	_ =	sdelay $0x4  }
0x15b: {  	v3 =	vtrunc.f32 v3  }
0x15c: {  	v3 =	vcvt.f32.s32 v3;
	_ =	sdelay $0x1  }
0x15d: {  	v3 =	vshll.u32 v3, $0x7  }
0x15e: {  	v3 =	vor.u32 v1, v3;
	_ =	sdelay $0x4  }
0x15f: {  	[tilespmem:v3+s17+$0x0] =	vst.idx.add.f32.msk $0xffff, v2  }
0x160: {  	v3 =	vld [tilespmem:s22+$0x8020];
	_ =	sdelay $0x4  }
0x161: {  	v3 =	vtrunc.f32 v3  }
0x162: {  	v3 =	vcvt.f32.s32 v3;
	_ =	sdelay $0x1  }
0x163: {  	v3 =	vshll.u32 v3, $0x7  }
0x164: {  	v3 =	vor.u32 v1, v3;
	_ =	sdelay $0x4  }
0x165: {  	[tilespmem:v3+s17+$0x0] =	vst.idx.add.f32.msk $0xffff, v2  }
0x166: {  	v3 =	vld [tilespmem:s22+$0x8030];
	_ =	sdelay $0x4  }
0x167: {  	v3 =	vtrunc.f32 v3  }
0x168: {  	v3 =	vcvt.f32.s32 v3;
	_ =	sdelay $0x1  }
0x169: {  	v3 =	vshll.u32 v3, $0x7  }
0x16a: {  	v3 =	vor.u32 v1, v3;
	_ =	sdelay $0x4  }
0x16b: {  	[tilespmem:v3+s17+$0x0] =	vst.idx.add.f32.msk $0xffff, v2  }
0x16c: {  	v3 =	vld [tilespmem:s22+$0x8040];
	_ =	sdelay $0x4  }
0x16d: {  	v3 =	vtrunc.f32 v3  }
0x16e: {  	v3 =	vcvt.f32.s32 v3;
	_ =	sdelay $0x1  }
0x16f: {  	v3 =	vshll.u32 v3, $0x7  }
0x170: {  	v3 =	vor.u32 v1, v3;
	_ =	sdelay $0x4  }
0x171: {  	[tilespmem:v3+s17+$0x0] =	vst.idx.add.f32.msk $0xffff, v2  }
0x172: {  	v3 =	vld [tilespmem:s22+$0x8050];
	_ =	sdelay $0x4  }
0x173: {  	v3 =	vtrunc.f32 v3  }
0x174: {  	v3 =	vcvt.f32.s32 v3;
	_ =	sdelay $0x1  }
0x175: {  	v3 =	vshll.u32 v3, $0x7  }
0x176: {  	v3 =	vor.u32 v1, v3;
	_ =	sdelay $0x4  }
0x177: {  	[tilespmem:v3+s17+$0x0] =	vst.idx.add.f32.msk $0xffff, v2  }
0x178: {  	v3 =	vld [tilespmem:s22+$0x8060];
	_ =	sdelay $0x4  }
0x179: {  	v3 =	vtrunc.f32 v3  }
0x17a: {  	v3 =	vcvt.f32.s32 v3;
	_ =	sdelay $0x1  }
0x17b: {  	v3 =	vshll.u32 v3, $0x7  }
0x17c: {  	v3 =	vor.u32 v1, v3;
	_ =	sdelay $0x4  }
0x17d: {  	[tilespmem:v3+s17+$0x0] =	vst.idx.add.f32.msk $0xffff, v2  }
0x17e: {  	v3 =	vld [tilespmem:s22+$0x8070];
	_ =	sdelay $0x4  }
0x17f: {  	v3 =	vtrunc.f32 v3  }
0x180: {  	v3 =	vcvt.f32.s32 v3;
	_ =	sdelay $0x1  }
0x181: {  	v3 =	vshll.u32 v3, $0x7  }
0x182: {  	v3 =	vor.u32 v1, v3;
	_ =	sdelay $0x4  }
0x183: {  	[tilespmem:v3+s17+$0x0] =	vst.idx.add.f32.msk $0xffff, v2  }
0x184: {  	v3 =	vld [tilespmem:s22+$0x8080];
	_ =	sdelay $0x4  }
0x185: {  	v3 =	vtrunc.f32 v3  }
0x186: {  	v3 =	vcvt.f32.s32 v3;
	_ =	sdelay $0x1  }
0x187: {  	v3 =	vshll.u32 v3, $0x7  }
0x188: {  	v3 =	vor.u32 v1, v3;
	_ =	sdelay $0x4  }
0x189: {  	[tilespmem:v3+s17+$0x0] =	vst.idx.add.f32.msk $0xffff, v2  }
0x18a: {  	v3 =	vld [tilespmem:s22+$0x8090];
	_ =	sdelay $0x4  }
0x18b: {  	v3 =	vtrunc.f32 v3  }
0x18c: {  	v3 =	vcvt.f32.s32 v3;
	_ =	sdelay $0x1  }
0x18d: {  	v3 =	vshll.u32 v3, $0x7  }
0x18e: {  	v3 =	vor.u32 v1, v3;
	_ =	sdelay $0x4  }
0x18f: {  	[tilespmem:v3+s17+$0x0] =	vst.idx.add.f32.msk $0xffff, v2  }
0x190: {  	v3 =	vld [tilespmem:s22+$0x80A0];
	_ =	sdelay $0x4  }
0x191: {  	v3 =	vtrunc.f32 v3  }
0x192: {  	v3 =	vcvt.f32.s32 v3;
	_ =	sdelay $0x1  }
0x193: {  	v3 =	vshll.u32 v3, $0x7  }
0x194: {  	v3 =	vor.u32 v1, v3;
	_ =	sdelay $0x4  }
0x195: {  	[tilespmem:v3+s17+$0x0] =	vst.idx.add.f32.msk $0xffff, v2  }
0x196: {  	v3 =	vld [tilespmem:s22+$0x80B0];
	_ =	sdelay $0x4  }
0x197: {  	v3 =	vtrunc.f32 v3  }
0x198: {  	v3 =	vcvt.f32.s32 v3;
	_ =	sdelay $0x1  }
0x199: {  	v3 =	vshll.u32 v3, $0x7  }
0x19a: {  	v3 =	vor.u32 v1, v3;
	_ =	sdelay $0x4  }
0x19b: {  	[tilespmem:v3+s17+$0x0] =	vst.idx.add.f32.msk $0xffff, v2  }
0x19c: {  	v3 =	vld [tilespmem:s22+$0x80C0];
	_ =	sdelay $0x4  }
0x19d: {  	v3 =	vtrunc.f32 v3  }
0x19e: {  	v3 =	vcvt.f32.s32 v3;
	_ =	sdelay $0x1  }
0x19f: {  	v3 =	vshll.u32 v3, $0x7  }
0x1a0: {  	v3 =	vor.u32 v1, v3;
	_ =	sdelay $0x4  }
0x1a1: {  	[tilespmem:v3+s17+$0x0] =	vst.idx.add.f32.msk $0xffff, v2  }
0x1a2: {  	v3 =	vld [tilespmem:s22+$0x80D0];
	_ =	sdelay $0x4  }
0x1a3: {  	v3 =	vtrunc.f32 v3  }
0x1a4: {  	v3 =	vcvt.f32.s32 v3;
	_ =	sdelay $0x1  }
0x1a5: {  	v3 =	vshll.u32 v3, $0x7  }
0x1a6: {  	v3 =	vor.u32 v1, v3;
	_ =	sdelay $0x4  }
0x1a7: {  	[tilespmem:v3+s17+$0x0] =	vst.idx.add.f32.msk $0xffff, v2  }
0x1a8: {  	v3 =	vld [tilespmem:s22+$0x80E0];
	_ =	sdelay $0x4  }
0x1a9: {  	v3 =	vtrunc.f32 v3  }
0x1aa: {  	v3 =	vcvt.f32.s32 v3;
	_ =	sdelay $0x1  }
0x1ab: {  	v3 =	vshll.u32 v3, $0x7  }
0x1ac: {  	v3 =	vor.u32 v1, v3;
	_ =	sdelay $0x4  }
0x1ad: {  	[tilespmem:v3+s17+$0x0] =	vst.idx.add.f32.msk $0xffff, v2  }
0x1ae: {  	v3 =	vld [tilespmem:s22+$0x80F0];
	_ =	sdelay $0x4  }
0x1af: {  	v3 =	vtrunc.f32 v3  }
0x1b0: {  	v3 =	vcvt.f32.s32 v3;
	_ =	sdelay $0x1  }
0x1b1: {  	v3 =	vshll.u32 v3, $0x7  }
0x1b2: {  	p0 =	sne.s32 s21, $0x1FC00;
	v3 =	vor.u32 v1, v3  }
.Ltmp4:
0x1b3: {  	_ = 	snop;
	(pc) =	sbr.rel @p0 .LBB2_10-.Ltmp4, $2  }
0x1b4: {  	_ =	sdelay $0x2  }
0x1b5: {  	s21 =	sadd.s32 $0x400, s21;
	[tilespmem:v3+s17+$0x0] =	vst.idx.add.f32.msk $0xffff, v2  }
0x1b6: {  	[tilespmem:s15], [sflag:$0x2] =	stream.strided.gather [hbm4b:s8+s13], $0x8000, s14, s13, $0x38;
	[tilespmem:$0x18100] =	vst v63  }
0x1b7: {  	_ =	swait.ge [sflag:s16], $0x8000  }
0x1b8: {  	[sflag:s16] =	ssyncset.done $0x0  }
0x1b9: {  	s21 =	simm.s32 $0x0;
	[sflag:s16] =	ssyncadd.s32 $0xFFFF8000  }
.LBB2_12:
0x1ba: {  	s22 =	sshra.s32 s21, $0x2  }
0x1bb: {  	v3 =	vld [tilespmem:s22+$0x0];
	_ =	sdelay $0x4  }
0x1bc: {  	v3 =	vtrunc.f32 v3  }
0x1bd: {  	v3 =	vcvt.f32.s32 v3;
	_ =	sdelay $0x1  }
0x1be: {  	v3 =	vshll.u32 v3, $0x7  }
0x1bf: {  	v3 =	vor.u32 v1, v3;
	_ =	sdelay $0x4  }
0x1c0: {  	[tilespmem:v3+s17+$0x0] =	vst.idx.add.f32.msk $0xffff, v2  }
0x1c1: {  	v3 =	vld [tilespmem:s22+$0x10];
	_ =	sdelay $0x4  }
0x1c2: {  	v3 =	vtrunc.f32 v3  }
0x1c3: {  	v3 =	vcvt.f32.s32 v3;
	_ =	sdelay $0x1  }
0x1c4: {  	v3 =	vshll.u32 v3, $0x7  }
0x1c5: {  	v3 =	vor.u32 v1, v3;
	_ =	sdelay $0x4  }
0x1c6: {  	[tilespmem:v3+s17+$0x0] =	vst.idx.add.f32.msk $0xffff, v2  }
0x1c7: {  	v3 =	vld [tilespmem:s22+$0x20];
	_ =	sdelay $0x4  }
0x1c8: {  	v3 =	vtrunc.f32 v3  }
0x1c9: {  	v3 =	vcvt.f32.s32 v3;
	_ =	sdelay $0x1  }
0x1ca: {  	v3 =	vshll.u32 v3, $0x7  }
0x1cb: {  	v3 =	vor.u32 v1, v3;
	_ =	sdelay $0x4  }
0x1cc: {  	[tilespmem:v3+s17+$0x0] =	vst.idx.add.f32.msk $0xffff, v2  }
0x1cd: {  	v3 =	vld [tilespmem:s22+$0x30];
	_ =	sdelay $0x4  }
0x1ce: {  	v3 =	vtrunc.f32 v3  }
0x1cf: {  	v3 =	vcvt.f32.s32 v3;
	_ =	sdelay $0x1  }
0x1d0: {  	v3 =	vshll.u32 v3, $0x7  }
0x1d1: {  	v3 =	vor.u32 v1, v3;
	_ =	sdelay $0x4  }
0x1d2: {  	[tilespmem:v3+s17+$0x0] =	vst.idx.add.f32.msk $0xffff, v2  }
0x1d3: {  	v3 =	vld [tilespmem:s22+$0x40];
	_ =	sdelay $0x4  }
0x1d4: {  	v3 =	vtrunc.f32 v3  }
0x1d5: {  	v3 =	vcvt.f32.s32 v3;
	_ =	sdelay $0x1  }
0x1d6: {  	v3 =	vshll.u32 v3, $0x7  }
0x1d7: {  	v3 =	vor.u32 v1, v3;
	_ =	sdelay $0x4  }
0x1d8: {  	[tilespmem:v3+s17+$0x0] =	vst.idx.add.f32.msk $0xffff, v2  }
0x1d9: {  	v3 =	vld [tilespmem:s22+$0x50];
	_ =	sdelay $0x4  }
0x1da: {  	v3 =	vtrunc.f32 v3  }
0x1db: {  	v3 =	vcvt.f32.s32 v3;
	_ =	sdelay $0x1  }
0x1dc: {  	v3 =	vshll.u32 v3, $0x7  }
0x1dd: {  	v3 =	vor.u32 v1, v3;
	_ =	sdelay $0x4  }
0x1de: {  	[tilespmem:v3+s17+$0x0] =	vst.idx.add.f32.msk $0xffff, v2  }
0x1df: {  	v3 =	vld [tilespmem:s22+$0x60];
	_ =	sdelay $0x4  }
0x1e0: {  	v3 =	vtrunc.f32 v3  }
0x1e1: {  	v3 =	vcvt.f32.s32 v3;
	_ =	sdelay $0x1  }
0x1e2: {  	v3 =	vshll.u32 v3, $0x7  }
0x1e3: {  	v3 =	vor.u32 v1, v3;
	_ =	sdelay $0x4  }
0x1e4: {  	[tilespmem:v3+s17+$0x0] =	vst.idx.add.f32.msk $0xffff, v2  }
0x1e5: {  	v3 =	vld [tilespmem:s22+$0x70];
	_ =	sdelay $0x4  }
0x1e6: {  	v3 =	vtrunc.f32 v3  }
0x1e7: {  	v3 =	vcvt.f32.s32 v3;
	_ =	sdelay $0x1  }
0x1e8: {  	v3 =	vshll.u32 v3, $0x7  }
0x1e9: {  	v3 =	vor.u32 v1, v3;
	_ =	sdelay $0x4  }
0x1ea: {  	[tilespmem:v3+s17+$0x0] =	vst.idx.add.f32.msk $0xffff, v2  }
0x1eb: {  	v3 =	vld [tilespmem:s22+$0x80];
	_ =	sdelay $0x4  }
0x1ec: {  	v3 =	vtrunc.f32 v3  }
0x1ed: {  	v3 =	vcvt.f32.s32 v3;
	_ =	sdelay $0x1  }
0x1ee: {  	v3 =	vshll.u32 v3, $0x7  }
0x1ef: {  	v3 =	vor.u32 v1, v3;
	_ =	sdelay $0x4  }
0x1f0: {  	[tilespmem:v3+s17+$0x0] =	vst.idx.add.f32.msk $0xffff, v2  }
0x1f1: {  	v3 =	vld [tilespmem:s22+$0x90];
	_ =	sdelay $0x4  }
0x1f2: {  	v3 =	vtrunc.f32 v3  }
0x1f3: {  	v3 =	vcvt.f32.s32 v3;
	_ =	sdelay $0x1  }
0x1f4: {  	v3 =	vshll.u32 v3, $0x7  }
0x1f5: {  	v3 =	vor.u32 v1, v3;
	_ =	sdelay $0x4  }
0x1f6: {  	[tilespmem:v3+s17+$0x0] =	vst.idx.add.f32.msk $0xffff, v2  }
0x1f7: {  	v3 =	vld [tilespmem:s22+$0xA0];
	_ =	sdelay $0x4  }
0x1f8: {  	v3 =	vtrunc.f32 v3  }
0x1f9: {  	v3 =	vcvt.f32.s32 v3;
	_ =	sdelay $0x1  }
0x1fa: {  	v3 =	vshll.u32 v3, $0x7  }
0x1fb: {  	v3 =	vor.u32 v1, v3;
	_ =	sdelay $0x4  }
0x1fc: {  	[tilespmem:v3+s17+$0x0] =	vst.idx.add.f32.msk $0xffff, v2  }
0x1fd: {  	v3 =	vld [tilespmem:s22+$0xB0];
	_ =	sdelay $0x4  }
0x1fe: {  	v3 =	vtrunc.f32 v3  }
0x1ff: {  	v3 =	vcvt.f32.s32 v3;
	_ =	sdelay $0x1  }
0x200: {  	v3 =	vshll.u32 v3, $0x7  }
0x201: {  	v3 =	vor.u32 v1, v3;
	_ =	sdelay $0x4  }
0x202: {  	[tilespmem:v3+s17+$0x0] =	vst.idx.add.f32.msk $0xffff, v2  }
0x203: {  	v3 =	vld [tilespmem:s22+$0xC0];
	_ =	sdelay $0x4  }
0x204: {  	v3 =	vtrunc.f32 v3  }
0x205: {  	v3 =	vcvt.f32.s32 v3;
	_ =	sdelay $0x1  }
0x206: {  	v3 =	vshll.u32 v3, $0x7  }
0x207: {  	v3 =	vor.u32 v1, v3;
	_ =	sdelay $0x4  }
0x208: {  	[tilespmem:v3+s17+$0x0] =	vst.idx.add.f32.msk $0xffff, v2  }
0x209: {  	v3 =	vld [tilespmem:s22+$0xD0];
	_ =	sdelay $0x4  }
0x20a: {  	v3 =	vtrunc.f32 v3  }
0x20b: {  	v3 =	vcvt.f32.s32 v3;
	_ =	sdelay $0x1  }
0x20c: {  	v3 =	vshll.u32 v3, $0x7  }
0x20d: {  	v3 =	vor.u32 v1, v3;
	_ =	sdelay $0x4  }
0x20e: {  	[tilespmem:v3+s17+$0x0] =	vst.idx.add.f32.msk $0xffff, v2  }
0x20f: {  	v3 =	vld [tilespmem:s22+$0xE0];
	_ =	sdelay $0x4  }
0x210: {  	v3 =	vtrunc.f32 v3  }
0x211: {  	v3 =	vcvt.f32.s32 v3;
	_ =	sdelay $0x1  }
0x212: {  	v3 =	vshll.u32 v3, $0x7  }
0x213: {  	v3 =	vor.u32 v1, v3;
	_ =	sdelay $0x4  }
0x214: {  	[tilespmem:v3+s17+$0x0] =	vst.idx.add.f32.msk $0xffff, v2  }
0x215: {  	v3 =	vld [tilespmem:s22+$0xF0];
	_ =	sdelay $0x4  }
0x216: {  	v3 =	vtrunc.f32 v3  }
0x217: {  	v3 =	vcvt.f32.s32 v3;
	_ =	sdelay $0x1  }
0x218: {  	v3 =	vshll.u32 v3, $0x7  }
0x219: {  	p0 =	sne.s32 s21, $0x1FC00;
	v3 =	vor.u32 v1, v3  }
.Ltmp5:
0x21a: {  	_ = 	snop;
	(pc) =	sbr.rel @p0 .LBB2_12-.Ltmp5, $2  }
0x21b: {  	_ =	sdelay $0x2  }
0x21c: {  	s21 =	sadd.s32 $0x400, s21;
	[tilespmem:v3+s17+$0x0] =	vst.idx.add.f32.msk $0xffff, v2  }
0x21d: {  	s21 =	simm.s32 $0x0  }
0x21e: {  	[tilespmem:s21], [sflag:$0x1] =	stream.strided.gather [hbm4b:s9+s13], $0x8000, s14, s13, $0x38;
	[tilespmem:$0x18100] =	vst v63  }
0x21f: {  	_ =	swait.ge [sflag:s18], $0x8000  }
0x220: {  	[sflag:s18] =	ssyncset.done $0x0  }
0x221: {  	[sflag:s18] =	ssyncadd.s32 $0xFFFF8000  }
.LBB2_14:
0x222: {  	s22 =	sshra.s32 s21, $0x2  }
0x223: {  	v3 =	vld [tilespmem:s22+$0x8000];
	_ =	sdelay $0x4  }
0x224: {  	v3 =	vtrunc.f32 v3  }
0x225: {  	v3 =	vcvt.f32.s32 v3;
	_ =	sdelay $0x1  }
0x226: {  	v3 =	vshll.u32 v3, $0x7  }
0x227: {  	v3 =	vor.u32 v1, v3;
	_ =	sdelay $0x4  }
0x228: {  	[tilespmem:v3+s17+$0x0] =	vst.idx.add.f32.msk $0xffff, v2  }
0x229: {  	v3 =	vld [tilespmem:s22+$0x8010];
	_ =	sdelay $0x4  }
0x22a: {  	v3 =	vtrunc.f32 v3  }
0x22b: {  	v3 =	vcvt.f32.s32 v3;
	_ =	sdelay $0x1  }
0x22c: {  	v3 =	vshll.u32 v3, $0x7  }
0x22d: {  	v3 =	vor.u32 v1, v3;
	_ =	sdelay $0x4  }
0x22e: {  	[tilespmem:v3+s17+$0x0] =	vst.idx.add.f32.msk $0xffff, v2  }
0x22f: {  	v3 =	vld [tilespmem:s22+$0x8020];
	_ =	sdelay $0x4  }
0x230: {  	v3 =	vtrunc.f32 v3  }
0x231: {  	v3 =	vcvt.f32.s32 v3;
	_ =	sdelay $0x1  }
0x232: {  	v3 =	vshll.u32 v3, $0x7  }
0x233: {  	v3 =	vor.u32 v1, v3;
	_ =	sdelay $0x4  }
0x234: {  	[tilespmem:v3+s17+$0x0] =	vst.idx.add.f32.msk $0xffff, v2  }
0x235: {  	v3 =	vld [tilespmem:s22+$0x8030];
	_ =	sdelay $0x4  }
0x236: {  	v3 =	vtrunc.f32 v3  }
0x237: {  	v3 =	vcvt.f32.s32 v3;
	_ =	sdelay $0x1  }
0x238: {  	v3 =	vshll.u32 v3, $0x7  }
0x239: {  	v3 =	vor.u32 v1, v3;
	_ =	sdelay $0x4  }
0x23a: {  	[tilespmem:v3+s17+$0x0] =	vst.idx.add.f32.msk $0xffff, v2  }
0x23b: {  	v3 =	vld [tilespmem:s22+$0x8040];
	_ =	sdelay $0x4  }
0x23c: {  	v3 =	vtrunc.f32 v3  }
0x23d: {  	v3 =	vcvt.f32.s32 v3;
	_ =	sdelay $0x1  }
0x23e: {  	v3 =	vshll.u32 v3, $0x7  }
0x23f: {  	v3 =	vor.u32 v1, v3;
	_ =	sdelay $0x4  }
0x240: {  	[tilespmem:v3+s17+$0x0] =	vst.idx.add.f32.msk $0xffff, v2  }
0x241: {  	v3 =	vld [tilespmem:s22+$0x8050];
	_ =	sdelay $0x4  }
0x242: {  	v3 =	vtrunc.f32 v3  }
0x243: {  	v3 =	vcvt.f32.s32 v3;
	_ =	sdelay $0x1  }
0x244: {  	v3 =	vshll.u32 v3, $0x7  }
0x245: {  	v3 =	vor.u32 v1, v3;
	_ =	sdelay $0x4  }
0x246: {  	[tilespmem:v3+s17+$0x0] =	vst.idx.add.f32.msk $0xffff, v2  }
0x247: {  	v3 =	vld [tilespmem:s22+$0x8060];
	_ =	sdelay $0x4  }
0x248: {  	v3 =	vtrunc.f32 v3  }
0x249: {  	v3 =	vcvt.f32.s32 v3;
	_ =	sdelay $0x1  }
0x24a: {  	v3 =	vshll.u32 v3, $0x7  }
0x24b: {  	v3 =	vor.u32 v1, v3;
	_ =	sdelay $0x4  }
0x24c: {  	[tilespmem:v3+s17+$0x0] =	vst.idx.add.f32.msk $0xffff, v2  }
0x24d: {  	v3 =	vld [tilespmem:s22+$0x8070];
	_ =	sdelay $0x4  }
0x24e: {  	v3 =	vtrunc.f32 v3  }
0x24f: {  	v3 =	vcvt.f32.s32 v3;
	_ =	sdelay $0x1  }
0x250: {  	v3 =	vshll.u32 v3, $0x7  }
0x251: {  	v3 =	vor.u32 v1, v3;
	_ =	sdelay $0x4  }
0x252: {  	[tilespmem:v3+s17+$0x0] =	vst.idx.add.f32.msk $0xffff, v2  }
0x253: {  	v3 =	vld [tilespmem:s22+$0x8080];
	_ =	sdelay $0x4  }
0x254: {  	v3 =	vtrunc.f32 v3  }
0x255: {  	v3 =	vcvt.f32.s32 v3;
	_ =	sdelay $0x1  }
0x256: {  	v3 =	vshll.u32 v3, $0x7  }
0x257: {  	v3 =	vor.u32 v1, v3;
	_ =	sdelay $0x4  }
0x258: {  	[tilespmem:v3+s17+$0x0] =	vst.idx.add.f32.msk $0xffff, v2  }
0x259: {  	v3 =	vld [tilespmem:s22+$0x8090];
	_ =	sdelay $0x4  }
0x25a: {  	v3 =	vtrunc.f32 v3  }
0x25b: {  	v3 =	vcvt.f32.s32 v3;
	_ =	sdelay $0x1  }
0x25c: {  	v3 =	vshll.u32 v3, $0x7  }
0x25d: {  	v3 =	vor.u32 v1, v3;
	_ =	sdelay $0x4  }
0x25e: {  	[tilespmem:v3+s17+$0x0] =	vst.idx.add.f32.msk $0xffff, v2  }
0x25f: {  	v3 =	vld [tilespmem:s22+$0x80A0];
	_ =	sdelay $0x4  }
0x260: {  	v3 =	vtrunc.f32 v3  }
0x261: {  	v3 =	vcvt.f32.s32 v3;
	_ =	sdelay $0x1  }
0x262: {  	v3 =	vshll.u32 v3, $0x7  }
0x263: {  	v3 =	vor.u32 v1, v3;
	_ =	sdelay $0x4  }
0x264: {  	[tilespmem:v3+s17+$0x0] =	vst.idx.add.f32.msk $0xffff, v2  }
0x265: {  	v3 =	vld [tilespmem:s22+$0x80B0];
	_ =	sdelay $0x4  }
0x266: {  	v3 =	vtrunc.f32 v3  }
0x267: {  	v3 =	vcvt.f32.s32 v3;
	_ =	sdelay $0x1  }
0x268: {  	v3 =	vshll.u32 v3, $0x7  }
0x269: {  	v3 =	vor.u32 v1, v3;
	_ =	sdelay $0x4  }
0x26a: {  	[tilespmem:v3+s17+$0x0] =	vst.idx.add.f32.msk $0xffff, v2  }
0x26b: {  	v3 =	vld [tilespmem:s22+$0x80C0];
	_ =	sdelay $0x4  }
0x26c: {  	v3 =	vtrunc.f32 v3  }
0x26d: {  	v3 =	vcvt.f32.s32 v3;
	_ =	sdelay $0x1  }
0x26e: {  	v3 =	vshll.u32 v3, $0x7  }
0x26f: {  	v3 =	vor.u32 v1, v3;
	_ =	sdelay $0x4  }
0x270: {  	[tilespmem:v3+s17+$0x0] =	vst.idx.add.f32.msk $0xffff, v2  }
0x271: {  	v3 =	vld [tilespmem:s22+$0x80D0];
	_ =	sdelay $0x4  }
0x272: {  	v3 =	vtrunc.f32 v3  }
0x273: {  	v3 =	vcvt.f32.s32 v3;
	_ =	sdelay $0x1  }
0x274: {  	v3 =	vshll.u32 v3, $0x7  }
0x275: {  	v3 =	vor.u32 v1, v3;
	_ =	sdelay $0x4  }
0x276: {  	[tilespmem:v3+s17+$0x0] =	vst.idx.add.f32.msk $0xffff, v2  }
0x277: {  	v3 =	vld [tilespmem:s22+$0x80E0];
	_ =	sdelay $0x4  }
0x278: {  	v3 =	vtrunc.f32 v3  }
0x279: {  	v3 =	vcvt.f32.s32 v3;
	_ =	sdelay $0x1  }
0x27a: {  	v3 =	vshll.u32 v3, $0x7  }
0x27b: {  	v3 =	vor.u32 v1, v3;
	_ =	sdelay $0x4  }
0x27c: {  	[tilespmem:v3+s17+$0x0] =	vst.idx.add.f32.msk $0xffff, v2  }
0x27d: {  	v3 =	vld [tilespmem:s22+$0x80F0];
	_ =	sdelay $0x4  }
0x27e: {  	v3 =	vtrunc.f32 v3  }
0x27f: {  	v3 =	vcvt.f32.s32 v3;
	_ =	sdelay $0x1  }
0x280: {  	v3 =	vshll.u32 v3, $0x7  }
0x281: {  	p0 =	sne.s32 s21, $0x1FC00;
	v3 =	vor.u32 v1, v3  }
.Ltmp6:
0x282: {  	_ = 	snop;
	(pc) =	sbr.rel @p0 .LBB2_14-.Ltmp6, $2  }
0x283: {  	_ =	sdelay $0x2  }
0x284: {  	s21 =	sadd.s32 $0x400, s21;
	[tilespmem:v3+s17+$0x0] =	vst.idx.add.f32.msk $0xffff, v2  }
0x285: {  	[tilespmem:s15], [sflag:$0x2] =	stream.strided.gather [hbm4b:s10+s13], $0x8000, s14, s13, $0x38;
	[tilespmem:$0x18100] =	vst v63  }
0x286: {  	_ =	swait.ge [sflag:s16], $0x8000  }
0x287: {  	[sflag:s16] =	ssyncset.done $0x0  }
0x288: {  	s21 =	simm.s32 $0x0;
	[sflag:s16] =	ssyncadd.s32 $0xFFFF8000  }
.LBB2_16:
0x289: {  	s22 =	sshra.s32 s21, $0x2  }
0x28a: {  	v3 =	vld [tilespmem:s22+$0x0];
	_ =	sdelay $0x4  }
0x28b: {  	v3 =	vtrunc.f32 v3  }
0x28c: {  	v3 =	vcvt.f32.s32 v3;
	_ =	sdelay $0x1  }
0x28d: {  	v3 =	vshll.u32 v3, $0x7  }
0x28e: {  	v3 =	vor.u32 v1, v3;
	_ =	sdelay $0x4  }
0x28f: {  	[tilespmem:v3+s17+$0x0] =	vst.idx.add.f32.msk $0xffff, v2  }
0x290: {  	v3 =	vld [tilespmem:s22+$0x10];
	_ =	sdelay $0x4  }
0x291: {  	v3 =	vtrunc.f32 v3  }
0x292: {  	v3 =	vcvt.f32.s32 v3;
	_ =	sdelay $0x1  }
0x293: {  	v3 =	vshll.u32 v3, $0x7  }
0x294: {  	v3 =	vor.u32 v1, v3;
	_ =	sdelay $0x4  }
0x295: {  	[tilespmem:v3+s17+$0x0] =	vst.idx.add.f32.msk $0xffff, v2  }
0x296: {  	v3 =	vld [tilespmem:s22+$0x20];
	_ =	sdelay $0x4  }
0x297: {  	v3 =	vtrunc.f32 v3  }
0x298: {  	v3 =	vcvt.f32.s32 v3;
	_ =	sdelay $0x1  }
0x299: {  	v3 =	vshll.u32 v3, $0x7  }
0x29a: {  	v3 =	vor.u32 v1, v3;
	_ =	sdelay $0x4  }
0x29b: {  	[tilespmem:v3+s17+$0x0] =	vst.idx.add.f32.msk $0xffff, v2  }
0x29c: {  	v3 =	vld [tilespmem:s22+$0x30];
	_ =	sdelay $0x4  }
0x29d: {  	v3 =	vtrunc.f32 v3  }
0x29e: {  	v3 =	vcvt.f32.s32 v3;
	_ =	sdelay $0x1  }
0x29f: {  	v3 =	vshll.u32 v3, $0x7  }
0x2a0: {  	v3 =	vor.u32 v1, v3;
	_ =	sdelay $0x4  }
0x2a1: {  	[tilespmem:v3+s17+$0x0] =	vst.idx.add.f32.msk $0xffff, v2  }
0x2a2: {  	v3 =	vld [tilespmem:s22+$0x40];
	_ =	sdelay $0x4  }
0x2a3: {  	v3 =	vtrunc.f32 v3  }
0x2a4: {  	v3 =	vcvt.f32.s32 v3;
	_ =	sdelay $0x1  }
0x2a5: {  	v3 =	vshll.u32 v3, $0x7  }
0x2a6: {  	v3 =	vor.u32 v1, v3;
	_ =	sdelay $0x4  }
0x2a7: {  	[tilespmem:v3+s17+$0x0] =	vst.idx.add.f32.msk $0xffff, v2  }
0x2a8: {  	v3 =	vld [tilespmem:s22+$0x50];
	_ =	sdelay $0x4  }
0x2a9: {  	v3 =	vtrunc.f32 v3  }
0x2aa: {  	v3 =	vcvt.f32.s32 v3;
	_ =	sdelay $0x1  }
0x2ab: {  	v3 =	vshll.u32 v3, $0x7  }
0x2ac: {  	v3 =	vor.u32 v1, v3;
	_ =	sdelay $0x4  }
0x2ad: {  	[tilespmem:v3+s17+$0x0] =	vst.idx.add.f32.msk $0xffff, v2  }
0x2ae: {  	v3 =	vld [tilespmem:s22+$0x60];
	_ =	sdelay $0x4  }
0x2af: {  	v3 =	vtrunc.f32 v3  }
0x2b0: {  	v3 =	vcvt.f32.s32 v3;
	_ =	sdelay $0x1  }
0x2b1: {  	v3 =	vshll.u32 v3, $0x7  }
0x2b2: {  	v3 =	vor.u32 v1, v3;
	_ =	sdelay $0x4  }
0x2b3: {  	[tilespmem:v3+s17+$0x0] =	vst.idx.add.f32.msk $0xffff, v2  }
0x2b4: {  	v3 =	vld [tilespmem:s22+$0x70];
	_ =	sdelay $0x4  }
0x2b5: {  	v3 =	vtrunc.f32 v3  }
0x2b6: {  	v3 =	vcvt.f32.s32 v3;
	_ =	sdelay $0x1  }
0x2b7: {  	v3 =	vshll.u32 v3, $0x7  }
0x2b8: {  	v3 =	vor.u32 v1, v3;
	_ =	sdelay $0x4  }
0x2b9: {  	[tilespmem:v3+s17+$0x0] =	vst.idx.add.f32.msk $0xffff, v2  }
0x2ba: {  	v3 =	vld [tilespmem:s22+$0x80];
	_ =	sdelay $0x4  }
0x2bb: {  	v3 =	vtrunc.f32 v3  }
0x2bc: {  	v3 =	vcvt.f32.s32 v3;
	_ =	sdelay $0x1  }
0x2bd: {  	v3 =	vshll.u32 v3, $0x7  }
0x2be: {  	v3 =	vor.u32 v1, v3;
	_ =	sdelay $0x4  }
0x2bf: {  	[tilespmem:v3+s17+$0x0] =	vst.idx.add.f32.msk $0xffff, v2  }
0x2c0: {  	v3 =	vld [tilespmem:s22+$0x90];
	_ =	sdelay $0x4  }
0x2c1: {  	v3 =	vtrunc.f32 v3  }
0x2c2: {  	v3 =	vcvt.f32.s32 v3;
	_ =	sdelay $0x1  }
0x2c3: {  	v3 =	vshll.u32 v3, $0x7  }
0x2c4: {  	v3 =	vor.u32 v1, v3;
	_ =	sdelay $0x4  }
0x2c5: {  	[tilespmem:v3+s17+$0x0] =	vst.idx.add.f32.msk $0xffff, v2  }
0x2c6: {  	v3 =	vld [tilespmem:s22+$0xA0];
	_ =	sdelay $0x4  }
0x2c7: {  	v3 =	vtrunc.f32 v3  }
0x2c8: {  	v3 =	vcvt.f32.s32 v3;
	_ =	sdelay $0x1  }
0x2c9: {  	v3 =	vshll.u32 v3, $0x7  }
0x2ca: {  	v3 =	vor.u32 v1, v3;
	_ =	sdelay $0x4  }
0x2cb: {  	[tilespmem:v3+s17+$0x0] =	vst.idx.add.f32.msk $0xffff, v2  }
0x2cc: {  	v3 =	vld [tilespmem:s22+$0xB0];
	_ =	sdelay $0x4  }
0x2cd: {  	v3 =	vtrunc.f32 v3  }
0x2ce: {  	v3 =	vcvt.f32.s32 v3;
	_ =	sdelay $0x1  }
0x2cf: {  	v3 =	vshll.u32 v3, $0x7  }
0x2d0: {  	v3 =	vor.u32 v1, v3;
	_ =	sdelay $0x4  }
0x2d1: {  	[tilespmem:v3+s17+$0x0] =	vst.idx.add.f32.msk $0xffff, v2  }
0x2d2: {  	v3 =	vld [tilespmem:s22+$0xC0];
	_ =	sdelay $0x4  }
0x2d3: {  	v3 =	vtrunc.f32 v3  }
0x2d4: {  	v3 =	vcvt.f32.s32 v3;
	_ =	sdelay $0x1  }
0x2d5: {  	v3 =	vshll.u32 v3, $0x7  }
0x2d6: {  	v3 =	vor.u32 v1, v3;
	_ =	sdelay $0x4  }
0x2d7: {  	[tilespmem:v3+s17+$0x0] =	vst.idx.add.f32.msk $0xffff, v2  }
0x2d8: {  	v3 =	vld [tilespmem:s22+$0xD0];
	_ =	sdelay $0x4  }
0x2d9: {  	v3 =	vtrunc.f32 v3  }
0x2da: {  	v3 =	vcvt.f32.s32 v3;
	_ =	sdelay $0x1  }
0x2db: {  	v3 =	vshll.u32 v3, $0x7  }
0x2dc: {  	v3 =	vor.u32 v1, v3;
	_ =	sdelay $0x4  }
0x2dd: {  	[tilespmem:v3+s17+$0x0] =	vst.idx.add.f32.msk $0xffff, v2  }
0x2de: {  	v3 =	vld [tilespmem:s22+$0xE0];
	_ =	sdelay $0x4  }
0x2df: {  	v3 =	vtrunc.f32 v3  }
0x2e0: {  	v3 =	vcvt.f32.s32 v3;
	_ =	sdelay $0x1  }
0x2e1: {  	v3 =	vshll.u32 v3, $0x7  }
0x2e2: {  	v3 =	vor.u32 v1, v3;
	_ =	sdelay $0x4  }
0x2e3: {  	[tilespmem:v3+s17+$0x0] =	vst.idx.add.f32.msk $0xffff, v2  }
0x2e4: {  	v3 =	vld [tilespmem:s22+$0xF0];
	_ =	sdelay $0x4  }
0x2e5: {  	v3 =	vtrunc.f32 v3  }
0x2e6: {  	v3 =	vcvt.f32.s32 v3;
	_ =	sdelay $0x1  }
0x2e7: {  	v3 =	vshll.u32 v3, $0x7  }
0x2e8: {  	p0 =	sne.s32 s21, $0x1FC00;
	v3 =	vor.u32 v1, v3  }
.Ltmp7:
0x2e9: {  	_ = 	snop;
	(pc) =	sbr.rel @p0 .LBB2_16-.Ltmp7, $2  }
0x2ea: {  	_ =	sdelay $0x2  }
0x2eb: {  	s21 =	sadd.s32 $0x400, s21;
	[tilespmem:v3+s17+$0x0] =	vst.idx.add.f32.msk $0xffff, v2  }
0x2ec: {  	_ =	swait.ge [sflag:s18], $0x8000  }
0x2ed: {  	[sflag:s18] =	ssyncset.done $0x0  }
0x2ee: {  	s21 =	simm.s32 $0x0;
	s22 =	simm.s32 $0x0;
	[sflag:s18] =	ssyncadd.s32 $0xFFFF8000  }
.LBB2_18:
0x2ef: {  	s23 =	sshra.s32 s22, $0x2  }
0x2f0: {  	v3 =	vld [tilespmem:s23+$0x8000];
	_ =	sdelay $0x4  }
0x2f1: {  	v3 =	vtrunc.f32 v3  }
0x2f2: {  	v3 =	vcvt.f32.s32 v3;
	_ =	sdelay $0x1  }
0x2f3: {  	v3 =	vshll.u32 v3, $0x7  }
0x2f4: {  	v3 =	vor.u32 v1, v3;
	_ =	sdelay $0x4  }
0x2f5: {  	[tilespmem:v3+s17+$0x0] =	vst.idx.add.f32.msk $0xffff, v2  }
0x2f6: {  	v3 =	vld [tilespmem:s23+$0x8010];
	_ =	sdelay $0x4  }
0x2f7: {  	v3 =	vtrunc.f32 v3  }
0x2f8: {  	v3 =	vcvt.f32.s32 v3;
	_ =	sdelay $0x1  }
0x2f9: {  	v3 =	vshll.u32 v3, $0x7  }
0x2fa: {  	v3 =	vor.u32 v1, v3;
	_ =	sdelay $0x4  }
0x2fb: {  	[tilespmem:v3+s17+$0x0] =	vst.idx.add.f32.msk $0xffff, v2  }
0x2fc: {  	v3 =	vld [tilespmem:s23+$0x8020];
	_ =	sdelay $0x4  }
0x2fd: {  	v3 =	vtrunc.f32 v3  }
0x2fe: {  	v3 =	vcvt.f32.s32 v3;
	_ =	sdelay $0x1  }
0x2ff: {  	v3 =	vshll.u32 v3, $0x7  }
0x300: {  	v3 =	vor.u32 v1, v3;
	_ =	sdelay $0x4  }
0x301: {  	[tilespmem:v3+s17+$0x0] =	vst.idx.add.f32.msk $0xffff, v2  }
0x302: {  	v3 =	vld [tilespmem:s23+$0x8030];
	_ =	sdelay $0x4  }
0x303: {  	v3 =	vtrunc.f32 v3  }
0x304: {  	v3 =	vcvt.f32.s32 v3;
	_ =	sdelay $0x1  }
0x305: {  	v3 =	vshll.u32 v3, $0x7  }
0x306: {  	v3 =	vor.u32 v1, v3;
	_ =	sdelay $0x4  }
0x307: {  	[tilespmem:v3+s17+$0x0] =	vst.idx.add.f32.msk $0xffff, v2  }
0x308: {  	v3 =	vld [tilespmem:s23+$0x8040];
	_ =	sdelay $0x4  }
0x309: {  	v3 =	vtrunc.f32 v3  }
0x30a: {  	v3 =	vcvt.f32.s32 v3;
	_ =	sdelay $0x1  }
0x30b: {  	v3 =	vshll.u32 v3, $0x7  }
0x30c: {  	v3 =	vor.u32 v1, v3;
	_ =	sdelay $0x4  }
0x30d: {  	[tilespmem:v3+s17+$0x0] =	vst.idx.add.f32.msk $0xffff, v2  }
0x30e: {  	v3 =	vld [tilespmem:s23+$0x8050];
	_ =	sdelay $0x4  }
0x30f: {  	v3 =	vtrunc.f32 v3  }
0x310: {  	v3 =	vcvt.f32.s32 v3;
	_ =	sdelay $0x1  }
0x311: {  	v3 =	vshll.u32 v3, $0x7  }
0x312: {  	v3 =	vor.u32 v1, v3;
	_ =	sdelay $0x4  }
0x313: {  	[tilespmem:v3+s17+$0x0] =	vst.idx.add.f32.msk $0xffff, v2  }
0x314: {  	v3 =	vld [tilespmem:s23+$0x8060];
	_ =	sdelay $0x4  }
0x315: {  	v3 =	vtrunc.f32 v3  }
0x316: {  	v3 =	vcvt.f32.s32 v3;
	_ =	sdelay $0x1  }
0x317: {  	v3 =	vshll.u32 v3, $0x7  }
0x318: {  	v3 =	vor.u32 v1, v3;
	_ =	sdelay $0x4  }
0x319: {  	[tilespmem:v3+s17+$0x0] =	vst.idx.add.f32.msk $0xffff, v2  }
0x31a: {  	v3 =	vld [tilespmem:s23+$0x8070];
	_ =	sdelay $0x4  }
0x31b: {  	v3 =	vtrunc.f32 v3  }
0x31c: {  	v3 =	vcvt.f32.s32 v3;
	_ =	sdelay $0x1  }
0x31d: {  	v3 =	vshll.u32 v3, $0x7  }
0x31e: {  	v3 =	vor.u32 v1, v3;
	_ =	sdelay $0x4  }
0x31f: {  	[tilespmem:v3+s17+$0x0] =	vst.idx.add.f32.msk $0xffff, v2  }
0x320: {  	v3 =	vld [tilespmem:s23+$0x8080];
	_ =	sdelay $0x4  }
0x321: {  	v3 =	vtrunc.f32 v3  }
0x322: {  	v3 =	vcvt.f32.s32 v3;
	_ =	sdelay $0x1  }
0x323: {  	v3 =	vshll.u32 v3, $0x7  }
0x324: {  	v3 =	vor.u32 v1, v3;
	_ =	sdelay $0x4  }
0x325: {  	[tilespmem:v3+s17+$0x0] =	vst.idx.add.f32.msk $0xffff, v2  }
0x326: {  	v3 =	vld [tilespmem:s23+$0x8090];
	_ =	sdelay $0x4  }
0x327: {  	v3 =	vtrunc.f32 v3  }
0x328: {  	v3 =	vcvt.f32.s32 v3;
	_ =	sdelay $0x1  }
0x329: {  	v3 =	vshll.u32 v3, $0x7  }
0x32a: {  	v3 =	vor.u32 v1, v3;
	_ =	sdelay $0x4  }
0x32b: {  	[tilespmem:v3+s17+$0x0] =	vst.idx.add.f32.msk $0xffff, v2  }
0x32c: {  	v3 =	vld [tilespmem:s23+$0x80A0];
	_ =	sdelay $0x4  }
0x32d: {  	v3 =	vtrunc.f32 v3  }
0x32e: {  	v3 =	vcvt.f32.s32 v3;
	_ =	sdelay $0x1  }
0x32f: {  	v3 =	vshll.u32 v3, $0x7  }
0x330: {  	v3 =	vor.u32 v1, v3;
	_ =	sdelay $0x4  }
0x331: {  	[tilespmem:v3+s17+$0x0] =	vst.idx.add.f32.msk $0xffff, v2  }
0x332: {  	v3 =	vld [tilespmem:s23+$0x80B0];
	_ =	sdelay $0x4  }
0x333: {  	v3 =	vtrunc.f32 v3  }
0x334: {  	v3 =	vcvt.f32.s32 v3;
	_ =	sdelay $0x1  }
0x335: {  	v3 =	vshll.u32 v3, $0x7  }
0x336: {  	v3 =	vor.u32 v1, v3;
	_ =	sdelay $0x4  }
0x337: {  	[tilespmem:v3+s17+$0x0] =	vst.idx.add.f32.msk $0xffff, v2  }
0x338: {  	v3 =	vld [tilespmem:s23+$0x80C0];
	_ =	sdelay $0x4  }
0x339: {  	v3 =	vtrunc.f32 v3  }
0x33a: {  	v3 =	vcvt.f32.s32 v3;
	_ =	sdelay $0x1  }
0x33b: {  	v3 =	vshll.u32 v3, $0x7  }
0x33c: {  	v3 =	vor.u32 v1, v3;
	_ =	sdelay $0x4  }
0x33d: {  	[tilespmem:v3+s17+$0x0] =	vst.idx.add.f32.msk $0xffff, v2  }
0x33e: {  	v3 =	vld [tilespmem:s23+$0x80D0];
	_ =	sdelay $0x4  }
0x33f: {  	v3 =	vtrunc.f32 v3  }
0x340: {  	v3 =	vcvt.f32.s32 v3;
	_ =	sdelay $0x1  }
0x341: {  	v3 =	vshll.u32 v3, $0x7  }
0x342: {  	v3 =	vor.u32 v1, v3;
	_ =	sdelay $0x4  }
0x343: {  	[tilespmem:v3+s17+$0x0] =	vst.idx.add.f32.msk $0xffff, v2  }
0x344: {  	v3 =	vld [tilespmem:s23+$0x80E0];
	_ =	sdelay $0x4  }
0x345: {  	v3 =	vtrunc.f32 v3  }
0x346: {  	v3 =	vcvt.f32.s32 v3;
	_ =	sdelay $0x1  }
0x347: {  	v3 =	vshll.u32 v3, $0x7  }
0x348: {  	v3 =	vor.u32 v1, v3;
	_ =	sdelay $0x4  }
0x349: {  	[tilespmem:v3+s17+$0x0] =	vst.idx.add.f32.msk $0xffff, v2  }
0x34a: {  	v3 =	vld [tilespmem:s23+$0x80F0];
	_ =	sdelay $0x4  }
0x34b: {  	v3 =	vtrunc.f32 v3  }
0x34c: {  	v3 =	vcvt.f32.s32 v3;
	_ =	sdelay $0x1  }
0x34d: {  	v3 =	vshll.u32 v3, $0x7  }
0x34e: {  	p0 =	sne.s32 s22, $0x1FC00;
	v3 =	vor.u32 v1, v3  }
.Ltmp8:
0x34f: {  	_ = 	snop;
	(pc) =	sbr.rel @p0 .LBB2_18-.Ltmp8, $2  }
0x350: {  	_ =	sdelay $0x2  }
0x351: {  	s22 =	sadd.s32 $0x400, s22;
	[tilespmem:v3+s17+$0x0] =	vst.idx.add.f32.msk $0xffff, v2  }
0x352: {  	s22 =	simm.s32 $0x10400  }
.LBB2_20:
0x353: {  	v3 =	vld [tilespmem:s22+$0xFFFFFC00]  }
0x354: {  	v4 =	vld [tilespmem:s22+$0xFFFFFC80]  }
0x355: {  	v5 =	vld [tilespmem:s22+$0xFFFFFD00]  }
0x356: {  	v6 =	vld [tilespmem:s22+$0xFFFFFD80]  }
0x357: {  	v7 =	vld [tilespmem:s22+$0xFFFFFE00]  }
0x358: {  	(xrf2) =	vadd.scan.msk.f32 $0xffff, v3;
	v3 =	vld [tilespmem:s22+$0xFFFFFE80]  }
0x359: {  	v29 =	vld [tilespmem:s22+$0xFFFFFF00];
	(xrf2) =	vadd.scan.msk.f32 $0xffff, v4  }
0x35a: {  	v30 =	vld [tilespmem:s22+$0xFFFFFF80];
	(xrf2) =	vadd.scan.msk.f32 $0xffff, v5  }
0x35b: {  	v31 =	vld [tilespmem:s22+$0x0];
	(xrf2) =	vadd.scan.msk.f32 $0xffff, v6  }
0x35c: {  	v32 =	vld [tilespmem:s22+$0x80];
	(xrf2) =	vadd.scan.msk.f32 $0xffff, v7  }
0x35d: {  	(xrf2) =	vadd.scan.msk.f32 $0xffff, v3;
	v3 =	vld [tilespmem:s22+$0x100]  }
0x35e: {  	v33 =	vld [tilespmem:s22+$0x180];
	(xrf2) =	vadd.scan.msk.f32 $0xffff, v29  }
0x35f: {  	v34 =	vld [tilespmem:s22+$0x200];
	(xrf2) =	vadd.scan.msk.f32 $0xffff, v30  }
0x360: {  	v35 =	vld [tilespmem:s22+$0x280];
	(xrf2) =	vadd.scan.msk.f32 $0xffff, v31  }
0x361: {  	v36 =	vld [tilespmem:s22+$0x300];
	(xrf2) =	vadd.scan.msk.f32 $0xffff, v32  }
0x362: {  	v8, _, _ =	vpop (xrf2);
	(xrf2) =	vadd.scan.msk.f32 $0xffff, v3  }
0x363: {  	v3, _, _ =	vpop (xrf2);
	(xrf2) =	vadd.scan.msk.f32 $0xffff, v33  }
0x364: {  	v39 =	vld [tilespmem:s22+$0x380];
	v37 =	vbroadcast v8, $0xF;
	v3 =	vbroadcast v3, $0xF;
	v38, _, _ =	vpop (xrf2);
	(xrf2) =	vadd.scan.msk.f32 $0xffff, v34  }
0x365: {  	v9, _, _ =	vpop (xrf2);
	(xrf2) =	vadd.scan.msk.f32 $0xffff, v35;
	v40 =	vbroadcast v38, $0xF  }
0x366: {  	v3 =	vsel vm0, v37, v3;
	v41 =	vbroadcast v9, $0xF;
	v42, _, _ =	vpop (xrf2);
	(xrf2) =	vadd.scan.msk.f32 $0xffff, v36  }
0x367: {  	v43, _, _ =	vpop (xrf2);
	v3 =	vsel vm1, v3, v40;
	v44 =	vbroadcast v42, $0xF  }
0x368: {  	v45, _, _ =	vpop (xrf2);
	v3 =	vsel vm2, v3, v41;
	v46 =	vbroadcast v43, $0xF  }
0x369: {  	(xrf2) =	vadd.scan.msk.f32 $0xffff, v39;
	v3 =	vsel vm3, v3, v44;
	v47 =	vbroadcast v45, $0xF;
	v48, _, _ =	vpop (xrf2)  }
0x36a: {  	v49, _, _ =	vpop (xrf2);
	v3 =	vsel vm4, v3, v46;
	v50 =	vbroadcast v48, $0xF  }
0x36b: {  	v51, _, _ =	vpop (xrf2);
	v3 =	vsel vm5, v3, v47;
	v5 =	vbroadcast v49, $0xF  }
0x36c: {  	v52, _, _ =	vpop (xrf2);
	v3 =	vsel vm6, v3, v50;
	v53 =	vbroadcast v51, $0xF  }
0x36d: {  	v54, _, _ =	vpop (xrf2);
	v3 =	vsel vm7, v3, v5;
	v55 =	vbroadcast v52, $0xF  }
0x36e: {  	v56, _, _ =	vpop (xrf2);
	v3 =	vsel vm8, v3, v53;
	v57 =	vbroadcast v54, $0xF  }
0x36f: {  	v58, _, _ =	vpop (xrf2);
	v3 =	vsel vm9, v3, v55;
	v59 =	vbroadcast v56, $0xF  }
0x370: {  	p0 =	sne.s32 s21, $0x3C0;
	v60, _, _ =	vpop (xrf2);
	v3 =	vsel vm10, v3, v57;
	v61 =	vbroadcast v58, $0xF  }
.Ltmp9:
0x371: {  	v3 =	vsel vm11, v3, v59;
	v62 =	vbroadcast v60, $0xF;
	(pc) =	sbr.rel @p0 .LBB2_20-.Ltmp9, $4  }
0x372: {  	v3 =	vsel vm12, v3, v61  }
0x373: {  	v63, _, _ =	vpop (xrf2);
	v3 =	vsel vm13, v3, v62  }
0x374: {  	s23 =	sshra.s32 s21, $0x2;
	v3 =	vsel vm14, v3, v63  }
0x375: {  	s21 =	sadd.s32 $0x40, s21;
	s22 =	sadd.s32 $0x800, s22;
	[tilespmem:s23+$0x18000] =	vst v3  }
0x376: {  	s2 =	sadd.s32 $0x1, s2  }
0x377: {  	p0 =	sne.s32 s2, s12  }
.Ltmp10:
0x378: {  	_ = 	snop;
	(pc) =	sbr.rel @p0 .LBB2_1-.Ltmp10, $4  }
0x379: {  	[hbm4b:s11+s13] =	stream.strided.scatter [tilespmem:s19], [sflag:$0x3], $0x100, s14, s13, $0x38;
	[tilespmem:$0x18100] =	vst v63  }
0x37a: {  	_ =	swait.ge [sflag:s20], $0x100  }
0x37b: {  	[sflag:s20] =	ssyncset.done $0x0  }
0x37c: {  	[sflag:s20] =	ssyncadd.s32 $0xFFFFFF00  }
0x37d: {  	_ =	sfence.sel $0x180000  }
0x37e: {  	[bflag:$0x0] =	sbarrier.arrive $0xFFFF  }
0x37f: {  	p0 =	sne.s32 s1, $0x0;
	_ =	strace $0x9000004A  }
0x380: {  	s0 =	sadd.s32 @!p0 $0x100000, s0;
	[bflag:$0x2] =	sbarrier.arrive $0xFFFF  }
0x381: {  	[sflag:s0] =	ssyncadd.tile.s32 @!p0 $0x1;
	_ =	shalt  }
.Lfunc_end2:
_tile_overlayer_lowered:
.L_overlay_start_2:
0x382: {  	(tag) =	ssettag $0x2  }
0x383: {  	s0 =	rddreg [dreg:$0x0];
	s2 =	stileid.u32  }
0x384: {  	s1 =	rddreg [dreg:$0x1];
	p0 =	sne.s32 s2, $0x0  }
0x385: {  	s3 =	rddreg [dreg:$0x2];
	[bflag:$0x3] =	sbarrier.arrive $0xFFFF;
	s2 =	simm.s32 @!p0 $0x1C03  }
0x386: {  	[timem:s3], [sflag:s2] =	dma.local @!p0 [hbm:s0], s1  }
0x387: {  	s0 =	simm.s32 @!p0 $0x3  }
0x388: {  	_ =	swait.ge @!p0 [sflag:s0], s1  }
0x389: {  	s1 =	ssub.s32 @!p0 $0x0, s1;
	[sflag:s0] =	ssyncset.done @!p0 $0x0  }
0x38a: {  	[sflag:s0] =	ssyncadd.s32 @!p0 s1  }
0x38b: {  	[bflag:$0x3] =	sbarrier.arrive $0xFFFF  }
0x38c: {  	_ =	shalt  }

// kernel: sparse-core-data-format-call.cloned.1.call-start
scs
called_computation_lowered:
.L_overlay_start_0:
0x0: {  	s2 =	sld [smem:$0x3FD9]  }
0x1: {  	s3 =	sld [smem:$0x3FFE];
	_ =	sdelay $0x1  }
0x2: {  	s1 =	srdreg.scid  }
0x3: {  	s0 =	sand.u32 $0x1, s1  }
0x4: {  	s18 =	sshll.u32 s0, $0xA;
	s2 =	sadd.s32 s3, s2  }
0x5: {  	s2 =	sadd.s32 s2, s18  }
0x6: {  	[smem:$0x3FC7] =	sst s2  }
0x7: {  	_ = 	snop  }
0x8: {  	s2 =	sld [smem:$0x3FC9];
	(tm) =	ssettm $0x1  }
0x9: {  	s19 =	sld [smem:$0x3FFB];
	_ =	sdelay $0x3  }
0xa: {  	_ =	strace s19  }
0xb: {  	s3 =	sld [smem:$0x3FFC];
	_ =	sdelay $0x3  }
0xc: {  	_ =	strace s3  }
0xd: {  	s3 =	sld [smem:$0x3FFD];
	_ =	sdelay $0x3  }
0xe: {  	_ =	strace s3  }
0xf: {  	_ =	strace $0x8FFFFFFF  }
0x10: {  	s20 =	sld [smem:$0x3FDB];
	_ =	sdelay $0x1  }
0x11: {  	s4 =	simm.s32 $_scs_section_size  }
0x12: {  	s5 =	simm.s32 $_size__tile_overlayer_lowered;
	s6 =	simm.s32 $_tile_overlayer_lowered  }
0x13: {  	s23 =	simm.s32 $0x1BFF;
	s22 =	sshll.u32 s6, $0x1;
	s3 =	sadd.s32 s4, s20  }
0x14: {  	s7 =	simm.s32 $0x0;
	s21 =	sshll.u32 s5, $0x1;
	s5 =	sadd.s32 s22, s3  }
0x15: {  	[timem:s7], [sflag:s23] =	dma.local [hbm:s5], s21  }
0x16: {  	_ =	swait.ge [sflag:s23], s21  }
0x17: {  	s4 =	ssub.s32 $0x0, s21;
	[sflag:s23] =	ssyncset.done $0x0  }
0x18: {  	[sflag:s23] =	ssyncadd.s32 s4;
	_ =	sdelay $0x1  }
0x19: {  	s24 =	simm.s32 $0x1B8B  }
0x1a: {  	_ =	swait.ge [sflag:s24], $0x1  }
0x1b: {  	[sflag:s24] =	ssyncset.done $0x0  }
0x1c: {  	s26 =	simm.s32 $0x1B8E;
	s25 =	sld [smem:$0x3FFE];
	[sflag:s24] =	ssyncadd.s32 $0xFFFFFFFF  }
0x1d: {  	s27 =	simm.s32 $execute0_lowered;
	[smem:$0x3FD2] =	sst s26  }
0x1e: {  	s5 =	sshll.u32 s27, $0x1;
	_ =	strace $0x80000046;
	[dreg:$0x1] =	wrdreg $0xFFFFFFFF  }
0x1f: {  	s28 =	simm.s32 $_size_execute0_lowered;
	s3 =	sadd.s32 s3, s5;
	[dreg:$0x0] =	wrdreg $0x0  }
0x20: {  	s5 =	sshll.u32 s28, $0x1;
	[dreg:$0x2] =	wrdreg s3  }
0x21: {  	[dreg:$0x3] =	wrdreg s5  }
0x22: {  	[dreg:$0x4] =	wrdreg $0xC0  }
0x23: {  	_ =	task [dreg:s7], $0x5FFFF  }
0x24: {  	[dreg:$0x1] =	wrdreg $0xFFFFFFFF  }
0x25: {  	[dreg:$0x0] =	wrdreg $0x60  }
0x26: {  	[dreg:$0x2] =	wrdreg s2  }
0x27: {  	[dreg:$0x3] =	wrdreg s25  }
0x28: {  	[dreg:$0x4] =	wrdreg $0x9  }
0x29: {  	_ =	task.clear_ibuf [dreg:s7], $0x5FFFF;
	_ =	strace $0x90000046  }
0x2a: {  	s29 =	simm.s32 $0x9;
	_ =	strace $0x80000048  }
0x2b: {  	_ =	swait.ge [sflag:s29], $0x1  }
0x2c: {  	[sflag:s29] =	ssyncadd.s32 $0xFFFFFFFF  }
0x2d: {  	_ =	strace $0x90000048  }
0x2e: {  	_ =	sfence  }
0x2f: {  	s30 =	sld [smem:$0x0];
	_ =	sdelay $0x2  }
0x30: {  	s31 =	sshll.u32 s1, $0xD;
	s1 =	sshrl.u32 s1, $0x2  }
0x31: {  	s3 =	sand.u32 $0x4000, s31;
	s1 =	sadd.s32 s1, s30  }
0x32: {  	s0 =	sor.u32 s3, s0;
	s1 =	sshll.u32 s1, $0x11  }
0x33: {  	s0 =	sor.u32 s1, s0  }
0x34: {  	s0 =	sadd.s32 $0x8F2B, s0  }
0x35: {  	[sflag:s0] =	ssyncadd.remote.s32 $0x1  }
0x36: {  	_ =	sfence.sel $0xFFFF  }
0x37: {  	[dreg:$0x0] =	wrdreg $0xFFFFFFFF;
	(pc) =	sbr.abs _section_cstart, $3  }
0x38: {  	[dreg:$0x1] =	wrdreg $0xFFFFFFFF  }
0x39: {  	_ =	task.clear_ibuf [dreg:s7], $0x2FFFF;
	_ =	strace $0x9FFFFFFF  }
0x3a: {  	(tm) =	ssettm $0x7FFFFFFF  }
0x3b: {  	_ =	shalt  }
tec
execute0_lowered:
.L_overlay_start_1:
0x0: {  	(tag) =	ssettag $0x1  }
0x1: {  	s2 =	rddreg [dreg:$0x0]  }
0x2: {  	s1 =	rddreg [dreg:$0x1]  }
0x3: {  	s0 =	rddreg [dreg:$0x2];
	s4 =	srdreg.scid  }
0x4: {  	_ =	strace $0x80000047;
	s7 =	simm.s32 $0x2;
	s13 =	simm.s32 $0x0  }
0x5: {  	p0 =	por $0x0, $0x0;
	s14 =	simm.s32 $0x0;
	s16 =	simm.s32 $0x0  }
0x6: {  	s15 =	simm.s32 $0x0;
	s9 =	simm.s32 $0x0;
	s10 =	simm.s32 $0x0  }
.Ltmp0:
0x7: {  	s3 =	sadd.s32 $0x600, s1;
	s4 =	sshll.u32 s4, $0x4;
	(pc) =	sbr.rel .LBB1_1-.Ltmp0, $4  }
0x8: {  	s1 =	stileid.u32;
	s5 =	sand.u32 $0x10, s4;
	s4 =	simm.s32 $0x1  }
0x9: {  	s8 =	simm.s32 $0x0;
	s6 =	sor.u32 s1, s5;
	[sflag:s4] =	ssyncpa.u1 $0x0  }
0xa: {  	s5 =	sand.u32 $0x3, s1;
	s6 =	sshrl.u32 s6, $0x2;
	[sflag:s7] =	ssyncpa.u1 $0x0  }
0xb: {  	s7 =	simm.s32 $0x1000;
	s12 =	smov.u32 s5;
	s11 =	smov.u32 s6  }
.LBB1_5:
0xc: {  	s17 =	sadd.s32 $0x80, s9  }
0xd: {  	s13 =	sadd.s32 $0x80, s10;
	s18 =	smov.u32 s10;
	p2 =	sgt.s32 s17, $0x1FF  }
0xe: {  	s18 =	smov.u32 @p2 s13  }
0xf: {  	s19 =	smov.u32 s11;
	s13 =	sadd.s32 $0x8, s11;
	p3 =	sgt.s32 s18, $0x1FF  }
0x10: {  	s19 =	smov.u32 @p3 s13  }
0x11: {  	s20 =	smov.u32 s12;
	s13 =	sadd.s32 $0x4, s12;
	p4 =	sgt.s32 s19, $0x7  }
0x12: {  	p1 =	slt.u32 s8, $0x2;
	s20 =	smov.u32 @p4 s13  }
0x13: {  	s8 =	sadd.s32 $0x1, s8;
	s17 =	simm.s32 @p2 $0x0;
	p2 =	sgt.s32 s20, $0x3  }
0x14: {  	s21 =	simm.s32 @!p1 $0x2;
	s20 =	smov.u32 @p2 s5;
	p2 =	sne.s32 s8, $0x12  }
.Ltmp1:
0x15: {  	s14 =	smov.u32 s10;
	_ =	swait.ge @!p1 [sflag:s21], $0x4000;
	(pc) =	sbr.rel @!p2 .LBB1_6-.Ltmp1, $4  }
0x16: {  	s16 =	smov.u32 s11;
	s15 =	smov.u32 s12;
	[sflag:s21] =	ssyncset.done @!p1 $0x0  }
0x17: {  	p0 =	por !p0, !p0;
	s18 =	simm.s32 @p3 $0x0;
	[sflag:s21] =	ssyncadd.s32 @!p1 $0xFFFFC000  }
0x18: {  	s10 =	smov.u32 s18;
	s19 =	smov.u32 @p4 s6;
	s13 =	smov.u32 s9  }
0x19: {  	s9 =	smov.u32 s17;
	s11 =	smov.u32 s19;
	s12 =	smov.u32 s20  }
.LBB1_1:
0x1a: {  	p1 =	sgt.u32 s8, $0xF  }
0x1b: {  	s17 =	sxor.u32 @!p1 $0xFFFFFFFF, s8;
	s18 =	sand.u32 @!p1 $0x78, s9;
	s19 =	sshll.u32 @!p1 s10, $0x9  }
0x1c: {  	s20 =	sshll.u32 @!p1 s9, $0x3;
	s21 =	sshll.u32 @!p1 s10, $0x7;
	s17 =	sshll.u32 @!p1 s17, $0xE  }
0x1d: {  	s19 =	sand.u32 @!p1 $0x3F000, s19;
	s20 =	sand.u32 @!p1 $0x3FC00, s20;
	s17 =	sand.u32 @!p1 $0x4000, s17  }
0x1e: {  	s19 =	sadd.s32 @!p1 s19, s20;
	s20 =	sand.u32 @!p1 $0x200, s21;
	s21 =	sand.u32 @!p1 $0x180, s21  }
0x1f: {  	s19 =	sor.u32 @!p1 s20, s19;
	s18 =	sor.u32 @!p1 s18, s21;
	s20 =	sshll.u32 @!p1 s12, $0x12  }
0x20: {  	s21 =	sshll.u32 @!p1 s11, $0xF;
	s19 =	sshrl.u32 @!p1 s19, $0x3;
	s20 =	sadd.s32 @!p1 s2, s20  }
0x21: {  	s18 =	sshrl.u32 @!p1 s18, $0x3;
	s20 =	sadd.s32 @!p1 s21, s20;
	s21 =	sand.u32 @!p1 $0x7, s9  }
0x22: {  	s19 =	sand.u32 @!p1 $0x7FC0, s19;
	s18 =	sadd.s32 @!p1 s18, s20;
	s20 =	sshll.u32 @!p1 s21, $0x12  }
0x23: {  	s18 =	sadd.s32 @!p1 s19, s18;
	s19 =	sor.u32 @!p1 $0x400, s20;
	s20 =	simm.s32 @!p1 $0x1000  }
0x24: {  	[tilespmem:s17], [sflag:$0x1] =	stream.strided.gather @!p1 [hbm4b:s18+s19], $0x4000, s20, s19, $0x38;
	[tilespmem:$0x10000] =	vst v63  }
0x25: {  	p1 =	seq.s32 s8, $0x0  }
0x26: {  	p2 =	seq.s32 @!p1 s8, $0x11  }
0x27: {  	p1 =	por p1, p2  }
.Ltmp2:
0x28: {  	_ = 	snop;
	(pc) =	sbr.rel @p1 .LBB1_5-.Ltmp2, $1  }
0x29: {  	_ =	sdelay $0x3  }
0x2a: {  	s17 =	simm.s32 $0x1  }
0x2b: {  	s17 =	simm.s32 @!p0 $0x0  }
0x2c: {  	s17 =	sshll.u32 s17, $0xE  }
0x2d: {  	s18 =	sor.u32 $0x40, s17  }
0x2e: {  	v1 =	vmov s18;
	_ =	sdelay $0x1  }
0x2f: {  	_ =	swait.ge [sflag:s4], $0x4000  }
0x30: {  	[sflag:s4] =	ssyncset.done $0x0  }
0x31: {  	s19 =	simm.s32 $0x0;
	[sflag:s4] =	ssyncadd.s32 $0xFFFFC000  }
0x32: {  	s17 =	sor.u32 $0x8070, s17;
	v7 =	vld.idx.msk [tilespmem:v1+s19+$0x30 ss:$0x1], $0xffff  }
0x33: {  	v0 =	vmov s17;
	v8 =	vld.idx.msk [tilespmem:v1+s19+$0xFFFFFFC0 ss:$0x1], $0xffff  }
0x34: {  	v6 =	vld.idx.msk [tilespmem:v1+s19+$0xFFFFFFD0 ss:$0x1], $0xffff  }
0x35: {  	v4 =	vld.idx.msk [tilespmem:v1+s19+$0xFFFFFFE0 ss:$0x1], $0xffff  }
0x36: {  	v2 =	vld.idx.msk [tilespmem:v1+s19+$0xFFFFFFF0 ss:$0x1], $0xffff  }
0x37: {  	s31 =	sshll.u32 s8, $0xE;
	v3 =	vld.idx.msk [tilespmem:v1+s19+$0x0 ss:$0x1], $0xffff  }
0x38: {  	s17 =	sand.u32 $0x4000, s31;
	v5 =	vld.idx.msk [tilespmem:v1+s19+$0x10 ss:$0x1], $0xffff;
	[tilespmem:v0+s19+$0x0 ss:$0x1] =	vst.idx.msk $0xffff, v7  }
0x39: {  	s20 =	simm.s32 $0x400;
	s18 =	simm.s32 $0x80;
	s17 =	sor.u32 $0x8000, s17;
	[tilespmem:v0+s19+$0xFFFFFF90 ss:$0x1] =	vst.idx.msk $0xffff, v8;
	v7 =	vld.idx.msk [tilespmem:v1+s19+$0x20 ss:$0x1], $0xffff  }
.LBB1_3:
0x3a: {  	p1 =	sne.s32 s20, $0xFE00;
	v8 =	vld.idx.msk [tilespmem:v1+s18+$0x30 ss:$0x1], $0xffff;
	[tilespmem:v0+s19+$0xFFFFFFA0 ss:$0x1] =	vst.idx.msk $0xffff, v6  }
0x3b: {  	v9 =	vld.idx.msk [tilespmem:v1+s18+$0xFFFFFFC0 ss:$0x1], $0xffff;
	[tilespmem:v0+s19+$0xFFFFFFB0 ss:$0x1] =	vst.idx.msk $0xffff, v4  }
0x3c: {  	v6 =	vld.idx.msk [tilespmem:v1+s18+$0xFFFFFFD0 ss:$0x1], $0xffff;
	[tilespmem:v0+s19+$0xFFFFFFC0 ss:$0x1] =	vst.idx.msk $0xffff, v2  }
.Ltmp3:
0x3d: {  	v4 =	vld.idx.msk [tilespmem:v1+s18+$0xFFFFFFE0 ss:$0x1], $0xffff;
	[tilespmem:v0+s19+$0xFFFFFFD0 ss:$0x1] =	vst.idx.msk $0xffff, v3;
	(pc) =	sbr.rel @p1 .LBB1_3-.Ltmp3, $4  }
0x3e: {  	v2 =	vld.idx.msk [tilespmem:v1+s18+$0xFFFFFFF0 ss:$0x1], $0xffff;
	[tilespmem:v0+s19+$0xFFFFFFE0 ss:$0x1] =	vst.idx.msk $0xffff, v5  }
0x3f: {  	v3 =	vld.idx.msk [tilespmem:v1+s18+$0x0 ss:$0x1], $0xffff;
	[tilespmem:v0+s19+$0xFFFFFFF0 ss:$0x1] =	vst.idx.msk $0xffff, v7;
	s19 =	smov.u32 s18  }
0x40: {  	v5 =	vld.idx.msk [tilespmem:v1+s19+$0x10 ss:$0x1], $0xffff;
	[tilespmem:v0+s19+$0x0 ss:$0x1] =	vst.idx.msk $0xffff, v8  }
0x41: {  	s18 =	sshra.s32 s20, $0x2;
	s20 =	sadd.s32 $0x200, s20;
	[tilespmem:v0+s19+$0xFFFFFF90 ss:$0x1] =	vst.idx.msk $0xffff, v9;
	v7 =	vld.idx.msk [tilespmem:v1+s19+$0x20 ss:$0x1], $0xffff  }
0x42: {  	_ =	sdelay $0x3  }
0x43: {  	[tilespmem:v0+s19+$0xFFFFFFA0 ss:$0x1] =	vst.idx.msk $0xffff, v6  }
0x44: {  	v56 =	vld.idx.msk [tilespmem:v1+s18+$0x30 ss:$0x1], $0xffff;
	[tilespmem:v0+s19+$0xFFFFFFB0 ss:$0x1] =	vst.idx.msk $0xffff, v4  }
0x45: {  	v57 =	vld.idx.msk [tilespmem:v1+s18+$0xFFFFFFC0 ss:$0x1], $0xffff;
	[tilespmem:v0+s19+$0xFFFFFFC0 ss:$0x1] =	vst.idx.msk $0xffff, v2  }
0x46: {  	v58 =	vld.idx.msk [tilespmem:v1+s18+$0xFFFFFFD0 ss:$0x1], $0xffff;
	[tilespmem:v0+s19+$0xFFFFFFD0 ss:$0x1] =	vst.idx.msk $0xffff, v3  }
0x47: {  	v59 =	vld.idx.msk [tilespmem:v1+s18+$0xFFFFFFE0 ss:$0x1], $0xffff;
	[tilespmem:v0+s19+$0xFFFFFFE0 ss:$0x1] =	vst.idx.msk $0xffff, v5  }
0x48: {  	v60 =	vld.idx.msk [tilespmem:v1+s18+$0xFFFFFFF0 ss:$0x1], $0xffff;
	[tilespmem:v0+s19+$0xFFFFFFF0 ss:$0x1] =	vst.idx.msk $0xffff, v7  }
0x49: {  	v61 =	vld.idx.msk [tilespmem:v1+s18+$0x0 ss:$0x1], $0xffff;
	[tilespmem:v0+s18+$0x0 ss:$0x1] =	vst.idx.msk $0xffff, v56  }
0x4a: {  	v62 =	vld.idx.msk [tilespmem:v1+s18+$0x10 ss:$0x1], $0xffff;
	[tilespmem:v0+s18+$0xFFFFFF90 ss:$0x1] =	vst.idx.msk $0xffff, v57  }
0x4b: {  	s16 =	sshll.u32 s16, $0x7;
	v63 =	vld.idx.msk [tilespmem:v1+s18+$0x20 ss:$0x1], $0xffff;
	s29 =	sand.u32 $0x78, s13;
	s30 =	sshll.u32 s13, $0x3;
	[tilespmem:v0+s18+$0xFFFFFFA0 ss:$0x1] =	vst.idx.msk $0xffff, v58  }
0x4c: {  	s15 =	sshll.u32 s15, $0x12;
	s14 =	sshll.u32 s14, $0x9;
	s16 =	sand.u32 $0x380, s16;
	[tilespmem:v0+s18+$0xFFFFFFB0 ss:$0x1] =	vst.idx.msk $0xffff, v59  }
.Ltmp4:
0x4d: {  	s16 =	sor.u32 s29, s16;
	s19 =	sand.u32 $0xC00, s30;
	[tilespmem:v0+s18+$0xFFFFFFC0 ss:$0x1] =	vst.idx.msk $0xffff, v60;
	(pc) =	sbr.rel .LBB1_5-.Ltmp4, $4  }
0x4e: {  	s31 =	sand.u32 $0x7, s13;
	s15 =	sadd.s32 s3, s15;
	[tilespmem:v0+s18+$0xFFFFFFD0 ss:$0x1] =	vst.idx.msk $0xffff, v61;
	s16 =	sor.u32 s19, s16  }
0x4f: {  	s13 =	sshll.u32 s31, $0x12;
	s14 =	sadd.s32 s14, s15;
	[tilespmem:v0+s18+$0xFFFFFFE0 ss:$0x1] =	vst.idx.msk $0xffff, v62;
	s16 =	sshrl.u32 s16, $0x3  }
0x50: {  	s13 =	sor.u32 $0x80, s13;
	[tilespmem:v0+s18+$0xFFFFFFF0 ss:$0x1] =	vst.idx.msk $0xffff, v63;
	s14 =	sadd.s32 s16, s14  }
0x51: {  	[hbm4b:s14+s13] =	stream.strided.scatter [tilespmem:s17], [sflag:$0x2], $0x4000, s7, s13, $0x38;
	[tilespmem:$0x10000] =	vst v63  }
.LBB1_6:
0x52: {  	_ =	sfence.sel $0x180000  }
0x53: {  	s2 =	simm.s32 $0x1;
	[bflag:$0x0] =	sbarrier.arrive $0xFFFF  }
0x54: {  	s31 =	simm.s32 $0x2;
	[sflag:s2] =	ssyncpa.u1 $0x1  }
0x55: {  	[sflag:s31] =	ssyncpa.u1 $0x1  }
0x56: {  	p0 =	sne.s32 s1, $0x0;
	_ =	strace $0x90000047  }
0x57: {  	s0 =	sadd.s32 @!p0 $0x100000, s0;
	[bflag:$0x2] =	sbarrier.arrive $0xFFFF  }
0x58: {  	[sflag:s0] =	ssyncadd.tile.s32 @!p0 $0x1;
	_ =	shalt  }
.Lfunc_end1:
_tile_overlayer_lowered:
.L_overlay_start_2:
0x59: {  	(tag) =	ssettag $0x2  }
0x5a: {  	s0 =	rddreg [dreg:$0x0];
	s2 =	stileid.u32  }
0x5b: {  	s1 =	rddreg [dreg:$0x1];
	p0 =	sne.s32 s2, $0x0  }
0x5c: {  	s3 =	rddreg [dreg:$0x2];
	[bflag:$0x3] =	sbarrier.arrive $0xFFFF;
	s2 =	simm.s32 @!p0 $0x1C01  }
0x5d: {  	[timem:s3], [sflag:s2] =	dma.local @!p0 [hbm:s0], s1  }
0x5e: {  	s0 =	simm.s32 @!p0 $0x1  }
0x5f: {  	_ =	swait.ge @!p0 [sflag:s0], s1  }
0x60: {  	s1 =	ssub.s32 @!p0 $0x0, s1;
	[sflag:s0] =	ssyncset.done @!p0 $0x0  }
0x61: {  	[sflag:s0] =	ssyncadd.s32 @!p0 s1  }
0x62: {  	[bflag:$0x3] =	sbarrier.arrive $0xFFFF  }
0x63: {  	_ =	shalt  }

</sc_bundles>
